<compile_context>
chip_gen: v7x
topology: tpu7x:2x2x1
jax: 0.10.2.dev20260603
libtpu: 0.0.44.dev20260713+nightly
codegen_flags: <defaults>
</compile_context>

<pallas_src>
import functools

import jax
import jax.numpy as jnp
from jax import lax
from jax.experimental import pallas as pl
from jax.experimental.pallas import tpu as pltpu
from jax.experimental.pallas import tpu_sc as plsc

N_NODES = 10000
D = 128
N_EDGES = 320000

NC = 2
NS = 16
NW = NC * NS

B = 128
DW = 128
NB_W = 80
E_W = NB_W * B
E_PAD = NW * E_W
N_PAD = 10240
ROWS_W = N_PAD // NS

_mesh = plsc.VectorSubcoreMesh(core_axis_name="c", subcore_axis_name="s")


@functools.partial(
    pl.kernel,
    out_type=jax.ShapeDtypeStruct((NC, N_PAD, DW), jnp.float32),
    mesh=_mesh,
    scratch_types=[
        pltpu.VMEM((NB_W, B), jnp.int32),
        pltpu.VMEM((B, DW), jnp.float32),
        pltpu.VMEM_SHARED((N_PAD, DW), jnp.float32),
        [pltpu.SemaphoreType.DMA for _ in range(4)],
    ],
)
def _sc_degree(dst_hbm, ones_hbm, zrow_hbm, deg_out, dst_v, ones_v, deg_sh,
               dsems):
    core = lax.axis_index("c")
    sid = lax.axis_index("s")
    wid = core * NS + sid
    pltpu.sync_copy(zrow_hbm, deg_sh.at[pl.ds(sid * ROWS_W, ROWS_W), :])
    pltpu.sync_copy(ones_hbm, ones_v)
    pltpu.sync_copy(dst_hbm.at[pl.ds(wid * NB_W, NB_W), :], dst_v)
    plsc.subcore_barrier()

    def outer(o, carry):
        for j in range(4):
            b = o * 4 + j

            @pl.when(o > 0)
            def _():
                pltpu.make_async_copy(ones_v, deg_sh.at[dst_v.at[b - 4]],
                                      dsems[j]).wait()

            pltpu.async_copy(ones_v, deg_sh.at[dst_v.at[b]], dsems[j],
                             add=True)
        return carry

    lax.fori_loop(0, NB_W // 4, outer, 0)
    for j in range(4):
        pltpu.make_async_copy(ones_v, deg_sh.at[dst_v.at[NB_W - 4 + j]],
                              dsems[j]).wait()
    plsc.subcore_barrier()
    pltpu.sync_copy(deg_sh.at[pl.ds(sid * ROWS_W, ROWS_W), :],
                    deg_out.at[core, pl.ds(sid * ROWS_W, ROWS_W), :])


NBUF = 2
CH = 4
NPAIR = NB_W // (2 * CH)
SPLIT = 4
RG = B // SPLIT
CROWS = CH * SPLIT


@functools.partial(
    pl.kernel,
    out_type=jax.ShapeDtypeStruct((NC, N_PAD, D), jnp.float32),
    mesh=_mesh,
    scratch_types=[
        pltpu.VMEM((NB_W, B), jnp.int32),
        [pltpu.VMEM((CROWS, RG), jnp.int32) for _ in range(2)],
        [pltpu.VMEM((B, D), jnp.float32) for _ in range(NBUF)],
        pltpu.VMEM_SHARED((N_PAD, D), jnp.float32),
        [pltpu.SemaphoreType.DMA for _ in range(NBUF * SPLIT)],
        [pltpu.SemaphoreType.DMA for _ in range(2)],
    ],
)
def _sc_aggregate(h_hbm, src_hbm, dst_hbm, zrow_hbm, parts_out,
                  dst_v, schunks, bufs, agg_sh, gsems, csems):
    core = lax.axis_index("c")
    sid = lax.axis_index("s")
    wid = core * NS + sid
    base = wid * NB_W
    rbase = base * SPLIT
    pltpu.sync_copy(zrow_hbm, agg_sh.at[pl.ds(sid * ROWS_W, ROWS_W), :])
    pltpu.sync_copy(dst_hbm.at[pl.ds(base, NB_W), :], dst_v)
    pltpu.sync_copy(src_hbm.at[pl.ds(rbase, CROWS), :], schunks[0])
    plsc.subcore_barrier()

    def gathers(k, rr, j):
        for s in range(SPLIT):
            pltpu.async_copy(h_hbm.at[schunks[k].at[SPLIT * rr + s]],
                             bufs[j].at[pl.ds(RG * s, RG), :],
                             gsems[j * SPLIT + s])

    def wait_gathers(j):
        for s in range(SPLIT):
            pltpu.make_async_copy(h_hbm.at[schunks[0].at[0]],
                                  bufs[j].at[pl.ds(RG * s, RG), :],
                                  gsems[j * SPLIT + s]).wait()

    for j in range(NBUF):
        gathers(0, j, j)

    def pair(o, carry):
        b0 = o * 2 * CH
        pltpu.async_copy(
            src_hbm.at[pl.ds(rbase + (b0 + CH) * SPLIT, CROWS), :],
            schunks[1], csems[1])
        for j in range(2 * CH):
            b = b0 + j
            r = j + NBUF
            if r == CH:
                pltpu.make_async_copy(
                    src_hbm.at[pl.ds(rbase + (b0 + CH) * SPLIT, CROWS), :],
                    schunks[1], csems[1]).wait()
            if j == CH:
                @pl.when(b0 + 2 * CH < NB_W)
                def _():
                    pltpu.async_copy(
                        src_hbm.at[pl.ds(rbase + (b0 + 2 * CH) * SPLIT,
                                         CROWS), :],
                        schunks[0], csems[0])
            if r == 2 * CH:
                @pl.when(b0 + 2 * CH < NB_W)
                def _():
                    pltpu.make_async_copy(
                        src_hbm.at[pl.ds(rbase + (b0 + 2 * CH) * SPLIT,
                                         CROWS), :],
                        schunks[0], csems[0]).wait()
            wait_gathers(j % NBUF)
            pltpu.sync_copy(bufs[j % NBUF], agg_sh.at[dst_v.at[b]], add=True)

            @pl.when(b + NBUF < NB_W)
            def _():
                if r < CH:
                    gathers(0, r, j % NBUF)
                elif r < 2 * CH:
                    gathers(1, r - CH, j % NBUF)
                else:
                    gathers(0, r - 2 * CH, j % NBUF)
        return carry

    lax.fori_loop(0, NPAIR, pair, 0)
    plsc.subcore_barrier()
    pltpu.sync_copy(agg_sh.at[pl.ds(sid * ROWS_W, ROWS_W), :],
                    parts_out.at[core, pl.ds(sid * ROWS_W, ROWS_W), :])


_TC_ROWS = 512


def _scale_from_deg(d_ref):
    deg = d_ref[0, :, 0:1] + d_ref[1, :, 0:1]
    return jnp.where(deg > 0.0, lax.rsqrt(deg), 0.0)


def _tc_scale_body(f_ref, d_ref, o_ref):
    o_ref[...] = f_ref[...] * _scale_from_deg(d_ref)


def _tc_combine_body(p_ref, d_ref, o_ref):
    o_ref[...] = (p_ref[0] + p_ref[1]) * _scale_from_deg(d_ref)


_deg_spec = pl.BlockSpec((NC, _TC_ROWS, DW), lambda i: (0, i, 0))

_tc_scale = pl.pallas_call(
    _tc_scale_body,
    grid=(N_PAD // _TC_ROWS,),
    in_specs=[pl.BlockSpec((_TC_ROWS, D), lambda i: (i, 0)), _deg_spec],
    out_specs=pl.BlockSpec((_TC_ROWS, D), lambda i: (i, 0)),
    out_shape=jax.ShapeDtypeStruct((N_PAD, D), jnp.float32),
)

_tc_combine = pl.pallas_call(
    _tc_combine_body,
    grid=(N_PAD // _TC_ROWS,),
    in_specs=[pl.BlockSpec((NC, _TC_ROWS, D), lambda i: (0, i, 0)), _deg_spec],
    out_specs=pl.BlockSpec((_TC_ROWS, D), lambda i: (i, 0)),
    out_shape=jax.ShapeDtypeStruct((N_PAD, D), jnp.float32),
)


def kernel(features, edge_index):
    src = edge_index[0]
    dst = edge_index[1]
    n_extra = E_PAD - N_EDGES
    src2 = jnp.concatenate(
        [src, jnp.zeros((n_extra,), jnp.int32)]).reshape(NW * NB_W * SPLIT, RG)
    dst2 = jnp.concatenate(
        [dst, jnp.full((n_extra,), N_NODES, jnp.int32)]).reshape(NW * NB_W, B)
    fpad = jnp.concatenate(
        [features, jnp.zeros((N_PAD - N_NODES, D), jnp.float32)])

    ones8 = jnp.ones((B, DW), jnp.float32)
    z8 = jnp.zeros((ROWS_W, DW), jnp.float32)
    z128 = jnp.zeros((ROWS_W, D), jnp.float32)

    deg = _sc_degree(dst2, ones8, z8)
    h = _tc_scale(fpad, deg)
    parts = _sc_aggregate(h, src2, dst2, z128)
    out_pad = _tc_combine(parts, deg)
    return out_pad[:N_NODES]

# --- scband reference (transcript-rebuilt; emitter-appended) ---
"""Pipeline reference for scband-gcnkernel-layer-49065706389978 (READ-ONLY COPY).

The authoritative reference and input builder live on the scoring server;
editing this copy changes nothing except your own understanding.
"""

import jax, jax.numpy as jnp
import numpy as np

N_NODES = 10000
N_EDGES = 320000
D_FEAT = 128


def setup_inputs(seed: int = 0) -> dict:
    key = jax.random.key(seed)
    k1, k2 = jax.random.split(key)
    features = jax.random.normal(k1, (N_NODES, D_FEAT), dtype=jnp.float32)
    edge_index = jax.random.randint(k2, (2, N_EDGES), 0, N_NODES, dtype=jnp.int32)
    return {"features": features, "edge_index": edge_index}


def reference(features, edge_index):
    # DGL GCNKernelLayer (residual=False):
    #   degree = in_degrees (number of incoming edges per node)
    #   h = features * deg_inv.sqrt()
    #   update_all(copy_src -> sum): h_new[dst] = sum over edges of h[src]
    #   h_new *= deg_inv.sqrt()
    n = features.shape[0]
    src = edge_index[0]
    dst = edge_index[1]
    # in-degree: count of edges whose destination is each node
    degree = jnp.bincount(dst, length=n).astype(features.dtype)
    degree_inv = jnp.where(degree > 0, 1.0 / degree, jnp.zeros((), dtype=features.dtype))
    scale = jnp.sqrt(degree_inv)[:, None]
    h = features * scale
    # copy_src + sum reduce == scatter-add of h[src] into dst buckets
    msgs = jnp.take(h, src, axis=0)
    agg = jax.ops.segment_sum(msgs, dst, num_segments=n)
    out = agg * scale
    return out

if __name__ == "__main__":
    import jax
    _d = setup_inputs()
    print(jax.jit(kernel)(*tuple(_d.values())))

</pallas_src>

<mosaic_0001>
#map = affine_map<(d0, d1) -> (0, 0)>
#map1 = affine_map<(d0, d1) -> (0, 0, 0)>
module attributes {stable_mosaic.version = 14 : i64} {
  func.func @_sc_degree(%arg0: i32, %arg1: i32, %arg2: memref<2560x128xi32, #tpu.memory_space<hbm>>, %arg3: memref<128x128xf32, #tpu.memory_space<hbm>>, %arg4: memref<640x128xf32, #tpu.memory_space<hbm>>, %arg5: memref<2x10240x128xf32, #tpu.memory_space<hbm>>, %arg6: memref<80x128xi32, #tpu.memory_space<vmem>>, %arg7: memref<128x128xf32, #tpu.memory_space<vmem>>, %arg8: memref<10240x128xf32, #tpu.memory_space<vmem_shared>>, %arg9: memref<!tpu.dma_semaphore, #tpu.memory_space<semaphore_mem>>, %arg10: memref<!tpu.dma_semaphore, #tpu.memory_space<semaphore_mem>>, %arg11: memref<!tpu.dma_semaphore, #tpu.memory_space<semaphore_mem>>, %arg12: memref<!tpu.dma_semaphore, #tpu.memory_space<semaphore_mem>>) attributes {dimension_semantics = [#tpu.dimension_semantics<core_parallel>, #tpu.dimension_semantics<subcore_parallel>], iteration_bounds = array<i64: 2, 16>, scalar_prefetch = 0 : i64, scratch_operands = 7 : i64, tpu.core_type = #tpu.core_type<sc_vector_subcore>, window_params = [{transform_indices = #map}, {transform_indices = #map}, {transform_indices = #map}, {transform_indices = #map1}]} {
    %mul3A = arith.constant 16 : i32
    %mul3A_0 = arith.muli %arg0, %mul3A : i32
    %add3A = arith.addi %mul3A_0, %arg1 : i32
    %mul3A_1 = arith.constant 640 : i32
    %mul3A_2 = arith.muli %arg1, %mul3A_1 : i32
    "tpu.region"() ({
      %run_scoped3A = tpu.sem_alloc : memref<!tpu.dma_semaphore, #tpu.memory_space<semaphore_mem>>
      %dma_start3A = arith.constant 0 : i32
      %dma_start3A_42 = tpu.memref_slice %arg8[%mul3A_2, %dma_start3A] : memref<10240x128xf32, #tpu.memory_space<vmem_shared>> -> memref<640x128xf32, #tpu.memory_space<vmem_shared>>
      tpu.enqueue_dma source(%arg4 : memref<640x128xf32, #tpu.memory_space<hbm>>) target(%dma_start3A_42 : memref<640x128xf32, #tpu.memory_space<vmem_shared>>) target_semaphore(%run_scoped3A : memref<!tpu.dma_semaphore, #tpu.memory_space<semaphore_mem>>)
      %dma_wait3A_43 = arith.constant 0 : i32
      %dma_wait3A_44 = tpu.memref_slice %arg8[%mul3A_2, %dma_wait3A_43] : memref<10240x128xf32, #tpu.memory_space<vmem_shared>> -> memref<640x128xf32, #tpu.memory_space<vmem_shared>>
      tpu.wait_dma2 semaphore(%run_scoped3A : memref<!tpu.dma_semaphore, #tpu.memory_space<semaphore_mem>>) src(%arg4 : memref<640x128xf32, #tpu.memory_space<hbm>>) dst(%dma_wait3A_44 : memref<640x128xf32, #tpu.memory_space<vmem_shared>>)
      tpu.yield
    }) : () -> ()
    "tpu.region"() ({
      %run_scoped3A = tpu.sem_alloc : memref<!tpu.dma_semaphore, #tpu.memory_space<semaphore_mem>>
      tpu.enqueue_dma source(%arg3 : memref<128x128xf32, #tpu.memory_space<hbm>>) target(%arg7 : memref<128x128xf32, #tpu.memory_space<vmem>>) target_semaphore(%run_scoped3A : memref<!tpu.dma_semaphore, #tpu.memory_space<semaphore_mem>>)
      tpu.wait_dma2 semaphore(%run_scoped3A : memref<!tpu.dma_semaphore, #tpu.memory_space<semaphore_mem>>) src(%arg3 : memref<128x128xf32, #tpu.memory_space<hbm>>) dst(%arg7 : memref<128x128xf32, #tpu.memory_space<vmem>>)
      tpu.yield
    }) : () -> ()
    %mul3A_3 = arith.constant 80 : i32
    %mul3A_4 = arith.muli %add3A, %mul3A_3 : i32
    "tpu.region"() ({
      %run_scoped3A = tpu.sem_alloc : memref<!tpu.dma_semaphore, #tpu.memory_space<semaphore_mem>>
      %dma_start3A = arith.constant 0 : i32
      %dma_start3A_42 = tpu.memref_slice %arg2[%mul3A_4, %dma_start3A] : memref<2560x128xi32, #tpu.memory_space<hbm>> -> memref<80x128xi32, #tpu.memory_space<hbm>>
      %dma_start3A_43 = arith.constant 0 : i32
      %dma_start3A_44 = tpu.memref_slice %arg2[%mul3A_4, %dma_start3A_43] : memref<2560x128xi32, #tpu.memory_space<hbm>> -> memref<80x128xi32, #tpu.memory_space<hbm>>
      tpu.enqueue_dma source(%dma_start3A_44 : memref<80x128xi32, #tpu.memory_space<hbm>>) target(%arg6 : memref<80x128xi32, #tpu.memory_space<vmem>>) target_semaphore(%run_scoped3A : memref<!tpu.dma_semaphore, #tpu.memory_space<semaphore_mem>>)
      %dma_wait3A_45 = arith.constant 0 : i32
      %dma_wait3A_46 = tpu.memref_slice %arg2[%mul3A_4, %dma_wait3A_45] : memref<2560x128xi32, #tpu.memory_space<hbm>> -> memref<80x128xi32, #tpu.memory_space<hbm>>
      %dma_wait3A_47 = arith.constant 0 : i32
      %dma_wait3A_48 = tpu.memref_slice %arg2[%mul3A_4, %dma_wait3A_47] : memref<2560x128xi32, #tpu.memory_space<hbm>> -> memref<80x128xi32, #tpu.memory_space<hbm>>
      tpu.wait_dma2 semaphore(%run_scoped3A : memref<!tpu.dma_semaphore, #tpu.memory_space<semaphore_mem>>) src(%dma_wait3A_48 : memref<80x128xi32, #tpu.memory_space<hbm>>) dst(%arg6 : memref<80x128xi32, #tpu.memory_space<vmem>>)
      tpu.yield
    }) : () -> ()
    %barrier3A = arith.constant 0 : index
    tpu.barrier barrier_id(%barrier3A)
    %scan3A = arith.constant 0 : i32
    %scan3A_5 = arith.constant 0 : i32
    %scan3A_6 = arith.constant 20 : i32
    %scan3A_7 = arith.addi %scan3A_5, %scan3A_6 : i32
    %scan3A_8 = arith.constant 1 : i32
    scf.for %scan3A_42 = %scan3A_5 to %scan3A_7 step %scan3A_8  : i32 {
      %mul3A_43 = arith.constant 4 : i32
      %mul3A_44 = arith.muli %scan3A_42, %mul3A_43 : i32
      %add3A_45 = arith.constant 0 : i32
      %add3A_46 = arith.addi %mul3A_44, %add3A_45 : i32
      %gt3A = arith.constant 0 : i32
      %gt3A_47 = arith.cmpi sgt, %scan3A_42, %gt3A : i32
      %convert_element_type3A = arith.extui %gt3A_47 : i1 to i32
      %cond3A = arith.constant 0 : i32
      %cond3A_48 = arith.cmpi ne, %convert_element_type3A, %cond3A : i32
      scf.if %cond3A_48 {
        %sub3A = arith.constant 4 : i32
        %sub3A_99 = arith.subi %add3A_46, %sub3A : i32
        %dma_wait3A_100 = arith.constant 0 : i32
        %dma_wait3A_101 = tpu.memref_slice %arg6[%sub3A_99, %dma_wait3A_100] : memref<80x128xi32, #tpu.memory_space<vmem>> -> memref<1x128xi32, #tpu.memory_space<vmem>>
        %dma_wait3A_102 = tpu.memref_squeeze %dma_wait3A_101 : memref<1x128xi32, #tpu.memory_space<vmem>> -> memref<128xi32, #tpu.memory_space<vmem>>
        %dma_wait3A_103 = arith.constant 0 : i32
        %dma_wait3A_104 = arith.constant 0 : i32
        %dma_wait3A_105 = tpu.memref_slice %arg8[%dma_wait3A_103, %dma_wait3A_104] : memref<10240x128xf32, #tpu.memory_space<vmem_shared>> -> memref<10240x128xf32, #tpu.memory_space<vmem_shared>>
        tpu.wait_indirect_dma semaphore(%arg9 : memref<!tpu.dma_semaphore, #tpu.memory_space<semaphore_mem>>) src(%arg7 : memref<128x128xf32, #tpu.memory_space<vmem>>) dst(%dma_wait3A_105 : memref<10240x128xf32, #tpu.memory_space<vmem_shared>>)
      } else {
      }
      %dma_start3A = arith.constant 0 : i32
      %dma_start3A_49 = tpu.memref_slice %arg6[%add3A_46, %dma_start3A] : memref<80x128xi32, #tpu.memory_space<vmem>> -> memref<1x128xi32, #tpu.memory_space<vmem>>
      %dma_start3A_50 = tpu.memref_squeeze %dma_start3A_49 : memref<1x128xi32, #tpu.memory_space<vmem>> -> memref<128xi32, #tpu.memory_space<vmem>>
      %dma_start3A_51 = arith.constant 0 : i32
      %dma_start3A_52 = arith.constant 0 : i32
      %dma_start3A_53 = tpu.memref_slice %arg8[%dma_start3A_51, %dma_start3A_52] : memref<10240x128xf32, #tpu.memory_space<vmem_shared>> -> memref<10240x128xf32, #tpu.memory_space<vmem_shared>>
      tpu.enqueue_indirect_dma source(%arg7 : memref<128x128xf32, #tpu.memory_space<vmem>>) target(%dma_start3A_53 : memref<10240x128xf32, #tpu.memory_space<vmem_shared>>) offsets(%dma_start3A_50 : memref<128xi32, #tpu.memory_space<vmem>>) semaphore(%arg9 : memref<!tpu.dma_semaphore, #tpu.memory_space<semaphore_mem>>) {add = true}
      %mul3A_54 = arith.constant 4 : i32
      %mul3A_55 = arith.muli %scan3A_42, %mul3A_54 : i32
      %add3A_56 = arith.constant 1 : i32
      %add3A_57 = arith.addi %mul3A_55, %add3A_56 : i32
      %gt3A_58 = arith.constant 0 : i32
      %gt3A_59 = arith.cmpi sgt, %scan3A_42, %gt3A_58 : i32
      %convert_element_type3A_60 = arith.extui %gt3A_59 : i1 to i32
      %cond3A_61 = arith.constant 0 : i32
      %cond3A_62 = arith.cmpi ne, %convert_element_type3A_60, %cond3A_61 : i32
      scf.if %cond3A_62 {
        %sub3A = arith.constant 4 : i32
        %sub3A_99 = arith.subi %add3A_57, %sub3A : i32
        %dma_wait3A_100 = arith.constant 0 : i32
        %dma_wait3A_101 = tpu.memref_slice %arg6[%sub3A_99, %dma_wait3A_100] : memref<80x128xi32, #tpu.memory_space<vmem>> -> memref<1x128xi32, #tpu.memory_space<vmem>>
        %dma_wait3A_102 = tpu.memref_squeeze %dma_wait3A_101 : memref<1x128xi32, #tpu.memory_space<vmem>> -> memref<128xi32, #tpu.memory_space<vmem>>
        %dma_wait3A_103 = arith.constant 0 : i32
        %dma_wait3A_104 = arith.constant 0 : i32
        %dma_wait3A_105 = tpu.memref_slice %arg8[%dma_wait3A_103, %dma_wait3A_104] : memref<10240x128xf32, #tpu.memory_space<vmem_shared>> -> memref<10240x128xf32, #tpu.memory_space<vmem_shared>>
        tpu.wait_indirect_dma semaphore(%arg10 : memref<!tpu.dma_semaphore, #tpu.memory_space<semaphore_mem>>) src(%arg7 : memref<128x128xf32, #tpu.memory_space<vmem>>) dst(%dma_wait3A_105 : memref<10240x128xf32, #tpu.memory_space<vmem_shared>>)
      } else {
      }
      %dma_start3A_63 = arith.constant 0 : i32
      %dma_start3A_64 = tpu.memref_slice %arg6[%add3A_57, %dma_start3A_63] : memref<80x128xi32, #tpu.memory_space<vmem>> -> memref<1x128xi32, #tpu.memory_space<vmem>>
      %dma_start3A_65 = tpu.memref_squeeze %dma_start3A_64 : memref<1x128xi32, #tpu.memory_space<vmem>> -> memref<128xi32, #tpu.memory_space<vmem>>
      %dma_start3A_66 = arith.constant 0 : i32
      %dma_start3A_67 = arith.constant 0 : i32
      %dma_start3A_68 = tpu.memref_slice %arg8[%dma_start3A_66, %dma_start3A_67] : memref<10240x128xf32, #tpu.memory_space<vmem_shared>> -> memref<10240x128xf32, #tpu.memory_space<vmem_shared>>
      tpu.enqueue_indirect_dma source(%arg7 : memref<128x128xf32, #tpu.memory_space<vmem>>) target(%dma_start3A_68 : memref<10240x128xf32, #tpu.memory_space<vmem_shared>>) offsets(%dma_start3A_65 : memref<128xi32, #tpu.memory_space<vmem>>) semaphore(%arg10 : memref<!tpu.dma_semaphore, #tpu.memory_space<semaphore_mem>>) {add = true}
      %mul3A_69 = arith.constant 4 : i32
      %mul3A_70 = arith.muli %scan3A_42, %mul3A_69 : i32
      %add3A_71 = arith.constant 2 : i32
      %add3A_72 = arith.addi %mul3A_70, %add3A_71 : i32
      %gt3A_73 = arith.constant 0 : i32
      %gt3A_74 = arith.cmpi sgt, %scan3A_42, %gt3A_73 : i32
      %convert_element_type3A_75 = arith.extui %gt3A_74 : i1 to i32
      %cond3A_76 = arith.constant 0 : i32
      %cond3A_77 = arith.cmpi ne, %convert_element_type3A_75, %cond3A_76 : i32
      scf.if %cond3A_77 {
        %sub3A = arith.constant 4 : i32
        %sub3A_99 = arith.subi %add3A_72, %sub3A : i32
        %dma_wait3A_100 = arith.constant 0 : i32
        %dma_wait3A_101 = tpu.memref_slice %arg6[%sub3A_99, %dma_wait3A_100] : memref<80x128xi32, #tpu.memory_space<vmem>> -> memref<1x128xi32, #tpu.memory_space<vmem>>
        %dma_wait3A_102 = tpu.memref_squeeze %dma_wait3A_101 : memref<1x128xi32, #tpu.memory_space<vmem>> -> memref<128xi32, #tpu.memory_space<vmem>>
        %dma_wait3A_103 = arith.constant 0 : i32
        %dma_wait3A_104 = arith.constant 0 : i32
        %dma_wait3A_105 = tpu.memref_slice %arg8[%dma_wait3A_103, %dma_wait3A_104] : memref<10240x128xf32, #tpu.memory_space<vmem_shared>> -> memref<10240x128xf32, #tpu.memory_space<vmem_shared>>
        tpu.wait_indirect_dma semaphore(%arg11 : memref<!tpu.dma_semaphore, #tpu.memory_space<semaphore_mem>>) src(%arg7 : memref<128x128xf32, #tpu.memory_space<vmem>>) dst(%dma_wait3A_105 : memref<10240x128xf32, #tpu.memory_space<vmem_shared>>)
      } else {
      }
      %dma_start3A_78 = arith.constant 0 : i32
      %dma_start3A_79 = tpu.memref_slice %arg6[%add3A_72, %dma_start3A_78] : memref<80x128xi32, #tpu.memory_space<vmem>> -> memref<1x128xi32, #tpu.memory_space<vmem>>
      %dma_start3A_80 = tpu.memref_squeeze %dma_start3A_79 : memref<1x128xi32, #tpu.memory_space<vmem>> -> memref<128xi32, #tpu.memory_space<vmem>>
      %dma_start3A_81 = arith.constant 0 : i32
      %dma_start3A_82 = arith.constant 0 : i32
      %dma_start3A_83 = tpu.memref_slice %arg8[%dma_start3A_81, %dma_start3A_82] : memref<10240x128xf32, #tpu.memory_space<vmem_shared>> -> memref<10240x128xf32, #tpu.memory_space<vmem_shared>>
      tpu.enqueue_indirect_dma source(%arg7 : memref<128x128xf32, #tpu.memory_space<vmem>>) target(%dma_start3A_83 : memref<10240x128xf32, #tpu.memory_space<vmem_shared>>) offsets(%dma_start3A_80 : memref<128xi32, #tpu.memory_space<vmem>>) semaphore(%arg11 : memref<!tpu.dma_semaphore, #tpu.memory_space<semaphore_mem>>) {add = true}
      %mul3A_84 = arith.constant 4 : i32
      %mul3A_85 = arith.muli %scan3A_42, %mul3A_84 : i32
      %add3A_86 = arith.constant 3 : i32
      %add3A_87 = arith.addi %mul3A_85, %add3A_86 : i32
      %gt3A_88 = arith.constant 0 : i32
      %gt3A_89 = arith.cmpi sgt, %scan3A_42, %gt3A_88 : i32
      %convert_element_type3A_90 = arith.extui %gt3A_89 : i1 to i32
      %cond3A_91 = arith.constant 0 : i32
      %cond3A_92 = arith.cmpi ne, %convert_element_type3A_90, %cond3A_91 : i32
      scf.if %cond3A_92 {
        %sub3A = arith.constant 4 : i32
        %sub3A_99 = arith.subi %add3A_87, %sub3A : i32
        %dma_wait3A_100 = arith.constant 0 : i32
        %dma_wait3A_101 = tpu.memref_slice %arg6[%sub3A_99, %dma_wait3A_100] : memref<80x128xi32, #tpu.memory_space<vmem>> -> memref<1x128xi32, #tpu.memory_space<vmem>>
        %dma_wait3A_102 = tpu.memref_squeeze %dma_wait3A_101 : memref<1x128xi32, #tpu.memory_space<vmem>> -> memref<128xi32, #tpu.memory_space<vmem>>
        %dma_wait3A_103 = arith.constant 0 : i32
        %dma_wait3A_104 = arith.constant 0 : i32
        %dma_wait3A_105 = tpu.memref_slice %arg8[%dma_wait3A_103, %dma_wait3A_104] : memref<10240x128xf32, #tpu.memory_space<vmem_shared>> -> memref<10240x128xf32, #tpu.memory_space<vmem_shared>>
        tpu.wait_indirect_dma semaphore(%arg12 : memref<!tpu.dma_semaphore, #tpu.memory_space<semaphore_mem>>) src(%arg7 : memref<128x128xf32, #tpu.memory_space<vmem>>) dst(%dma_wait3A_105 : memref<10240x128xf32, #tpu.memory_space<vmem_shared>>)
      } else {
      }
      %dma_start3A_93 = arith.constant 0 : i32
      %dma_start3A_94 = tpu.memref_slice %arg6[%add3A_87, %dma_start3A_93] : memref<80x128xi32, #tpu.memory_space<vmem>> -> memref<1x128xi32, #tpu.memory_space<vmem>>
      %dma_start3A_95 = tpu.memref_squeeze %dma_start3A_94 : memref<1x128xi32, #tpu.memory_space<vmem>> -> memref<128xi32, #tpu.memory_space<vmem>>
      %dma_start3A_96 = arith.constant 0 : i32
      %dma_start3A_97 = arith.constant 0 : i32
      %dma_start3A_98 = tpu.memref_slice %arg8[%dma_start3A_96, %dma_start3A_97] : memref<10240x128xf32, #tpu.memory_space<vmem_shared>> -> memref<10240x128xf32, #tpu.memory_space<vmem_shared>>
      tpu.enqueue_indirect_dma source(%arg7 : memref<128x128xf32, #tpu.memory_space<vmem>>) target(%dma_start3A_98 : memref<10240x128xf32, #tpu.memory_space<vmem_shared>>) offsets(%dma_start3A_95 : memref<128xi32, #tpu.memory_space<vmem>>) semaphore(%arg12 : memref<!tpu.dma_semaphore, #tpu.memory_space<semaphore_mem>>) {add = true}
    }
    %scan3A_9 = arith.constant 20 : i32
    %dma_wait3A = arith.constant 76 : i32
    %dma_wait3A_10 = arith.constant 0 : i32
    %dma_wait3A_11 = tpu.memref_slice %arg6[%dma_wait3A, %dma_wait3A_10] : memref<80x128xi32, #tpu.memory_space<vmem>> -> memref<1x128xi32, #tpu.memory_space<vmem>>
    %dma_wait3A_12 = tpu.memref_squeeze %dma_wait3A_11 : memref<1x128xi32, #tpu.memory_space<vmem>> -> memref<128xi32, #tpu.memory_space<vmem>>
    %dma_wait3A_13 = arith.constant 0 : i32
    %dma_wait3A_14 = arith.constant 0 : i32
    %dma_wait3A_15 = tpu.memref_slice %arg8[%dma_wait3A_13, %dma_wait3A_14] : memref<10240x128xf32, #tpu.memory_space<vmem_shared>> -> memref<10240x128xf32, #tpu.memory_space<vmem_shared>>
    tpu.wait_indirect_dma semaphore(%arg9 : memref<!tpu.dma_semaphore, #tpu.memory_space<semaphore_mem>>) src(%arg7 : memref<128x128xf32, #tpu.memory_space<vmem>>) dst(%dma_wait3A_15 : memref<10240x128xf32, #tpu.memory_space<vmem_shared>>)
    %dma_wait3A_16 = arith.constant 77 : i32
    %dma_wait3A_17 = arith.constant 0 : i32
    %dma_wait3A_18 = tpu.memref_slice %arg6[%dma_wait3A_16, %dma_wait3A_17] : memref<80x128xi32, #tpu.memory_space<vmem>> -> memref<1x128xi32, #tpu.memory_space<vmem>>
    %dma_wait3A_19 = tpu.memref_squeeze %dma_wait3A_18 : memref<1x128xi32, #tpu.memory_space<vmem>> -> memref<128xi32, #tpu.memory_space<vmem>>
    %dma_wait3A_20 = arith.constant 0 : i32
    %dma_wait3A_21 = arith.constant 0 : i32
    %dma_wait3A_22 = tpu.memref_slice %arg8[%dma_wait3A_20, %dma_wait3A_21] : memref<10240x128xf32, #tpu.memory_space<vmem_shared>> -> memref<10240x128xf32, #tpu.memory_space<vmem_shared>>
    tpu.wait_indirect_dma semaphore(%arg10 : memref<!tpu.dma_semaphore, #tpu.memory_space<semaphore_mem>>) src(%arg7 : memref<128x128xf32, #tpu.memory_space<vmem>>) dst(%dma_wait3A_22 : memref<10240x128xf32, #tpu.memory_space<vmem_shared>>)
    %dma_wait3A_23 = arith.constant 78 : i32
    %dma_wait3A_24 = arith.constant 0 : i32
    %dma_wait3A_25 = tpu.memref_slice %arg6[%dma_wait3A_23, %dma_wait3A_24] : memref<80x128xi32, #tpu.memory_space<vmem>> -> memref<1x128xi32, #tpu.memory_space<vmem>>
    %dma_wait3A_26 = tpu.memref_squeeze %dma_wait3A_25 : memref<1x128xi32, #tpu.memory_space<vmem>> -> memref<128xi32, #tpu.memory_space<vmem>>
    %dma_wait3A_27 = arith.constant 0 : i32
    %dma_wait3A_28 = arith.constant 0 : i32
    %dma_wait3A_29 = tpu.memref_slice %arg8[%dma_wait3A_27, %dma_wait3A_28] : memref<10240x128xf32, #tpu.memory_space<vmem_shared>> -> memref<10240x128xf32, #tpu.memory_space<vmem_shared>>
    tpu.wait_indirect_dma semaphore(%arg11 : memref<!tpu.dma_semaphore, #tpu.memory_space<semaphore_mem>>) src(%arg7 : memref<128x128xf32, #tpu.memory_space<vmem>>) dst(%dma_wait3A_29 : memref<10240x128xf32, #tpu.memory_space<vmem_shared>>)
    %dma_wait3A_30 = arith.constant 79 : i32
    %dma_wait3A_31 = arith.constant 0 : i32
    %dma_wait3A_32 = tpu.memref_slice %arg6[%dma_wait3A_30, %dma_wait3A_31] : memref<80x128xi32, #tpu.memory_space<vmem>> -> memref<1x128xi32, #tpu.memory_space<vmem>>
    %dma_wait3A_33 = tpu.memref_squeeze %dma_wait3A_32 : memref<1x128xi32, #tpu.memory_space<vmem>> -> memref<128xi32, #tpu.memory_space<vmem>>
    %dma_wait3A_34 = arith.constant 0 : i32
    %dma_wait3A_35 = arith.constant 0 : i32
    %dma_wait3A_36 = tpu.memref_slice %arg8[%dma_wait3A_34, %dma_wait3A_35] : memref<10240x128xf32, #tpu.memory_space<vmem_shared>> -> memref<10240x128xf32, #tpu.memory_space<vmem_shared>>
    tpu.wait_indirect_dma semaphore(%arg12 : memref<!tpu.dma_semaphore, #tpu.memory_space<semaphore_mem>>) src(%arg7 : memref<128x128xf32, #tpu.memory_space<vmem>>) dst(%dma_wait3A_36 : memref<10240x128xf32, #tpu.memory_space<vmem_shared>>)
    %barrier3A_37 = arith.constant 0 : index
    tpu.barrier barrier_id(%barrier3A_37)
    %mul3A_38 = arith.constant 640 : i32
    %mul3A_39 = arith.muli %arg1, %mul3A_38 : i32
    %mul3A_40 = arith.constant 640 : i32
    %mul3A_41 = arith.muli %arg1, %mul3A_40 : i32
    "tpu.region"() ({
      %run_scoped3A = tpu.sem_alloc : memref<!tpu.dma_semaphore, #tpu.memory_space<semaphore_mem>>
      %dma_start3A = arith.constant 0 : i32
      %dma_start3A_42 = tpu.memref_slice %arg5[%arg0, %mul3A_41, %dma_start3A] : memref<2x10240x128xf32, #tpu.memory_space<hbm>> -> memref<1x640x128xf32, #tpu.memory_space<hbm>>
      %dma_start3A_43 = tpu.memref_squeeze %dma_start3A_42 : memref<1x640x128xf32, #tpu.memory_space<hbm>> -> memref<640x128xf32, #tpu.memory_space<hbm>>
      %dma_start3A_44 = arith.constant 0 : i32
      %dma_start3A_45 = tpu.memref_slice %arg8[%mul3A_39, %dma_start3A_44] : memref<10240x128xf32, #tpu.memory_space<vmem_shared>> -> memref<640x128xf32, #tpu.memory_space<vmem_shared>>
      tpu.enqueue_dma source(%dma_start3A_45 : memref<640x128xf32, #tpu.memory_space<vmem_shared>>) target(%dma_start3A_43 : memref<640x128xf32, #tpu.memory_space<hbm>>) target_semaphore(%run_scoped3A : memref<!tpu.dma_semaphore, #tpu.memory_space<semaphore_mem>>)
      %dma_wait3A_46 = arith.constant 0 : i32
      %dma_wait3A_47 = tpu.memref_slice %arg5[%arg0, %mul3A_41, %dma_wait3A_46] : memref<2x10240x128xf32, #tpu.memory_space<hbm>> -> memref<1x640x128xf32, #tpu.memory_space<hbm>>
      %dma_wait3A_48 = tpu.memref_squeeze %dma_wait3A_47 : memref<1x640x128xf32, #tpu.memory_space<hbm>> -> memref<640x128xf32, #tpu.memory_space<hbm>>
      %dma_wait3A_49 = arith.constant 0 : i32
      %dma_wait3A_50 = tpu.memref_slice %arg8[%mul3A_39, %dma_wait3A_49] : memref<10240x128xf32, #tpu.memory_space<vmem_shared>> -> memref<640x128xf32, #tpu.memory_space<vmem_shared>>
      tpu.wait_dma2 semaphore(%run_scoped3A : memref<!tpu.dma_semaphore, #tpu.memory_space<semaphore_mem>>) src(%dma_wait3A_50 : memref<640x128xf32, #tpu.memory_space<vmem_shared>>) dst(%dma_wait3A_48 : memref<640x128xf32, #tpu.memory_space<hbm>>)
      tpu.yield
    }) : () -> ()
    return
  }
}

#map = affine_map<(d0, d1) -> (0, 0)>
#map1 = affine_map<(d0, d1) -> (0, 0, 0)>
module attributes {stable_mosaic.version = 14 : i64} {
  func.func @_sc_aggregate(%arg0: i32, %arg1: i32, %arg2: memref<10240x128xf32, #tpu.memory_space<hbm>>, %arg3: memref<10240x32xi32, #tpu.memory_space<hbm>>, %arg4: memref<2560x128xi32, #tpu.memory_space<hbm>>, %arg5: memref<640x128xf32, #tpu.memory_space<hbm>>, %arg6: memref<2x10240x128xf32, #tpu.memory_space<hbm>>, %arg7: memref<80x128xi32, #tpu.memory_space<vmem>>, %arg8: memref<16x32xi32, #tpu.memory_space<vmem>>, %arg9: memref<16x32xi32, #tpu.memory_space<vmem>>, %arg10: memref<128x128xf32, #tpu.memory_space<vmem>>, %arg11: memref<128x128xf32, #tpu.memory_space<vmem>>, %arg12: memref<10240x128xf32, #tpu.memory_space<vmem_shared>>, %arg13: memref<!tpu.dma_semaphore, #tpu.memory_space<semaphore_mem>>, %arg14: memref<!tpu.dma_semaphore, #tpu.memory_space<semaphore_mem>>, %arg15: memref<!tpu.dma_semaphore, #tpu.memory_space<semaphore_mem>>, %arg16: memref<!tpu.dma_semaphore, #tpu.memory_space<semaphore_mem>>, %arg17: memref<!tpu.dma_semaphore, #tpu.memory_space<semaphore_mem>>, %arg18: memref<!tpu.dma_semaphore, #tpu.memory_space<semaphore_mem>>, %arg19: memref<!tpu.dma_semaphore, #tpu.memory_space<semaphore_mem>>, %arg20: memref<!tpu.dma_semaphore, #tpu.memory_space<semaphore_mem>>, %arg21: memref<!tpu.dma_semaphore, #tpu.memory_space<semaphore_mem>>, %arg22: memref<!tpu.dma_semaphore, #tpu.memory_space<semaphore_mem>>) attributes {dimension_semantics = [#tpu.dimension_semantics<core_parallel>, #tpu.dimension_semantics<subcore_parallel>], iteration_bounds = array<i64: 2, 16>, scalar_prefetch = 0 : i64, scratch_operands = 16 : i64, tpu.core_type = #tpu.core_type<sc_vector_subcore>, window_params = [{transform_indices = #map}, {transform_indices = #map}, {transform_indices = #map}, {transform_indices = #map}, {transform_indices = #map1}]} {
    %mul3A = arith.constant 16 : i32
    %mul3A_0 = arith.muli %arg0, %mul3A : i32
    %add3A = arith.addi %mul3A_0, %arg1 : i32
    %mul3A_1 = arith.constant 80 : i32
    %mul3A_2 = arith.muli %add3A, %mul3A_1 : i32
    %mul3A_3 = arith.constant 4 : i32
    %mul3A_4 = arith.muli %mul3A_2, %mul3A_3 : i32
    %mul3A_5 = arith.constant 640 : i32
    %mul3A_6 = arith.muli %arg1, %mul3A_5 : i32
    "tpu.region"() ({
      %run_scoped3A = tpu.sem_alloc : memref<!tpu.dma_semaphore, #tpu.memory_space<semaphore_mem>>
      %dma_start3A_96 = arith.constant 0 : i32
      %dma_start3A_97 = tpu.memref_slice %arg12[%mul3A_6, %dma_start3A_96] : memref<10240x128xf32, #tpu.memory_space<vmem_shared>> -> memref<640x128xf32, #tpu.memory_space<vmem_shared>>
      tpu.enqueue_dma source(%arg5 : memref<640x128xf32, #tpu.memory_space<hbm>>) target(%dma_start3A_97 : memref<640x128xf32, #tpu.memory_space<vmem_shared>>) target_semaphore(%run_scoped3A : memref<!tpu.dma_semaphore, #tpu.memory_space<semaphore_mem>>)
      %dma_wait3A = arith.constant 0 : i32
      %dma_wait3A_98 = tpu.memref_slice %arg12[%mul3A_6, %dma_wait3A] : memref<10240x128xf32, #tpu.memory_space<vmem_shared>> -> memref<640x128xf32, #tpu.memory_space<vmem_shared>>
      tpu.wait_dma2 semaphore(%run_scoped3A : memref<!tpu.dma_semaphore, #tpu.memory_space<semaphore_mem>>) src(%arg5 : memref<640x128xf32, #tpu.memory_space<hbm>>) dst(%dma_wait3A_98 : memref<640x128xf32, #tpu.memory_space<vmem_shared>>)
      tpu.yield
    }) : () -> ()
    "tpu.region"() ({
      %run_scoped3A = tpu.sem_alloc : memref<!tpu.dma_semaphore, #tpu.memory_space<semaphore_mem>>
      %dma_start3A_96 = arith.constant 0 : i32
      %dma_start3A_97 = tpu.memref_slice %arg4[%mul3A_2, %dma_start3A_96] : memref<2560x128xi32, #tpu.memory_space<hbm>> -> memref<80x128xi32, #tpu.memory_space<hbm>>
      %dma_start3A_98 = arith.constant 0 : i32
      %dma_start3A_99 = tpu.memref_slice %arg4[%mul3A_2, %dma_start3A_98] : memref<2560x128xi32, #tpu.memory_space<hbm>> -> memref<80x128xi32, #tpu.memory_space<hbm>>
      tpu.enqueue_dma source(%dma_start3A_99 : memref<80x128xi32, #tpu.memory_space<hbm>>) target(%arg7 : memref<80x128xi32, #tpu.memory_space<vmem>>) target_semaphore(%run_scoped3A : memref<!tpu.dma_semaphore, #tpu.memory_space<semaphore_mem>>)
      %dma_wait3A = arith.constant 0 : i32
      %dma_wait3A_100 = tpu.memref_slice %arg4[%mul3A_2, %dma_wait3A] : memref<2560x128xi32, #tpu.memory_space<hbm>> -> memref<80x128xi32, #tpu.memory_space<hbm>>
      %dma_wait3A_101 = arith.constant 0 : i32
      %dma_wait3A_102 = tpu.memref_slice %arg4[%mul3A_2, %dma_wait3A_101] : memref<2560x128xi32, #tpu.memory_space<hbm>> -> memref<80x128xi32, #tpu.memory_space<hbm>>
      tpu.wait_dma2 semaphore(%run_scoped3A : memref<!tpu.dma_semaphore, #tpu.memory_space<semaphore_mem>>) src(%dma_wait3A_102 : memref<80x128xi32, #tpu.memory_space<hbm>>) dst(%arg7 : memref<80x128xi32, #tpu.memory_space<vmem>>)
      tpu.yield
    }) : () -> ()
    "tpu.region"() ({
      %run_scoped3A = tpu.sem_alloc : memref<!tpu.dma_semaphore, #tpu.memory_space<semaphore_mem>>
      %dma_start3A_96 = arith.constant 0 : i32
      %dma_start3A_97 = tpu.memref_slice %arg3[%mul3A_4, %dma_start3A_96] : memref<10240x32xi32, #tpu.memory_space<hbm>> -> memref<16x32xi32, #tpu.memory_space<hbm>>
      %dma_start3A_98 = arith.constant 0 : i32
      %dma_start3A_99 = tpu.memref_slice %arg3[%mul3A_4, %dma_start3A_98] : memref<10240x32xi32, #tpu.memory_space<hbm>> -> memref<16x32xi32, #tpu.memory_space<hbm>>
      tpu.enqueue_dma source(%dma_start3A_99 : memref<16x32xi32, #tpu.memory_space<hbm>>) target(%arg8 : memref<16x32xi32, #tpu.memory_space<vmem>>) target_semaphore(%run_scoped3A : memref<!tpu.dma_semaphore, #tpu.memory_space<semaphore_mem>>)
      %dma_wait3A = arith.constant 0 : i32
      %dma_wait3A_100 = tpu.memref_slice %arg3[%mul3A_4, %dma_wait3A] : memref<10240x32xi32, #tpu.memory_space<hbm>> -> memref<16x32xi32, #tpu.memory_space<hbm>>
      %dma_wait3A_101 = arith.constant 0 : i32
      %dma_wait3A_102 = tpu.memref_slice %arg3[%mul3A_4, %dma_wait3A_101] : memref<10240x32xi32, #tpu.memory_space<hbm>> -> memref<16x32xi32, #tpu.memory_space<hbm>>
      tpu.wait_dma2 semaphore(%run_scoped3A : memref<!tpu.dma_semaphore, #tpu.memory_space<semaphore_mem>>) src(%dma_wait3A_102 : memref<16x32xi32, #tpu.memory_space<hbm>>) dst(%arg8 : memref<16x32xi32, #tpu.memory_space<vmem>>)
      tpu.yield
    }) : () -> ()
    %barrier3A = arith.constant 0 : index
    tpu.barrier barrier_id(%barrier3A)
    %dma_start3A = arith.constant 0 : i32
    %dma_start3A_7 = arith.constant 0 : i32
    %dma_start3A_8 = arith.constant 0 : i32
    %dma_start3A_9 = tpu.memref_slice %arg10[%dma_start3A_7, %dma_start3A_8] : memref<128x128xf32, #tpu.memory_space<vmem>> -> memref<32x128xf32, #tpu.memory_space<vmem>>
    %dma_start3A_10 = arith.constant 0 : i32
    %dma_start3A_11 = tpu.memref_slice %arg8[%dma_start3A, %dma_start3A_10] : memref<16x32xi32, #tpu.memory_space<vmem>> -> memref<1x32xi32, #tpu.memory_space<vmem>>
    %dma_start3A_12 = tpu.memref_squeeze %dma_start3A_11 : memref<1x32xi32, #tpu.memory_space<vmem>> -> memref<32xi32, #tpu.memory_space<vmem>>
    %dma_start3A_13 = arith.constant 0 : i32
    %dma_start3A_14 = arith.constant 0 : i32
    %dma_start3A_15 = tpu.memref_slice %arg2[%dma_start3A_13, %dma_start3A_14] : memref<10240x128xf32, #tpu.memory_space<hbm>> -> memref<10240x128xf32, #tpu.memory_space<hbm>>
    tpu.enqueue_indirect_dma source(%dma_start3A_15 : memref<10240x128xf32, #tpu.memory_space<hbm>>) target(%dma_start3A_9 : memref<32x128xf32, #tpu.memory_space<vmem>>) offsets(%dma_start3A_12 : memref<32xi32, #tpu.memory_space<vmem>>) semaphore(%arg13 : memref<!tpu.dma_semaphore, #tpu.memory_space<semaphore_mem>>)
    %dma_start3A_16 = arith.constant 1 : i32
    %dma_start3A_17 = arith.constant 32 : i32
    %dma_start3A_18 = arith.constant 0 : i32
    %dma_start3A_19 = tpu.memref_slice %arg10[%dma_start3A_17, %dma_start3A_18] : memref<128x128xf32, #tpu.memory_space<vmem>> -> memref<32x128xf32, #tpu.memory_space<vmem>>
    %dma_start3A_20 = arith.constant 0 : i32
    %dma_start3A_21 = tpu.memref_slice %arg8[%dma_start3A_16, %dma_start3A_20] : memref<16x32xi32, #tpu.memory_space<vmem>> -> memref<1x32xi32, #tpu.memory_space<vmem>>
    %dma_start3A_22 = tpu.memref_squeeze %dma_start3A_21 : memref<1x32xi32, #tpu.memory_space<vmem>> -> memref<32xi32, #tpu.memory_space<vmem>>
    %dma_start3A_23 = arith.constant 0 : i32
    %dma_start3A_24 = arith.constant 0 : i32
    %dma_start3A_25 = tpu.memref_slice %arg2[%dma_start3A_23, %dma_start3A_24] : memref<10240x128xf32, #tpu.memory_space<hbm>> -> memref<10240x128xf32, #tpu.memory_space<hbm>>
    tpu.enqueue_indirect_dma source(%dma_start3A_25 : memref<10240x128xf32, #tpu.memory_space<hbm>>) target(%dma_start3A_19 : memref<32x128xf32, #tpu.memory_space<vmem>>) offsets(%dma_start3A_22 : memref<32xi32, #tpu.memory_space<vmem>>) semaphore(%arg14 : memref<!tpu.dma_semaphore, #tpu.memory_space<semaphore_mem>>)
    %dma_start3A_26 = arith.constant 2 : i32
    %dma_start3A_27 = arith.constant 64 : i32
    %dma_start3A_28 = arith.constant 0 : i32
    %dma_start3A_29 = tpu.memref_slice %arg10[%dma_start3A_27, %dma_start3A_28] : memref<128x128xf32, #tpu.memory_space<vmem>> -> memref<32x128xf32, #tpu.memory_space<vmem>>
    %dma_start3A_30 = arith.constant 0 : i32
    %dma_start3A_31 = tpu.memref_slice %arg8[%dma_start3A_26, %dma_start3A_30] : memref<16x32xi32, #tpu.memory_space<vmem>> -> memref<1x32xi32, #tpu.memory_space<vmem>>
    %dma_start3A_32 = tpu.memref_squeeze %dma_start3A_31 : memref<1x32xi32, #tpu.memory_space<vmem>> -> memref<32xi32, #tpu.memory_space<vmem>>
    %dma_start3A_33 = arith.constant 0 : i32
    %dma_start3A_34 = arith.constant 0 : i32
    %dma_start3A_35 = tpu.memref_slice %arg2[%dma_start3A_33, %dma_start3A_34] : memref<10240x128xf32, #tpu.memory_space<hbm>> -> memref<10240x128xf32, #tpu.memory_space<hbm>>
    tpu.enqueue_indirect_dma source(%dma_start3A_35 : memref<10240x128xf32, #tpu.memory_space<hbm>>) target(%dma_start3A_29 : memref<32x128xf32, #tpu.memory_space<vmem>>) offsets(%dma_start3A_32 : memref<32xi32, #tpu.memory_space<vmem>>) semaphore(%arg15 : memref<!tpu.dma_semaphore, #tpu.memory_space<semaphore_mem>>)
    %dma_start3A_36 = arith.constant 3 : i32
    %dma_start3A_37 = arith.constant 96 : i32
    %dma_start3A_38 = arith.constant 0 : i32
    %dma_start3A_39 = tpu.memref_slice %arg10[%dma_start3A_37, %dma_start3A_38] : memref<128x128xf32, #tpu.memory_space<vmem>> -> memref<32x128xf32, #tpu.memory_space<vmem>>
    %dma_start3A_40 = arith.constant 0 : i32
    %dma_start3A_41 = tpu.memref_slice %arg8[%dma_start3A_36, %dma_start3A_40] : memref<16x32xi32, #tpu.memory_space<vmem>> -> memref<1x32xi32, #tpu.memory_space<vmem>>
    %dma_start3A_42 = tpu.memref_squeeze %dma_start3A_41 : memref<1x32xi32, #tpu.memory_space<vmem>> -> memref<32xi32, #tpu.memory_space<vmem>>
    %dma_start3A_43 = arith.constant 0 : i32
    %dma_start3A_44 = arith.constant 0 : i32
    %dma_start3A_45 = tpu.memref_slice %arg2[%dma_start3A_43, %dma_start3A_44] : memref<10240x128xf32, #tpu.memory_space<hbm>> -> memref<10240x128xf32, #tpu.memory_space<hbm>>
    tpu.enqueue_indirect_dma source(%dma_start3A_45 : memref<10240x128xf32, #tpu.memory_space<hbm>>) target(%dma_start3A_39 : memref<32x128xf32, #tpu.memory_space<vmem>>) offsets(%dma_start3A_42 : memref<32xi32, #tpu.memory_space<vmem>>) semaphore(%arg16 : memref<!tpu.dma_semaphore, #tpu.memory_space<semaphore_mem>>)
    %dma_start3A_46 = arith.constant 4 : i32
    %dma_start3A_47 = arith.constant 0 : i32
    %dma_start3A_48 = arith.constant 0 : i32
    %dma_start3A_49 = tpu.memref_slice %arg11[%dma_start3A_47, %dma_start3A_48] : memref<128x128xf32, #tpu.memory_space<vmem>> -> memref<32x128xf32, #tpu.memory_space<vmem>>
    %dma_start3A_50 = arith.constant 0 : i32
    %dma_start3A_51 = tpu.memref_slice %arg8[%dma_start3A_46, %dma_start3A_50] : memref<16x32xi32, #tpu.memory_space<vmem>> -> memref<1x32xi32, #tpu.memory_space<vmem>>
    %dma_start3A_52 = tpu.memref_squeeze %dma_start3A_51 : memref<1x32xi32, #tpu.memory_space<vmem>> -> memref<32xi32, #tpu.memory_space<vmem>>
    %dma_start3A_53 = arith.constant 0 : i32
    %dma_start3A_54 = arith.constant 0 : i32
    %dma_start3A_55 = tpu.memref_slice %arg2[%dma_start3A_53, %dma_start3A_54] : memref<10240x128xf32, #tpu.memory_space<hbm>> -> memref<10240x128xf32, #tpu.memory_space<hbm>>
    tpu.enqueue_indirect_dma source(%dma_start3A_55 : memref<10240x128xf32, #tpu.memory_space<hbm>>) target(%dma_start3A_49 : memref<32x128xf32, #tpu.memory_space<vmem>>) offsets(%dma_start3A_52 : memref<32xi32, #tpu.memory_space<vmem>>) semaphore(%arg17 : memref<!tpu.dma_semaphore, #tpu.memory_space<semaphore_mem>>)
    %dma_start3A_56 = arith.constant 5 : i32
    %dma_start3A_57 = arith.constant 32 : i32
    %dma_start3A_58 = arith.constant 0 : i32
    %dma_start3A_59 = tpu.memref_slice %arg11[%dma_start3A_57, %dma_start3A_58] : memref<128x128xf32, #tpu.memory_space<vmem>> -> memref<32x128xf32, #tpu.memory_space<vmem>>
    %dma_start3A_60 = arith.constant 0 : i32
    %dma_start3A_61 = tpu.memref_slice %arg8[%dma_start3A_56, %dma_start3A_60] : memref<16x32xi32, #tpu.memory_space<vmem>> -> memref<1x32xi32, #tpu.memory_space<vmem>>
    %dma_start3A_62 = tpu.memref_squeeze %dma_start3A_61 : memref<1x32xi32, #tpu.memory_space<vmem>> -> memref<32xi32, #tpu.memory_space<vmem>>
    %dma_start3A_63 = arith.constant 0 : i32
    %dma_start3A_64 = arith.constant 0 : i32
    %dma_start3A_65 = tpu.memref_slice %arg2[%dma_start3A_63, %dma_start3A_64] : memref<10240x128xf32, #tpu.memory_space<hbm>> -> memref<10240x128xf32, #tpu.memory_space<hbm>>
    tpu.enqueue_indirect_dma source(%dma_start3A_65 : memref<10240x128xf32, #tpu.memory_space<hbm>>) target(%dma_start3A_59 : memref<32x128xf32, #tpu.memory_space<vmem>>) offsets(%dma_start3A_62 : memref<32xi32, #tpu.memory_space<vmem>>) semaphore(%arg18 : memref<!tpu.dma_semaphore, #tpu.memory_space<semaphore_mem>>)
    %dma_start3A_66 = arith.constant 6 : i32
    %dma_start3A_67 = arith.constant 64 : i32
    %dma_start3A_68 = arith.constant 0 : i32
    %dma_start3A_69 = tpu.memref_slice %arg11[%dma_start3A_67, %dma_start3A_68] : memref<128x128xf32, #tpu.memory_space<vmem>> -> memref<32x128xf32, #tpu.memory_space<vmem>>
    %dma_start3A_70 = arith.constant 0 : i32
    %dma_start3A_71 = tpu.memref_slice %arg8[%dma_start3A_66, %dma_start3A_70] : memref<16x32xi32, #tpu.memory_space<vmem>> -> memref<1x32xi32, #tpu.memory_space<vmem>>
    %dma_start3A_72 = tpu.memref_squeeze %dma_start3A_71 : memref<1x32xi32, #tpu.memory_space<vmem>> -> memref<32xi32, #tpu.memory_space<vmem>>
    %dma_start3A_73 = arith.constant 0 : i32
    %dma_start3A_74 = arith.constant 0 : i32
    %dma_start3A_75 = tpu.memref_slice %arg2[%dma_start3A_73, %dma_start3A_74] : memref<10240x128xf32, #tpu.memory_space<hbm>> -> memref<10240x128xf32, #tpu.memory_space<hbm>>
    tpu.enqueue_indirect_dma source(%dma_start3A_75 : memref<10240x128xf32, #tpu.memory_space<hbm>>) target(%dma_start3A_69 : memref<32x128xf32, #tpu.memory_space<vmem>>) offsets(%dma_start3A_72 : memref<32xi32, #tpu.memory_space<vmem>>) semaphore(%arg19 : memref<!tpu.dma_semaphore, #tpu.memory_space<semaphore_mem>>)
    %dma_start3A_76 = arith.constant 7 : i32
    %dma_start3A_77 = arith.constant 96 : i32
    %dma_start3A_78 = arith.constant 0 : i32
    %dma_start3A_79 = tpu.memref_slice %arg11[%dma_start3A_77, %dma_start3A_78] : memref<128x128xf32, #tpu.memory_space<vmem>> -> memref<32x128xf32, #tpu.memory_space<vmem>>
    %dma_start3A_80 = arith.constant 0 : i32
    %dma_start3A_81 = tpu.memref_slice %arg8[%dma_start3A_76, %dma_start3A_80] : memref<16x32xi32, #tpu.memory_space<vmem>> -> memref<1x32xi32, #tpu.memory_space<vmem>>
    %dma_start3A_82 = tpu.memref_squeeze %dma_start3A_81 : memref<1x32xi32, #tpu.memory_space<vmem>> -> memref<32xi32, #tpu.memory_space<vmem>>
    %dma_start3A_83 = arith.constant 0 : i32
    %dma_start3A_84 = arith.constant 0 : i32
    %dma_start3A_85 = tpu.memref_slice %arg2[%dma_start3A_83, %dma_start3A_84] : memref<10240x128xf32, #tpu.memory_space<hbm>> -> memref<10240x128xf32, #tpu.memory_space<hbm>>
    tpu.enqueue_indirect_dma source(%dma_start3A_85 : memref<10240x128xf32, #tpu.memory_space<hbm>>) target(%dma_start3A_79 : memref<32x128xf32, #tpu.memory_space<vmem>>) offsets(%dma_start3A_82 : memref<32xi32, #tpu.memory_space<vmem>>) semaphore(%arg20 : memref<!tpu.dma_semaphore, #tpu.memory_space<semaphore_mem>>)
    %scan3A = arith.constant 0 : i32
    %scan3A_86 = arith.constant 0 : i32
    %scan3A_87 = arith.constant 10 : i32
    %scan3A_88 = arith.addi %scan3A_86, %scan3A_87 : i32
    %scan3A_89 = arith.constant 1 : i32
    scf.for %scan3A_96 = %scan3A_86 to %scan3A_88 step %scan3A_89  : i32 {
      %mul3A_97 = arith.constant 2 : i32
      %mul3A_98 = arith.muli %scan3A_96, %mul3A_97 : i32
      %mul3A_99 = arith.constant 4 : i32
      %mul3A_100 = arith.muli %mul3A_98, %mul3A_99 : i32
      %add3A_101 = arith.constant 4 : i32
      %add3A_102 = arith.addi %mul3A_100, %add3A_101 : i32
      %mul3A_103 = arith.constant 4 : i32
      %mul3A_104 = arith.muli %add3A_102, %mul3A_103 : i32
      %add3A_105 = arith.addi %mul3A_4, %mul3A_104 : i32
      %dma_start3A_106 = arith.constant 0 : i32
      %dma_start3A_107 = tpu.memref_slice %arg3[%add3A_105, %dma_start3A_106] : memref<10240x32xi32, #tpu.memory_space<hbm>> -> memref<16x32xi32, #tpu.memory_space<hbm>>
      %dma_start3A_108 = arith.constant 0 : i32
      %dma_start3A_109 = tpu.memref_slice %arg3[%add3A_105, %dma_start3A_108] : memref<10240x32xi32, #tpu.memory_space<hbm>> -> memref<16x32xi32, #tpu.memory_space<hbm>>
      tpu.enqueue_dma source(%dma_start3A_109 : memref<16x32xi32, #tpu.memory_space<hbm>>) target(%arg9 : memref<16x32xi32, #tpu.memory_space<vmem>>) target_semaphore(%arg22 : memref<!tpu.dma_semaphore, #tpu.memory_space<semaphore_mem>>)
      %add3A_110 = arith.constant 0 : i32
      %add3A_111 = arith.addi %mul3A_100, %add3A_110 : i32
      %dma_wait3A = arith.constant 0 : i32
      %dma_wait3A_112 = arith.constant 0 : i32
      %dma_wait3A_113 = arith.constant 0 : i32
      %dma_wait3A_114 = tpu.memref_slice %arg10[%dma_wait3A_112, %dma_wait3A_113] : memref<128x128xf32, #tpu.memory_space<vmem>> -> memref<32x128xf32, #tpu.memory_space<vmem>>
      %dma_wait3A_115 = arith.constant 0 : i32
      %dma_wait3A_116 = tpu.memref_slice %arg8[%dma_wait3A, %dma_wait3A_115] : memref<16x32xi32, #tpu.memory_space<vmem>> -> memref<1x32xi32, #tpu.memory_space<vmem>>
      %dma_wait3A_117 = tpu.memref_squeeze %dma_wait3A_116 : memref<1x32xi32, #tpu.memory_space<vmem>> -> memref<32xi32, #tpu.memory_space<vmem>>
      %dma_wait3A_118 = arith.constant 0 : i32
      %dma_wait3A_119 = arith.constant 0 : i32
      %dma_wait3A_120 = tpu.memref_slice %arg2[%dma_wait3A_118, %dma_wait3A_119] : memref<10240x128xf32, #tpu.memory_space<hbm>> -> memref<10240x128xf32, #tpu.memory_space<hbm>>
      tpu.wait_indirect_dma semaphore(%arg13 : memref<!tpu.dma_semaphore, #tpu.memory_space<semaphore_mem>>) src(%dma_wait3A_120 : memref<10240x128xf32, #tpu.memory_space<hbm>>) dst(%dma_wait3A_114 : memref<32x128xf32, #tpu.memory_space<vmem>>)
      %dma_wait3A_121 = arith.constant 0 : i32
      %dma_wait3A_122 = arith.constant 32 : i32
      %dma_wait3A_123 = arith.constant 0 : i32
      %dma_wait3A_124 = tpu.memref_slice %arg10[%dma_wait3A_122, %dma_wait3A_123] : memref<128x128xf32, #tpu.memory_space<vmem>> -> memref<32x128xf32, #tpu.memory_space<vmem>>
      %dma_wait3A_125 = arith.constant 0 : i32
      %dma_wait3A_126 = tpu.memref_slice %arg8[%dma_wait3A_121, %dma_wait3A_125] : memref<16x32xi32, #tpu.memory_space<vmem>> -> memref<1x32xi32, #tpu.memory_space<vmem>>
      %dma_wait3A_127 = tpu.memref_squeeze %dma_wait3A_126 : memref<1x32xi32, #tpu.memory_space<vmem>> -> memref<32xi32, #tpu.memory_space<vmem>>
      %dma_wait3A_128 = arith.constant 0 : i32
      %dma_wait3A_129 = arith.constant 0 : i32
      %dma_wait3A_130 = tpu.memref_slice %arg2[%dma_wait3A_128, %dma_wait3A_129] : memref<10240x128xf32, #tpu.memory_space<hbm>> -> memref<10240x128xf32, #tpu.memory_space<hbm>>
      tpu.wait_indirect_dma semaphore(%arg14 : memref<!tpu.dma_semaphore, #tpu.memory_space<semaphore_mem>>) src(%dma_wait3A_130 : memref<10240x128xf32, #tpu.memory_space<hbm>>) dst(%dma_wait3A_124 : memref<32x128xf32, #tpu.memory_space<vmem>>)
      %dma_wait3A_131 = arith.constant 0 : i32
      %dma_wait3A_132 = arith.constant 64 : i32
      %dma_wait3A_133 = arith.constant 0 : i32
      %dma_wait3A_134 = tpu.memref_slice %arg10[%dma_wait3A_132, %dma_wait3A_133] : memref<128x128xf32, #tpu.memory_space<vmem>> -> memref<32x128xf32, #tpu.memory_space<vmem>>
      %dma_wait3A_135 = arith.constant 0 : i32
      %dma_wait3A_136 = tpu.memref_slice %arg8[%dma_wait3A_131, %dma_wait3A_135] : memref<16x32xi32, #tpu.memory_space<vmem>> -> memref<1x32xi32, #tpu.memory_space<vmem>>
      %dma_wait3A_137 = tpu.memref_squeeze %dma_wait3A_136 : memref<1x32xi32, #tpu.memory_space<vmem>> -> memref<32xi32, #tpu.memory_space<vmem>>
      %dma_wait3A_138 = arith.constant 0 : i32
      %dma_wait3A_139 = arith.constant 0 : i32
      %dma_wait3A_140 = tpu.memref_slice %arg2[%dma_wait3A_138, %dma_wait3A_139] : memref<10240x128xf32, #tpu.memory_space<hbm>> -> memref<10240x128xf32, #tpu.memory_space<hbm>>
      tpu.wait_indirect_dma semaphore(%arg15 : memref<!tpu.dma_semaphore, #tpu.memory_space<semaphore_mem>>) src(%dma_wait3A_140 : memref<10240x128xf32, #tpu.memory_space<hbm>>) dst(%dma_wait3A_134 : memref<32x128xf32, #tpu.memory_space<vmem>>)
      %dma_wait3A_141 = arith.constant 0 : i32
      %dma_wait3A_142 = arith.constant 96 : i32
      %dma_wait3A_143 = arith.constant 0 : i32
      %dma_wait3A_144 = tpu.memref_slice %arg10[%dma_wait3A_142, %dma_wait3A_143] : memref<128x128xf32, #tpu.memory_space<vmem>> -> memref<32x128xf32, #tpu.memory_space<vmem>>
      %dma_wait3A_145 = arith.constant 0 : i32
      %dma_wait3A_146 = tpu.memref_slice %arg8[%dma_wait3A_141, %dma_wait3A_145] : memref<16x32xi32, #tpu.memory_space<vmem>> -> memref<1x32xi32, #tpu.memory_space<vmem>>
      %dma_wait3A_147 = tpu.memref_squeeze %dma_wait3A_146 : memref<1x32xi32, #tpu.memory_space<vmem>> -> memref<32xi32, #tpu.memory_space<vmem>>
      %dma_wait3A_148 = arith.constant 0 : i32
      %dma_wait3A_149 = arith.constant 0 : i32
      %dma_wait3A_150 = tpu.memref_slice %arg2[%dma_wait3A_148, %dma_wait3A_149] : memref<10240x128xf32, #tpu.memory_space<hbm>> -> memref<10240x128xf32, #tpu.memory_space<hbm>>
      tpu.wait_indirect_dma semaphore(%arg16 : memref<!tpu.dma_semaphore, #tpu.memory_space<semaphore_mem>>) src(%dma_wait3A_150 : memref<10240x128xf32, #tpu.memory_space<hbm>>) dst(%dma_wait3A_144 : memref<32x128xf32, #tpu.memory_space<vmem>>)
      "tpu.region"() ({
        %run_scoped3A = tpu.sem_alloc : memref<!tpu.dma_semaphore, #tpu.memory_space<semaphore_mem>>
        %dma_start3A_521 = arith.constant 0 : i32
        %dma_start3A_522 = tpu.memref_slice %arg7[%add3A_111, %dma_start3A_521] : memref<80x128xi32, #tpu.memory_space<vmem>> -> memref<1x128xi32, #tpu.memory_space<vmem>>
        %dma_start3A_523 = tpu.memref_squeeze %dma_start3A_522 : memref<1x128xi32, #tpu.memory_space<vmem>> -> memref<128xi32, #tpu.memory_space<vmem>>
        %dma_start3A_524 = arith.constant 0 : i32
        %dma_start3A_525 = arith.constant 0 : i32
        %dma_start3A_526 = tpu.memref_slice %arg12[%dma_start3A_524, %dma_start3A_525] : memref<10240x128xf32, #tpu.memory_space<vmem_shared>> -> memref<10240x128xf32, #tpu.memory_space<vmem_shared>>
        tpu.enqueue_indirect_dma source(%arg10 : memref<128x128xf32, #tpu.memory_space<vmem>>) target(%dma_start3A_526 : memref<10240x128xf32, #tpu.memory_space<vmem_shared>>) offsets(%dma_start3A_523 : memref<128xi32, #tpu.memory_space<vmem>>) semaphore(%run_scoped3A : memref<!tpu.dma_semaphore, #tpu.memory_space<semaphore_mem>>) {add = true}
        %dma_wait3A_527 = arith.constant 0 : i32
        %dma_wait3A_528 = tpu.memref_slice %arg7[%add3A_111, %dma_wait3A_527] : memref<80x128xi32, #tpu.memory_space<vmem>> -> memref<1x128xi32, #tpu.memory_space<vmem>>
        %dma_wait3A_529 = tpu.memref_squeeze %dma_wait3A_528 : memref<1x128xi32, #tpu.memory_space<vmem>> -> memref<128xi32, #tpu.memory_space<vmem>>
        %dma_wait3A_530 = arith.constant 0 : i32
        %dma_wait3A_531 = arith.constant 0 : i32
        %dma_wait3A_532 = tpu.memref_slice %arg12[%dma_wait3A_530, %dma_wait3A_531] : memref<10240x128xf32, #tpu.memory_space<vmem_shared>> -> memref<10240x128xf32, #tpu.memory_space<vmem_shared>>
        tpu.wait_indirect_dma semaphore(%run_scoped3A : memref<!tpu.dma_semaphore, #tpu.memory_space<semaphore_mem>>) src(%arg10 : memref<128x128xf32, #tpu.memory_space<vmem>>) dst(%dma_wait3A_532 : memref<10240x128xf32, #tpu.memory_space<vmem_shared>>)
        tpu.yield
      }) : () -> ()
      %add3A_151 = arith.constant 2 : i32
      %add3A_152 = arith.addi %add3A_111, %add3A_151 : i32
      %lt3A = arith.constant 80 : i32
      %lt3A_153 = arith.cmpi slt, %add3A_152, %lt3A : i32
      %convert_element_type3A = arith.extui %lt3A_153 : i1 to i32
      %cond3A = arith.constant 0 : i32
      %cond3A_154 = arith.cmpi ne, %convert_element_type3A, %cond3A : i32
      scf.if %cond3A_154 {
        %dma_start3A_521 = arith.constant 8 : i32
        %dma_start3A_522 = arith.constant 0 : i32
        %dma_start3A_523 = arith.constant 0 : i32
        %dma_start3A_524 = tpu.memref_slice %arg10[%dma_start3A_522, %dma_start3A_523] : memref<128x128xf32, #tpu.memory_space<vmem>> -> memref<32x128xf32, #tpu.memory_space<vmem>>
        %dma_start3A_525 = arith.constant 0 : i32
        %dma_start3A_526 = tpu.memref_slice %arg8[%dma_start3A_521, %dma_start3A_525] : memref<16x32xi32, #tpu.memory_space<vmem>> -> memref<1x32xi32, #tpu.memory_space<vmem>>
        %dma_start3A_527 = tpu.memref_squeeze %dma_start3A_526 : memref<1x32xi32, #tpu.memory_space<vmem>> -> memref<32xi32, #tpu.memory_space<vmem>>
        %dma_start3A_528 = arith.constant 0 : i32
        %dma_start3A_529 = arith.constant 0 : i32
        %dma_start3A_530 = tpu.memref_slice %arg2[%dma_start3A_528, %dma_start3A_529] : memref<10240x128xf32, #tpu.memory_space<hbm>> -> memref<10240x128xf32, #tpu.memory_space<hbm>>
        tpu.enqueue_indirect_dma source(%dma_start3A_530 : memref<10240x128xf32, #tpu.memory_space<hbm>>) target(%dma_start3A_524 : memref<32x128xf32, #tpu.memory_space<vmem>>) offsets(%dma_start3A_527 : memref<32xi32, #tpu.memory_space<vmem>>) semaphore(%arg13 : memref<!tpu.dma_semaphore, #tpu.memory_space<semaphore_mem>>)
        %dma_start3A_531 = arith.constant 9 : i32
        %dma_start3A_532 = arith.constant 32 : i32
        %dma_start3A_533 = arith.constant 0 : i32
        %dma_start3A_534 = tpu.memref_slice %arg10[%dma_start3A_532, %dma_start3A_533] : memref<128x128xf32, #tpu.memory_space<vmem>> -> memref<32x128xf32, #tpu.memory_space<vmem>>
        %dma_start3A_535 = arith.constant 0 : i32
        %dma_start3A_536 = tpu.memref_slice %arg8[%dma_start3A_531, %dma_start3A_535] : memref<16x32xi32, #tpu.memory_space<vmem>> -> memref<1x32xi32, #tpu.memory_space<vmem>>
        %dma_start3A_537 = tpu.memref_squeeze %dma_start3A_536 : memref<1x32xi32, #tpu.memory_space<vmem>> -> memref<32xi32, #tpu.memory_space<vmem>>
        %dma_start3A_538 = arith.constant 0 : i32
        %dma_start3A_539 = arith.constant 0 : i32
        %dma_start3A_540 = tpu.memref_slice %arg2[%dma_start3A_538, %dma_start3A_539] : memref<10240x128xf32, #tpu.memory_space<hbm>> -> memref<10240x128xf32, #tpu.memory_space<hbm>>
        tpu.enqueue_indirect_dma source(%dma_start3A_540 : memref<10240x128xf32, #tpu.memory_space<hbm>>) target(%dma_start3A_534 : memref<32x128xf32, #tpu.memory_space<vmem>>) offsets(%dma_start3A_537 : memref<32xi32, #tpu.memory_space<vmem>>) semaphore(%arg14 : memref<!tpu.dma_semaphore, #tpu.memory_space<semaphore_mem>>)
        %dma_start3A_541 = arith.constant 10 : i32
        %dma_start3A_542 = arith.constant 64 : i32
        %dma_start3A_543 = arith.constant 0 : i32
        %dma_start3A_544 = tpu.memref_slice %arg10[%dma_start3A_542, %dma_start3A_543] : memref<128x128xf32, #tpu.memory_space<vmem>> -> memref<32x128xf32, #tpu.memory_space<vmem>>
        %dma_start3A_545 = arith.constant 0 : i32
        %dma_start3A_546 = tpu.memref_slice %arg8[%dma_start3A_541, %dma_start3A_545] : memref<16x32xi32, #tpu.memory_space<vmem>> -> memref<1x32xi32, #tpu.memory_space<vmem>>
        %dma_start3A_547 = tpu.memref_squeeze %dma_start3A_546 : memref<1x32xi32, #tpu.memory_space<vmem>> -> memref<32xi32, #tpu.memory_space<vmem>>
        %dma_start3A_548 = arith.constant 0 : i32
        %dma_start3A_549 = arith.constant 0 : i32
        %dma_start3A_550 = tpu.memref_slice %arg2[%dma_start3A_548, %dma_start3A_549] : memref<10240x128xf32, #tpu.memory_space<hbm>> -> memref<10240x128xf32, #tpu.memory_space<hbm>>
        tpu.enqueue_indirect_dma source(%dma_start3A_550 : memref<10240x128xf32, #tpu.memory_space<hbm>>) target(%dma_start3A_544 : memref<32x128xf32, #tpu.memory_space<vmem>>) offsets(%dma_start3A_547 : memref<32xi32, #tpu.memory_space<vmem>>) semaphore(%arg15 : memref<!tpu.dma_semaphore, #tpu.memory_space<semaphore_mem>>)
        %dma_start3A_551 = arith.constant 11 : i32
        %dma_start3A_552 = arith.constant 96 : i32
        %dma_start3A_553 = arith.constant 0 : i32
        %dma_start3A_554 = tpu.memref_slice %arg10[%dma_start3A_552, %dma_start3A_553] : memref<128x128xf32, #tpu.memory_space<vmem>> -> memref<32x128xf32, #tpu.memory_space<vmem>>
        %dma_start3A_555 = arith.constant 0 : i32
        %dma_start3A_556 = tpu.memref_slice %arg8[%dma_start3A_551, %dma_start3A_555] : memref<16x32xi32, #tpu.memory_space<vmem>> -> memref<1x32xi32, #tpu.memory_space<vmem>>
        %dma_start3A_557 = tpu.memref_squeeze %dma_start3A_556 : memref<1x32xi32, #tpu.memory_space<vmem>> -> memref<32xi32, #tpu.memory_space<vmem>>
        %dma_start3A_558 = arith.constant 0 : i32
        %dma_start3A_559 = arith.constant 0 : i32
        %dma_start3A_560 = tpu.memref_slice %arg2[%dma_start3A_558, %dma_start3A_559] : memref<10240x128xf32, #tpu.memory_space<hbm>> -> memref<10240x128xf32, #tpu.memory_space<hbm>>
        tpu.enqueue_indirect_dma source(%dma_start3A_560 : memref<10240x128xf32, #tpu.memory_space<hbm>>) target(%dma_start3A_554 : memref<32x128xf32, #tpu.memory_space<vmem>>) offsets(%dma_start3A_557 : memref<32xi32, #tpu.memory_space<vmem>>) semaphore(%arg16 : memref<!tpu.dma_semaphore, #tpu.memory_space<semaphore_mem>>)
      } else {
      }
      %add3A_155 = arith.constant 1 : i32
      %add3A_156 = arith.addi %mul3A_100, %add3A_155 : i32
      %dma_wait3A_157 = arith.constant 0 : i32
      %dma_wait3A_158 = arith.constant 0 : i32
      %dma_wait3A_159 = arith.constant 0 : i32
      %dma_wait3A_160 = tpu.memref_slice %arg11[%dma_wait3A_158, %dma_wait3A_159] : memref<128x128xf32, #tpu.memory_space<vmem>> -> memref<32x128xf32, #tpu.memory_space<vmem>>
      %dma_wait3A_161 = arith.constant 0 : i32
      %dma_wait3A_162 = tpu.memref_slice %arg8[%dma_wait3A_157, %dma_wait3A_161] : memref<16x32xi32, #tpu.memory_space<vmem>> -> memref<1x32xi32, #tpu.memory_space<vmem>>
      %dma_wait3A_163 = tpu.memref_squeeze %dma_wait3A_162 : memref<1x32xi32, #tpu.memory_space<vmem>> -> memref<32xi32, #tpu.memory_space<vmem>>
      %dma_wait3A_164 = arith.constant 0 : i32
      %dma_wait3A_165 = arith.constant 0 : i32
      %dma_wait3A_166 = tpu.memref_slice %arg2[%dma_wait3A_164, %dma_wait3A_165] : memref<10240x128xf32, #tpu.memory_space<hbm>> -> memref<10240x128xf32, #tpu.memory_space<hbm>>
      tpu.wait_indirect_dma semaphore(%arg17 : memref<!tpu.dma_semaphore, #tpu.memory_space<semaphore_mem>>) src(%dma_wait3A_166 : memref<10240x128xf32, #tpu.memory_space<hbm>>) dst(%dma_wait3A_160 : memref<32x128xf32, #tpu.memory_space<vmem>>)
      %dma_wait3A_167 = arith.constant 0 : i32
      %dma_wait3A_168 = arith.constant 32 : i32
      %dma_wait3A_169 = arith.constant 0 : i32
      %dma_wait3A_170 = tpu.memref_slice %arg11[%dma_wait3A_168, %dma_wait3A_169] : memref<128x128xf32, #tpu.memory_space<vmem>> -> memref<32x128xf32, #tpu.memory_space<vmem>>
      %dma_wait3A_171 = arith.constant 0 : i32
      %dma_wait3A_172 = tpu.memref_slice %arg8[%dma_wait3A_167, %dma_wait3A_171] : memref<16x32xi32, #tpu.memory_space<vmem>> -> memref<1x32xi32, #tpu.memory_space<vmem>>
      %dma_wait3A_173 = tpu.memref_squeeze %dma_wait3A_172 : memref<1x32xi32, #tpu.memory_space<vmem>> -> memref<32xi32, #tpu.memory_space<vmem>>
      %dma_wait3A_174 = arith.constant 0 : i32
      %dma_wait3A_175 = arith.constant 0 : i32
      %dma_wait3A_176 = tpu.memref_slice %arg2[%dma_wait3A_174, %dma_wait3A_175] : memref<10240x128xf32, #tpu.memory_space<hbm>> -> memref<10240x128xf32, #tpu.memory_space<hbm>>
      tpu.wait_indirect_dma semaphore(%arg18 : memref<!tpu.dma_semaphore, #tpu.memory_space<semaphore_mem>>) src(%dma_wait3A_176 : memref<10240x128xf32, #tpu.memory_space<hbm>>) dst(%dma_wait3A_170 : memref<32x128xf32, #tpu.memory_space<vmem>>)
      %dma_wait3A_177 = arith.constant 0 : i32
      %dma_wait3A_178 = arith.constant 64 : i32
      %dma_wait3A_179 = arith.constant 0 : i32
      %dma_wait3A_180 = tpu.memref_slice %arg11[%dma_wait3A_178, %dma_wait3A_179] : memref<128x128xf32, #tpu.memory_space<vmem>> -> memref<32x128xf32, #tpu.memory_space<vmem>>
      %dma_wait3A_181 = arith.constant 0 : i32
      %dma_wait3A_182 = tpu.memref_slice %arg8[%dma_wait3A_177, %dma_wait3A_181] : memref<16x32xi32, #tpu.memory_space<vmem>> -> memref<1x32xi32, #tpu.memory_space<vmem>>
      %dma_wait3A_183 = tpu.memref_squeeze %dma_wait3A_182 : memref<1x32xi32, #tpu.memory_space<vmem>> -> memref<32xi32, #tpu.memory_space<vmem>>
      %dma_wait3A_184 = arith.constant 0 : i32
      %dma_wait3A_185 = arith.constant 0 : i32
      %dma_wait3A_186 = tpu.memref_slice %arg2[%dma_wait3A_184, %dma_wait3A_185] : memref<10240x128xf32, #tpu.memory_space<hbm>> -> memref<10240x128xf32, #tpu.memory_space<hbm>>
      tpu.wait_indirect_dma semaphore(%arg19 : memref<!tpu.dma_semaphore, #tpu.memory_space<semaphore_mem>>) src(%dma_wait3A_186 : memref<10240x128xf32, #tpu.memory_space<hbm>>) dst(%dma_wait3A_180 : memref<32x128xf32, #tpu.memory_space<vmem>>)
      %dma_wait3A_187 = arith.constant 0 : i32
      %dma_wait3A_188 = arith.constant 96 : i32
      %dma_wait3A_189 = arith.constant 0 : i32
      %dma_wait3A_190 = tpu.memref_slice %arg11[%dma_wait3A_188, %dma_wait3A_189] : memref<128x128xf32, #tpu.memory_space<vmem>> -> memref<32x128xf32, #tpu.memory_space<vmem>>
      %dma_wait3A_191 = arith.constant 0 : i32
      %dma_wait3A_192 = tpu.memref_slice %arg8[%dma_wait3A_187, %dma_wait3A_191] : memref<16x32xi32, #tpu.memory_space<vmem>> -> memref<1x32xi32, #tpu.memory_space<vmem>>
      %dma_wait3A_193 = tpu.memref_squeeze %dma_wait3A_192 : memref<1x32xi32, #tpu.memory_space<vmem>> -> memref<32xi32, #tpu.memory_space<vmem>>
      %dma_wait3A_194 = arith.constant 0 : i32
      %dma_wait3A_195 = arith.constant 0 : i32
      %dma_wait3A_196 = tpu.memref_slice %arg2[%dma_wait3A_194, %dma_wait3A_195] : memref<10240x128xf32, #tpu.memory_space<hbm>> -> memref<10240x128xf32, #tpu.memory_space<hbm>>
      tpu.wait_indirect_dma semaphore(%arg20 : memref<!tpu.dma_semaphore, #tpu.memory_space<semaphore_mem>>) src(%dma_wait3A_196 : memref<10240x128xf32, #tpu.memory_space<hbm>>) dst(%dma_wait3A_190 : memref<32x128xf32, #tpu.memory_space<vmem>>)
      "tpu.region"() ({
        %run_scoped3A = tpu.sem_alloc : memref<!tpu.dma_semaphore, #tpu.memory_space<semaphore_mem>>
        %dma_start3A_521 = arith.constant 0 : i32
        %dma_start3A_522 = tpu.memref_slice %arg7[%add3A_156, %dma_start3A_521] : memref<80x128xi32, #tpu.memory_space<vmem>> -> memref<1x128xi32, #tpu.memory_space<vmem>>
        %dma_start3A_523 = tpu.memref_squeeze %dma_start3A_522 : memref<1x128xi32, #tpu.memory_space<vmem>> -> memref<128xi32, #tpu.memory_space<vmem>>
        %dma_start3A_524 = arith.constant 0 : i32
        %dma_start3A_525 = arith.constant 0 : i32
        %dma_start3A_526 = tpu.memref_slice %arg12[%dma_start3A_524, %dma_start3A_525] : memref<10240x128xf32, #tpu.memory_space<vmem_shared>> -> memref<10240x128xf32, #tpu.memory_space<vmem_shared>>
        tpu.enqueue_indirect_dma source(%arg11 : memref<128x128xf32, #tpu.memory_space<vmem>>) target(%dma_start3A_526 : memref<10240x128xf32, #tpu.memory_space<vmem_shared>>) offsets(%dma_start3A_523 : memref<128xi32, #tpu.memory_space<vmem>>) semaphore(%run_scoped3A : memref<!tpu.dma_semaphore, #tpu.memory_space<semaphore_mem>>) {add = true}
        %dma_wait3A_527 = arith.constant 0 : i32
        %dma_wait3A_528 = tpu.memref_slice %arg7[%add3A_156, %dma_wait3A_527] : memref<80x128xi32, #tpu.memory_space<vmem>> -> memref<1x128xi32, #tpu.memory_space<vmem>>
        %dma_wait3A_529 = tpu.memref_squeeze %dma_wait3A_528 : memref<1x128xi32, #tpu.memory_space<vmem>> -> memref<128xi32, #tpu.memory_space<vmem>>
        %dma_wait3A_530 = arith.constant 0 : i32
        %dma_wait3A_531 = arith.constant 0 : i32
        %dma_wait3A_532 = tpu.memref_slice %arg12[%dma_wait3A_530, %dma_wait3A_531] : memref<10240x128xf32, #tpu.memory_space<vmem_shared>> -> memref<10240x128xf32, #tpu.memory_space<vmem_shared>>
        tpu.wait_indirect_dma semaphore(%run_scoped3A : memref<!tpu.dma_semaphore, #tpu.memory_space<semaphore_mem>>) src(%arg11 : memref<128x128xf32, #tpu.memory_space<vmem>>) dst(%dma_wait3A_532 : memref<10240x128xf32, #tpu.memory_space<vmem_shared>>)
        tpu.yield
      }) : () -> ()
      %add3A_197 = arith.constant 2 : i32
      %add3A_198 = arith.addi %add3A_156, %add3A_197 : i32
      %lt3A_199 = arith.constant 80 : i32
      %lt3A_200 = arith.cmpi slt, %add3A_198, %lt3A_199 : i32
      %convert_element_type3A_201 = arith.extui %lt3A_200 : i1 to i32
      %cond3A_202 = arith.constant 0 : i32
      %cond3A_203 = arith.cmpi ne, %convert_element_type3A_201, %cond3A_202 : i32
      scf.if %cond3A_203 {
        %dma_start3A_521 = arith.constant 12 : i32
        %dma_start3A_522 = arith.constant 0 : i32
        %dma_start3A_523 = arith.constant 0 : i32
        %dma_start3A_524 = tpu.memref_slice %arg11[%dma_start3A_522, %dma_start3A_523] : memref<128x128xf32, #tpu.memory_space<vmem>> -> memref<32x128xf32, #tpu.memory_space<vmem>>
        %dma_start3A_525 = arith.constant 0 : i32
        %dma_start3A_526 = tpu.memref_slice %arg8[%dma_start3A_521, %dma_start3A_525] : memref<16x32xi32, #tpu.memory_space<vmem>> -> memref<1x32xi32, #tpu.memory_space<vmem>>
        %dma_start3A_527 = tpu.memref_squeeze %dma_start3A_526 : memref<1x32xi32, #tpu.memory_space<vmem>> -> memref<32xi32, #tpu.memory_space<vmem>>
        %dma_start3A_528 = arith.constant 0 : i32
        %dma_start3A_529 = arith.constant 0 : i32
        %dma_start3A_530 = tpu.memref_slice %arg2[%dma_start3A_528, %dma_start3A_529] : memref<10240x128xf32, #tpu.memory_space<hbm>> -> memref<10240x128xf32, #tpu.memory_space<hbm>>
        tpu.enqueue_indirect_dma source(%dma_start3A_530 : memref<10240x128xf32, #tpu.memory_space<hbm>>) target(%dma_start3A_524 : memref<32x128xf32, #tpu.memory_space<vmem>>) offsets(%dma_start3A_527 : memref<32xi32, #tpu.memory_space<vmem>>) semaphore(%arg17 : memref<!tpu.dma_semaphore, #tpu.memory_space<semaphore_mem>>)
        %dma_start3A_531 = arith.constant 13 : i32
        %dma_start3A_532 = arith.constant 32 : i32
        %dma_start3A_533 = arith.constant 0 : i32
        %dma_start3A_534 = tpu.memref_slice %arg11[%dma_start3A_532, %dma_start3A_533] : memref<128x128xf32, #tpu.memory_space<vmem>> -> memref<32x128xf32, #tpu.memory_space<vmem>>
        %dma_start3A_535 = arith.constant 0 : i32
        %dma_start3A_536 = tpu.memref_slice %arg8[%dma_start3A_531, %dma_start3A_535] : memref<16x32xi32, #tpu.memory_space<vmem>> -> memref<1x32xi32, #tpu.memory_space<vmem>>
        %dma_start3A_537 = tpu.memref_squeeze %dma_start3A_536 : memref<1x32xi32, #tpu.memory_space<vmem>> -> memref<32xi32, #tpu.memory_space<vmem>>
        %dma_start3A_538 = arith.constant 0 : i32
        %dma_start3A_539 = arith.constant 0 : i32
        %dma_start3A_540 = tpu.memref_slice %arg2[%dma_start3A_538, %dma_start3A_539] : memref<10240x128xf32, #tpu.memory_space<hbm>> -> memref<10240x128xf32, #tpu.memory_space<hbm>>
        tpu.enqueue_indirect_dma source(%dma_start3A_540 : memref<10240x128xf32, #tpu.memory_space<hbm>>) target(%dma_start3A_534 : memref<32x128xf32, #tpu.memory_space<vmem>>) offsets(%dma_start3A_537 : memref<32xi32, #tpu.memory_space<vmem>>) semaphore(%arg18 : memref<!tpu.dma_semaphore, #tpu.memory_space<semaphore_mem>>)
        %dma_start3A_541 = arith.constant 14 : i32
        %dma_start3A_542 = arith.constant 64 : i32
        %dma_start3A_543 = arith.constant 0 : i32
        %dma_start3A_544 = tpu.memref_slice %arg11[%dma_start3A_542, %dma_start3A_543] : memref<128x128xf32, #tpu.memory_space<vmem>> -> memref<32x128xf32, #tpu.memory_space<vmem>>
        %dma_start3A_545 = arith.constant 0 : i32
        %dma_start3A_546 = tpu.memref_slice %arg8[%dma_start3A_541, %dma_start3A_545] : memref<16x32xi32, #tpu.memory_space<vmem>> -> memref<1x32xi32, #tpu.memory_space<vmem>>
        %dma_start3A_547 = tpu.memref_squeeze %dma_start3A_546 : memref<1x32xi32, #tpu.memory_space<vmem>> -> memref<32xi32, #tpu.memory_space<vmem>>
        %dma_start3A_548 = arith.constant 0 : i32
        %dma_start3A_549 = arith.constant 0 : i32
        %dma_start3A_550 = tpu.memref_slice %arg2[%dma_start3A_548, %dma_start3A_549] : memref<10240x128xf32, #tpu.memory_space<hbm>> -> memref<10240x128xf32, #tpu.memory_space<hbm>>
        tpu.enqueue_indirect_dma source(%dma_start3A_550 : memref<10240x128xf32, #tpu.memory_space<hbm>>) target(%dma_start3A_544 : memref<32x128xf32, #tpu.memory_space<vmem>>) offsets(%dma_start3A_547 : memref<32xi32, #tpu.memory_space<vmem>>) semaphore(%arg19 : memref<!tpu.dma_semaphore, #tpu.memory_space<semaphore_mem>>)
        %dma_start3A_551 = arith.constant 15 : i32
        %dma_start3A_552 = arith.constant 96 : i32
        %dma_start3A_553 = arith.constant 0 : i32
        %dma_start3A_554 = tpu.memref_slice %arg11[%dma_start3A_552, %dma_start3A_553] : memref<128x128xf32, #tpu.memory_space<vmem>> -> memref<32x128xf32, #tpu.memory_space<vmem>>
        %dma_start3A_555 = arith.constant 0 : i32
        %dma_start3A_556 = tpu.memref_slice %arg8[%dma_start3A_551, %dma_start3A_555] : memref<16x32xi32, #tpu.memory_space<vmem>> -> memref<1x32xi32, #tpu.memory_space<vmem>>
        %dma_start3A_557 = tpu.memref_squeeze %dma_start3A_556 : memref<1x32xi32, #tpu.memory_space<vmem>> -> memref<32xi32, #tpu.memory_space<vmem>>
        %dma_start3A_558 = arith.constant 0 : i32
        %dma_start3A_559 = arith.constant 0 : i32
        %dma_start3A_560 = tpu.memref_slice %arg2[%dma_start3A_558, %dma_start3A_559] : memref<10240x128xf32, #tpu.memory_space<hbm>> -> memref<10240x128xf32, #tpu.memory_space<hbm>>
        tpu.enqueue_indirect_dma source(%dma_start3A_560 : memref<10240x128xf32, #tpu.memory_space<hbm>>) target(%dma_start3A_554 : memref<32x128xf32, #tpu.memory_space<vmem>>) offsets(%dma_start3A_557 : memref<32xi32, #tpu.memory_space<vmem>>) semaphore(%arg20 : memref<!tpu.dma_semaphore, #tpu.memory_space<semaphore_mem>>)
      } else {
      }
      %add3A_204 = arith.constant 2 : i32
      %add3A_205 = arith.addi %mul3A_100, %add3A_204 : i32
      %add3A_206 = arith.constant 4 : i32
      %add3A_207 = arith.addi %mul3A_100, %add3A_206 : i32
      %mul3A_208 = arith.constant 4 : i32
      %mul3A_209 = arith.muli %add3A_207, %mul3A_208 : i32
      %add3A_210 = arith.addi %mul3A_4, %mul3A_209 : i32
      %dma_wait3A_211 = arith.constant 0 : i32
      %dma_wait3A_212 = tpu.memref_slice %arg3[%add3A_210, %dma_wait3A_211] : memref<10240x32xi32, #tpu.memory_space<hbm>> -> memref<16x32xi32, #tpu.memory_space<hbm>>
      %dma_wait3A_213 = arith.constant 0 : i32
      %dma_wait3A_214 = tpu.memref_slice %arg3[%add3A_210, %dma_wait3A_213] : memref<10240x32xi32, #tpu.memory_space<hbm>> -> memref<16x32xi32, #tpu.memory_space<hbm>>
      tpu.wait_dma2 semaphore(%arg22 : memref<!tpu.dma_semaphore, #tpu.memory_space<semaphore_mem>>) src(%dma_wait3A_214 : memref<16x32xi32, #tpu.memory_space<hbm>>) dst(%arg9 : memref<16x32xi32, #tpu.memory_space<vmem>>)
      %dma_wait3A_215 = arith.constant 0 : i32
      %dma_wait3A_216 = arith.constant 0 : i32
      %dma_wait3A_217 = arith.constant 0 : i32
      %dma_wait3A_218 = tpu.memref_slice %arg10[%dma_wait3A_216, %dma_wait3A_217] : memref<128x128xf32, #tpu.memory_space<vmem>> -> memref<32x128xf32, #tpu.memory_space<vmem>>
      %dma_wait3A_219 = arith.constant 0 : i32
      %dma_wait3A_220 = tpu.memref_slice %arg8[%dma_wait3A_215, %dma_wait3A_219] : memref<16x32xi32, #tpu.memory_space<vmem>> -> memref<1x32xi32, #tpu.memory_space<vmem>>
      %dma_wait3A_221 = tpu.memref_squeeze %dma_wait3A_220 : memref<1x32xi32, #tpu.memory_space<vmem>> -> memref<32xi32, #tpu.memory_space<vmem>>
      %dma_wait3A_222 = arith.constant 0 : i32
      %dma_wait3A_223 = arith.constant 0 : i32
      %dma_wait3A_224 = tpu.memref_slice %arg2[%dma_wait3A_222, %dma_wait3A_223] : memref<10240x128xf32, #tpu.memory_space<hbm>> -> memref<10240x128xf32, #tpu.memory_space<hbm>>
      tpu.wait_indirect_dma semaphore(%arg13 : memref<!tpu.dma_semaphore, #tpu.memory_space<semaphore_mem>>) src(%dma_wait3A_224 : memref<10240x128xf32, #tpu.memory_space<hbm>>) dst(%dma_wait3A_218 : memref<32x128xf32, #tpu.memory_space<vmem>>)
      %dma_wait3A_225 = arith.constant 0 : i32
      %dma_wait3A_226 = arith.constant 32 : i32
      %dma_wait3A_227 = arith.constant 0 : i32
      %dma_wait3A_228 = tpu.memref_slice %arg10[%dma_wait3A_226, %dma_wait3A_227] : memref<128x128xf32, #tpu.memory_space<vmem>> -> memref<32x128xf32, #tpu.memory_space<vmem>>
      %dma_wait3A_229 = arith.constant 0 : i32
      %dma_wait3A_230 = tpu.memref_slice %arg8[%dma_wait3A_225, %dma_wait3A_229] : memref<16x32xi32, #tpu.memory_space<vmem>> -> memref<1x32xi32, #tpu.memory_space<vmem>>
      %dma_wait3A_231 = tpu.memref_squeeze %dma_wait3A_230 : memref<1x32xi32, #tpu.memory_space<vmem>> -> memref<32xi32, #tpu.memory_space<vmem>>
      %dma_wait3A_232 = arith.constant 0 : i32
      %dma_wait3A_233 = arith.constant 0 : i32
      %dma_wait3A_234 = tpu.memref_slice %arg2[%dma_wait3A_232, %dma_wait3A_233] : memref<10240x128xf32, #tpu.memory_space<hbm>> -> memref<10240x128xf32, #tpu.memory_space<hbm>>
      tpu.wait_indirect_dma semaphore(%arg14 : memref<!tpu.dma_semaphore, #tpu.memory_space<semaphore_mem>>) src(%dma_wait3A_234 : memref<10240x128xf32, #tpu.memory_space<hbm>>) dst(%dma_wait3A_228 : memref<32x128xf32, #tpu.memory_space<vmem>>)
      %dma_wait3A_235 = arith.constant 0 : i32
      %dma_wait3A_236 = arith.constant 64 : i32
      %dma_wait3A_237 = arith.constant 0 : i32
      %dma_wait3A_238 = tpu.memref_slice %arg10[%dma_wait3A_236, %dma_wait3A_237] : memref<128x128xf32, #tpu.memory_space<vmem>> -> memref<32x128xf32, #tpu.memory_space<vmem>>
      %dma_wait3A_239 = arith.constant 0 : i32
      %dma_wait3A_240 = tpu.memref_slice %arg8[%dma_wait3A_235, %dma_wait3A_239] : memref<16x32xi32, #tpu.memory_space<vmem>> -> memref<1x32xi32, #tpu.memory_space<vmem>>
      %dma_wait3A_241 = tpu.memref_squeeze %dma_wait3A_240 : memref<1x32xi32, #tpu.memory_space<vmem>> -> memref<32xi32, #tpu.memory_space<vmem>>
      %dma_wait3A_242 = arith.constant 0 : i32
      %dma_wait3A_243 = arith.constant 0 : i32
      %dma_wait3A_244 = tpu.memref_slice %arg2[%dma_wait3A_242, %dma_wait3A_243] : memref<10240x128xf32, #tpu.memory_space<hbm>> -> memref<10240x128xf32, #tpu.memory_space<hbm>>
      tpu.wait_indirect_dma semaphore(%arg15 : memref<!tpu.dma_semaphore, #tpu.memory_space<semaphore_mem>>) src(%dma_wait3A_244 : memref<10240x128xf32, #tpu.memory_space<hbm>>) dst(%dma_wait3A_238 : memref<32x128xf32, #tpu.memory_space<vmem>>)
      %dma_wait3A_245 = arith.constant 0 : i32
      %dma_wait3A_246 = arith.constant 96 : i32
      %dma_wait3A_247 = arith.constant 0 : i32
      %dma_wait3A_248 = tpu.memref_slice %arg10[%dma_wait3A_246, %dma_wait3A_247] : memref<128x128xf32, #tpu.memory_space<vmem>> -> memref<32x128xf32, #tpu.memory_space<vmem>>
      %dma_wait3A_249 = arith.constant 0 : i32
      %dma_wait3A_250 = tpu.memref_slice %arg8[%dma_wait3A_245, %dma_wait3A_249] : memref<16x32xi32, #tpu.memory_space<vmem>> -> memref<1x32xi32, #tpu.memory_space<vmem>>
      %dma_wait3A_251 = tpu.memref_squeeze %dma_wait3A_250 : memref<1x32xi32, #tpu.memory_space<vmem>> -> memref<32xi32, #tpu.memory_space<vmem>>
      %dma_wait3A_252 = arith.constant 0 : i32
      %dma_wait3A_253 = arith.constant 0 : i32
      %dma_wait3A_254 = tpu.memref_slice %arg2[%dma_wait3A_252, %dma_wait3A_253] : memref<10240x128xf32, #tpu.memory_space<hbm>> -> memref<10240x128xf32, #tpu.memory_space<hbm>>
      tpu.wait_indirect_dma semaphore(%arg16 : memref<!tpu.dma_semaphore, #tpu.memory_space<semaphore_mem>>) src(%dma_wait3A_254 : memref<10240x128xf32, #tpu.memory_space<hbm>>) dst(%dma_wait3A_248 : memref<32x128xf32, #tpu.memory_space<vmem>>)
      "tpu.region"() ({
        %run_scoped3A = tpu.sem_alloc : memref<!tpu.dma_semaphore, #tpu.memory_space<semaphore_mem>>
        %dma_start3A_521 = arith.constant 0 : i32
        %dma_start3A_522 = tpu.memref_slice %arg7[%add3A_205, %dma_start3A_521] : memref<80x128xi32, #tpu.memory_space<vmem>> -> memref<1x128xi32, #tpu.memory_space<vmem>>
        %dma_start3A_523 = tpu.memref_squeeze %dma_start3A_522 : memref<1x128xi32, #tpu.memory_space<vmem>> -> memref<128xi32, #tpu.memory_space<vmem>>
        %dma_start3A_524 = arith.constant 0 : i32
        %dma_start3A_525 = arith.constant 0 : i32
        %dma_start3A_526 = tpu.memref_slice %arg12[%dma_start3A_524, %dma_start3A_525] : memref<10240x128xf32, #tpu.memory_space<vmem_shared>> -> memref<10240x128xf32, #tpu.memory_space<vmem_shared>>
        tpu.enqueue_indirect_dma source(%arg10 : memref<128x128xf32, #tpu.memory_space<vmem>>) target(%dma_start3A_526 : memref<10240x128xf32, #tpu.memory_space<vmem_shared>>) offsets(%dma_start3A_523 : memref<128xi32, #tpu.memory_space<vmem>>) semaphore(%run_scoped3A : memref<!tpu.dma_semaphore, #tpu.memory_space<semaphore_mem>>) {add = true}
        %dma_wait3A_527 = arith.constant 0 : i32
        %dma_wait3A_528 = tpu.memref_slice %arg7[%add3A_205, %dma_wait3A_527] : memref<80x128xi32, #tpu.memory_space<vmem>> -> memref<1x128xi32, #tpu.memory_space<vmem>>
        %dma_wait3A_529 = tpu.memref_squeeze %dma_wait3A_528 : memref<1x128xi32, #tpu.memory_space<vmem>> -> memref<128xi32, #tpu.memory_space<vmem>>
        %dma_wait3A_530 = arith.constant 0 : i32
        %dma_wait3A_531 = arith.constant 0 : i32
        %dma_wait3A_532 = tpu.memref_slice %arg12[%dma_wait3A_530, %dma_wait3A_531] : memref<10240x128xf32, #tpu.memory_space<vmem_shared>> -> memref<10240x128xf32, #tpu.memory_space<vmem_shared>>
        tpu.wait_indirect_dma semaphore(%run_scoped3A : memref<!tpu.dma_semaphore, #tpu.memory_space<semaphore_mem>>) src(%arg10 : memref<128x128xf32, #tpu.memory_space<vmem>>) dst(%dma_wait3A_532 : memref<10240x128xf32, #tpu.memory_space<vmem_shared>>)
        tpu.yield
      }) : () -> ()
      %add3A_255 = arith.constant 2 : i32
      %add3A_256 = arith.addi %add3A_205, %add3A_255 : i32
      %lt3A_257 = arith.constant 80 : i32
      %lt3A_258 = arith.cmpi slt, %add3A_256, %lt3A_257 : i32
      %convert_element_type3A_259 = arith.extui %lt3A_258 : i1 to i32
      %cond3A_260 = arith.constant 0 : i32
      %cond3A_261 = arith.cmpi ne, %convert_element_type3A_259, %cond3A_260 : i32
      scf.if %cond3A_261 {
        %dma_start3A_521 = arith.constant 0 : i32
        %dma_start3A_522 = arith.constant 0 : i32
        %dma_start3A_523 = arith.constant 0 : i32
        %dma_start3A_524 = tpu.memref_slice %arg10[%dma_start3A_522, %dma_start3A_523] : memref<128x128xf32, #tpu.memory_space<vmem>> -> memref<32x128xf32, #tpu.memory_space<vmem>>
        %dma_start3A_525 = arith.constant 0 : i32
        %dma_start3A_526 = tpu.memref_slice %arg9[%dma_start3A_521, %dma_start3A_525] : memref<16x32xi32, #tpu.memory_space<vmem>> -> memref<1x32xi32, #tpu.memory_space<vmem>>
        %dma_start3A_527 = tpu.memref_squeeze %dma_start3A_526 : memref<1x32xi32, #tpu.memory_space<vmem>> -> memref<32xi32, #tpu.memory_space<vmem>>
        %dma_start3A_528 = arith.constant 0 : i32
        %dma_start3A_529 = arith.constant 0 : i32
        %dma_start3A_530 = tpu.memref_slice %arg2[%dma_start3A_528, %dma_start3A_529] : memref<10240x128xf32, #tpu.memory_space<hbm>> -> memref<10240x128xf32, #tpu.memory_space<hbm>>
        tpu.enqueue_indirect_dma source(%dma_start3A_530 : memref<10240x128xf32, #tpu.memory_space<hbm>>) target(%dma_start3A_524 : memref<32x128xf32, #tpu.memory_space<vmem>>) offsets(%dma_start3A_527 : memref<32xi32, #tpu.memory_space<vmem>>) semaphore(%arg13 : memref<!tpu.dma_semaphore, #tpu.memory_space<semaphore_mem>>)
        %dma_start3A_531 = arith.constant 1 : i32
        %dma_start3A_532 = arith.constant 32 : i32
        %dma_start3A_533 = arith.constant 0 : i32
        %dma_start3A_534 = tpu.memref_slice %arg10[%dma_start3A_532, %dma_start3A_533] : memref<128x128xf32, #tpu.memory_space<vmem>> -> memref<32x128xf32, #tpu.memory_space<vmem>>
        %dma_start3A_535 = arith.constant 0 : i32
        %dma_start3A_536 = tpu.memref_slice %arg9[%dma_start3A_531, %dma_start3A_535] : memref<16x32xi32, #tpu.memory_space<vmem>> -> memref<1x32xi32, #tpu.memory_space<vmem>>
        %dma_start3A_537 = tpu.memref_squeeze %dma_start3A_536 : memref<1x32xi32, #tpu.memory_space<vmem>> -> memref<32xi32, #tpu.memory_space<vmem>>
        %dma_start3A_538 = arith.constant 0 : i32
        %dma_start3A_539 = arith.constant 0 : i32
        %dma_start3A_540 = tpu.memref_slice %arg2[%dma_start3A_538, %dma_start3A_539] : memref<10240x128xf32, #tpu.memory_space<hbm>> -> memref<10240x128xf32, #tpu.memory_space<hbm>>
        tpu.enqueue_indirect_dma source(%dma_start3A_540 : memref<10240x128xf32, #tpu.memory_space<hbm>>) target(%dma_start3A_534 : memref<32x128xf32, #tpu.memory_space<vmem>>) offsets(%dma_start3A_537 : memref<32xi32, #tpu.memory_space<vmem>>) semaphore(%arg14 : memref<!tpu.dma_semaphore, #tpu.memory_space<semaphore_mem>>)
        %dma_start3A_541 = arith.constant 2 : i32
        %dma_start3A_542 = arith.constant 64 : i32
        %dma_start3A_543 = arith.constant 0 : i32
        %dma_start3A_544 = tpu.memref_slice %arg10[%dma_start3A_542, %dma_start3A_543] : memref<128x128xf32, #tpu.memory_space<vmem>> -> memref<32x128xf32, #tpu.memory_space<vmem>>
        %dma_start3A_545 = arith.constant 0 : i32
        %dma_start3A_546 = tpu.memref_slice %arg9[%dma_start3A_541, %dma_start3A_545] : memref<16x32xi32, #tpu.memory_space<vmem>> -> memref<1x32xi32, #tpu.memory_space<vmem>>
        %dma_start3A_547 = tpu.memref_squeeze %dma_start3A_546 : memref<1x32xi32, #tpu.memory_space<vmem>> -> memref<32xi32, #tpu.memory_space<vmem>>
        %dma_start3A_548 = arith.constant 0 : i32
        %dma_start3A_549 = arith.constant 0 : i32
        %dma_start3A_550 = tpu.memref_slice %arg2[%dma_start3A_548, %dma_start3A_549] : memref<10240x128xf32, #tpu.memory_space<hbm>> -> memref<10240x128xf32, #tpu.memory_space<hbm>>
        tpu.enqueue_indirect_dma source(%dma_start3A_550 : memref<10240x128xf32, #tpu.memory_space<hbm>>) target(%dma_start3A_544 : memref<32x128xf32, #tpu.memory_space<vmem>>) offsets(%dma_start3A_547 : memref<32xi32, #tpu.memory_space<vmem>>) semaphore(%arg15 : memref<!tpu.dma_semaphore, #tpu.memory_space<semaphore_mem>>)
        %dma_start3A_551 = arith.constant 3 : i32
        %dma_start3A_552 = arith.constant 96 : i32
        %dma_start3A_553 = arith.constant 0 : i32
        %dma_start3A_554 = tpu.memref_slice %arg10[%dma_start3A_552, %dma_start3A_553] : memref<128x128xf32, #tpu.memory_space<vmem>> -> memref<32x128xf32, #tpu.memory_space<vmem>>
        %dma_start3A_555 = arith.constant 0 : i32
        %dma_start3A_556 = tpu.memref_slice %arg9[%dma_start3A_551, %dma_start3A_555] : memref<16x32xi32, #tpu.memory_space<vmem>> -> memref<1x32xi32, #tpu.memory_space<vmem>>
        %dma_start3A_557 = tpu.memref_squeeze %dma_start3A_556 : memref<1x32xi32, #tpu.memory_space<vmem>> -> memref<32xi32, #tpu.memory_space<vmem>>
        %dma_start3A_558 = arith.constant 0 : i32
        %dma_start3A_559 = arith.constant 0 : i32
        %dma_start3A_560 = tpu.memref_slice %arg2[%dma_start3A_558, %dma_start3A_559] : memref<10240x128xf32, #tpu.memory_space<hbm>> -> memref<10240x128xf32, #tpu.memory_space<hbm>>
        tpu.enqueue_indirect_dma source(%dma_start3A_560 : memref<10240x128xf32, #tpu.memory_space<hbm>>) target(%dma_start3A_554 : memref<32x128xf32, #tpu.memory_space<vmem>>) offsets(%dma_start3A_557 : memref<32xi32, #tpu.memory_space<vmem>>) semaphore(%arg16 : memref<!tpu.dma_semaphore, #tpu.memory_space<semaphore_mem>>)
      } else {
      }
      %add3A_262 = arith.constant 3 : i32
      %add3A_263 = arith.addi %mul3A_100, %add3A_262 : i32
      %dma_wait3A_264 = arith.constant 0 : i32
      %dma_wait3A_265 = arith.constant 0 : i32
      %dma_wait3A_266 = arith.constant 0 : i32
      %dma_wait3A_267 = tpu.memref_slice %arg11[%dma_wait3A_265, %dma_wait3A_266] : memref<128x128xf32, #tpu.memory_space<vmem>> -> memref<32x128xf32, #tpu.memory_space<vmem>>
      %dma_wait3A_268 = arith.constant 0 : i32
      %dma_wait3A_269 = tpu.memref_slice %arg8[%dma_wait3A_264, %dma_wait3A_268] : memref<16x32xi32, #tpu.memory_space<vmem>> -> memref<1x32xi32, #tpu.memory_space<vmem>>
      %dma_wait3A_270 = tpu.memref_squeeze %dma_wait3A_269 : memref<1x32xi32, #tpu.memory_space<vmem>> -> memref<32xi32, #tpu.memory_space<vmem>>
      %dma_wait3A_271 = arith.constant 0 : i32
      %dma_wait3A_272 = arith.constant 0 : i32
      %dma_wait3A_273 = tpu.memref_slice %arg2[%dma_wait3A_271, %dma_wait3A_272] : memref<10240x128xf32, #tpu.memory_space<hbm>> -> memref<10240x128xf32, #tpu.memory_space<hbm>>
      tpu.wait_indirect_dma semaphore(%arg17 : memref<!tpu.dma_semaphore, #tpu.memory_space<semaphore_mem>>) src(%dma_wait3A_273 : memref<10240x128xf32, #tpu.memory_space<hbm>>) dst(%dma_wait3A_267 : memref<32x128xf32, #tpu.memory_space<vmem>>)
      %dma_wait3A_274 = arith.constant 0 : i32
      %dma_wait3A_275 = arith.constant 32 : i32
      %dma_wait3A_276 = arith.constant 0 : i32
      %dma_wait3A_277 = tpu.memref_slice %arg11[%dma_wait3A_275, %dma_wait3A_276] : memref<128x128xf32, #tpu.memory_space<vmem>> -> memref<32x128xf32, #tpu.memory_space<vmem>>
      %dma_wait3A_278 = arith.constant 0 : i32
      %dma_wait3A_279 = tpu.memref_slice %arg8[%dma_wait3A_274, %dma_wait3A_278] : memref<16x32xi32, #tpu.memory_space<vmem>> -> memref<1x32xi32, #tpu.memory_space<vmem>>
      %dma_wait3A_280 = tpu.memref_squeeze %dma_wait3A_279 : memref<1x32xi32, #tpu.memory_space<vmem>> -> memref<32xi32, #tpu.memory_space<vmem>>
      %dma_wait3A_281 = arith.constant 0 : i32
      %dma_wait3A_282 = arith.constant 0 : i32
      %dma_wait3A_283 = tpu.memref_slice %arg2[%dma_wait3A_281, %dma_wait3A_282] : memref<10240x128xf32, #tpu.memory_space<hbm>> -> memref<10240x128xf32, #tpu.memory_space<hbm>>
      tpu.wait_indirect_dma semaphore(%arg18 : memref<!tpu.dma_semaphore, #tpu.memory_space<semaphore_mem>>) src(%dma_wait3A_283 : memref<10240x128xf32, #tpu.memory_space<hbm>>) dst(%dma_wait3A_277 : memref<32x128xf32, #tpu.memory_space<vmem>>)
      %dma_wait3A_284 = arith.constant 0 : i32
      %dma_wait3A_285 = arith.constant 64 : i32
      %dma_wait3A_286 = arith.constant 0 : i32
      %dma_wait3A_287 = tpu.memref_slice %arg11[%dma_wait3A_285, %dma_wait3A_286] : memref<128x128xf32, #tpu.memory_space<vmem>> -> memref<32x128xf32, #tpu.memory_space<vmem>>
      %dma_wait3A_288 = arith.constant 0 : i32
      %dma_wait3A_289 = tpu.memref_slice %arg8[%dma_wait3A_284, %dma_wait3A_288] : memref<16x32xi32, #tpu.memory_space<vmem>> -> memref<1x32xi32, #tpu.memory_space<vmem>>
      %dma_wait3A_290 = tpu.memref_squeeze %dma_wait3A_289 : memref<1x32xi32, #tpu.memory_space<vmem>> -> memref<32xi32, #tpu.memory_space<vmem>>
      %dma_wait3A_291 = arith.constant 0 : i32
      %dma_wait3A_292 = arith.constant 0 : i32
      %dma_wait3A_293 = tpu.memref_slice %arg2[%dma_wait3A_291, %dma_wait3A_292] : memref<10240x128xf32, #tpu.memory_space<hbm>> -> memref<10240x128xf32, #tpu.memory_space<hbm>>
      tpu.wait_indirect_dma semaphore(%arg19 : memref<!tpu.dma_semaphore, #tpu.memory_space<semaphore_mem>>) src(%dma_wait3A_293 : memref<10240x128xf32, #tpu.memory_space<hbm>>) dst(%dma_wait3A_287 : memref<32x128xf32, #tpu.memory_space<vmem>>)
      %dma_wait3A_294 = arith.constant 0 : i32
      %dma_wait3A_295 = arith.constant 96 : i32
      %dma_wait3A_296 = arith.constant 0 : i32
      %dma_wait3A_297 = tpu.memref_slice %arg11[%dma_wait3A_295, %dma_wait3A_296] : memref<128x128xf32, #tpu.memory_space<vmem>> -> memref<32x128xf32, #tpu.memory_space<vmem>>
      %dma_wait3A_298 = arith.constant 0 : i32
      %dma_wait3A_299 = tpu.memref_slice %arg8[%dma_wait3A_294, %dma_wait3A_298] : memref<16x32xi32, #tpu.memory_space<vmem>> -> memref<1x32xi32, #tpu.memory_space<vmem>>
      %dma_wait3A_300 = tpu.memref_squeeze %dma_wait3A_299 : memref<1x32xi32, #tpu.memory_space<vmem>> -> memref<32xi32, #tpu.memory_space<vmem>>
      %dma_wait3A_301 = arith.constant 0 : i32
      %dma_wait3A_302 = arith.constant 0 : i32
      %dma_wait3A_303 = tpu.memref_slice %arg2[%dma_wait3A_301, %dma_wait3A_302] : memref<10240x128xf32, #tpu.memory_space<hbm>> -> memref<10240x128xf32, #tpu.memory_space<hbm>>
      tpu.wait_indirect_dma semaphore(%arg20 : memref<!tpu.dma_semaphore, #tpu.memory_space<semaphore_mem>>) src(%dma_wait3A_303 : memref<10240x128xf32, #tpu.memory_space<hbm>>) dst(%dma_wait3A_297 : memref<32x128xf32, #tpu.memory_space<vmem>>)
      "tpu.region"() ({
        %run_scoped3A = tpu.sem_alloc : memref<!tpu.dma_semaphore, #tpu.memory_space<semaphore_mem>>
        %dma_start3A_521 = arith.constant 0 : i32
        %dma_start3A_522 = tpu.memref_slice %arg7[%add3A_263, %dma_start3A_521] : memref<80x128xi32, #tpu.memory_space<vmem>> -> memref<1x128xi32, #tpu.memory_space<vmem>>
        %dma_start3A_523 = tpu.memref_squeeze %dma_start3A_522 : memref<1x128xi32, #tpu.memory_space<vmem>> -> memref<128xi32, #tpu.memory_space<vmem>>
        %dma_start3A_524 = arith.constant 0 : i32
        %dma_start3A_525 = arith.constant 0 : i32
        %dma_start3A_526 = tpu.memref_slice %arg12[%dma_start3A_524, %dma_start3A_525] : memref<10240x128xf32, #tpu.memory_space<vmem_shared>> -> memref<10240x128xf32, #tpu.memory_space<vmem_shared>>
        tpu.enqueue_indirect_dma source(%arg11 : memref<128x128xf32, #tpu.memory_space<vmem>>) target(%dma_start3A_526 : memref<10240x128xf32, #tpu.memory_space<vmem_shared>>) offsets(%dma_start3A_523 : memref<128xi32, #tpu.memory_space<vmem>>) semaphore(%run_scoped3A : memref<!tpu.dma_semaphore, #tpu.memory_space<semaphore_mem>>) {add = true}
        %dma_wait3A_527 = arith.constant 0 : i32
        %dma_wait3A_528 = tpu.memref_slice %arg7[%add3A_263, %dma_wait3A_527] : memref<80x128xi32, #tpu.memory_space<vmem>> -> memref<1x128xi32, #tpu.memory_space<vmem>>
        %dma_wait3A_529 = tpu.memref_squeeze %dma_wait3A_528 : memref<1x128xi32, #tpu.memory_space<vmem>> -> memref<128xi32, #tpu.memory_space<vmem>>
        %dma_wait3A_530 = arith.constant 0 : i32
        %dma_wait3A_531 = arith.constant 0 : i32
        %dma_wait3A_532 = tpu.memref_slice %arg12[%dma_wait3A_530, %dma_wait3A_531] : memref<10240x128xf32, #tpu.memory_space<vmem_shared>> -> memref<10240x128xf32, #tpu.memory_space<vmem_shared>>
        tpu.wait_indirect_dma semaphore(%run_scoped3A : memref<!tpu.dma_semaphore, #tpu.memory_space<semaphore_mem>>) src(%arg11 : memref<128x128xf32, #tpu.memory_space<vmem>>) dst(%dma_wait3A_532 : memref<10240x128xf32, #tpu.memory_space<vmem_shared>>)
        tpu.yield
      }) : () -> ()
      %add3A_304 = arith.constant 2 : i32
      %add3A_305 = arith.addi %add3A_263, %add3A_304 : i32
      %lt3A_306 = arith.constant 80 : i32
      %lt3A_307 = arith.cmpi slt, %add3A_305, %lt3A_306 : i32
      %convert_element_type3A_308 = arith.extui %lt3A_307 : i1 to i32
      %cond3A_309 = arith.constant 0 : i32
      %cond3A_310 = arith.cmpi ne, %convert_element_type3A_308, %cond3A_309 : i32
      scf.if %cond3A_310 {
        %dma_start3A_521 = arith.constant 4 : i32
        %dma_start3A_522 = arith.constant 0 : i32
        %dma_start3A_523 = arith.constant 0 : i32
        %dma_start3A_524 = tpu.memref_slice %arg11[%dma_start3A_522, %dma_start3A_523] : memref<128x128xf32, #tpu.memory_space<vmem>> -> memref<32x128xf32, #tpu.memory_space<vmem>>
        %dma_start3A_525 = arith.constant 0 : i32
        %dma_start3A_526 = tpu.memref_slice %arg9[%dma_start3A_521, %dma_start3A_525] : memref<16x32xi32, #tpu.memory_space<vmem>> -> memref<1x32xi32, #tpu.memory_space<vmem>>
        %dma_start3A_527 = tpu.memref_squeeze %dma_start3A_526 : memref<1x32xi32, #tpu.memory_space<vmem>> -> memref<32xi32, #tpu.memory_space<vmem>>
        %dma_start3A_528 = arith.constant 0 : i32
        %dma_start3A_529 = arith.constant 0 : i32
        %dma_start3A_530 = tpu.memref_slice %arg2[%dma_start3A_528, %dma_start3A_529] : memref<10240x128xf32, #tpu.memory_space<hbm>> -> memref<10240x128xf32, #tpu.memory_space<hbm>>
        tpu.enqueue_indirect_dma source(%dma_start3A_530 : memref<10240x128xf32, #tpu.memory_space<hbm>>) target(%dma_start3A_524 : memref<32x128xf32, #tpu.memory_space<vmem>>) offsets(%dma_start3A_527 : memref<32xi32, #tpu.memory_space<vmem>>) semaphore(%arg17 : memref<!tpu.dma_semaphore, #tpu.memory_space<semaphore_mem>>)
        %dma_start3A_531 = arith.constant 5 : i32
        %dma_start3A_532 = arith.constant 32 : i32
        %dma_start3A_533 = arith.constant 0 : i32
        %dma_start3A_534 = tpu.memref_slice %arg11[%dma_start3A_532, %dma_start3A_533] : memref<128x128xf32, #tpu.memory_space<vmem>> -> memref<32x128xf32, #tpu.memory_space<vmem>>
        %dma_start3A_535 = arith.constant 0 : i32
        %dma_start3A_536 = tpu.memref_slice %arg9[%dma_start3A_531, %dma_start3A_535] : memref<16x32xi32, #tpu.memory_space<vmem>> -> memref<1x32xi32, #tpu.memory_space<vmem>>
        %dma_start3A_537 = tpu.memref_squeeze %dma_start3A_536 : memref<1x32xi32, #tpu.memory_space<vmem>> -> memref<32xi32, #tpu.memory_space<vmem>>
        %dma_start3A_538 = arith.constant 0 : i32
        %dma_start3A_539 = arith.constant 0 : i32
        %dma_start3A_540 = tpu.memref_slice %arg2[%dma_start3A_538, %dma_start3A_539] : memref<10240x128xf32, #tpu.memory_space<hbm>> -> memref<10240x128xf32, #tpu.memory_space<hbm>>
        tpu.enqueue_indirect_dma source(%dma_start3A_540 : memref<10240x128xf32, #tpu.memory_space<hbm>>) target(%dma_start3A_534 : memref<32x128xf32, #tpu.memory_space<vmem>>) offsets(%dma_start3A_537 : memref<32xi32, #tpu.memory_space<vmem>>) semaphore(%arg18 : memref<!tpu.dma_semaphore, #tpu.memory_space<semaphore_mem>>)
        %dma_start3A_541 = arith.constant 6 : i32
        %dma_start3A_542 = arith.constant 64 : i32
        %dma_start3A_543 = arith.constant 0 : i32
        %dma_start3A_544 = tpu.memref_slice %arg11[%dma_start3A_542, %dma_start3A_543] : memref<128x128xf32, #tpu.memory_space<vmem>> -> memref<32x128xf32, #tpu.memory_space<vmem>>
        %dma_start3A_545 = arith.constant 0 : i32
        %dma_start3A_546 = tpu.memref_slice %arg9[%dma_start3A_541, %dma_start3A_545] : memref<16x32xi32, #tpu.memory_space<vmem>> -> memref<1x32xi32, #tpu.memory_space<vmem>>
        %dma_start3A_547 = tpu.memref_squeeze %dma_start3A_546 : memref<1x32xi32, #tpu.memory_space<vmem>> -> memref<32xi32, #tpu.memory_space<vmem>>
        %dma_start3A_548 = arith.constant 0 : i32
        %dma_start3A_549 = arith.constant 0 : i32
        %dma_start3A_550 = tpu.memref_slice %arg2[%dma_start3A_548, %dma_start3A_549] : memref<10240x128xf32, #tpu.memory_space<hbm>> -> memref<10240x128xf32, #tpu.memory_space<hbm>>
        tpu.enqueue_indirect_dma source(%dma_start3A_550 : memref<10240x128xf32, #tpu.memory_space<hbm>>) target(%dma_start3A_544 : memref<32x128xf32, #tpu.memory_space<vmem>>) offsets(%dma_start3A_547 : memref<32xi32, #tpu.memory_space<vmem>>) semaphore(%arg19 : memref<!tpu.dma_semaphore, #tpu.memory_space<semaphore_mem>>)
        %dma_start3A_551 = arith.constant 7 : i32
        %dma_start3A_552 = arith.constant 96 : i32
        %dma_start3A_553 = arith.constant 0 : i32
        %dma_start3A_554 = tpu.memref_slice %arg11[%dma_start3A_552, %dma_start3A_553] : memref<128x128xf32, #tpu.memory_space<vmem>> -> memref<32x128xf32, #tpu.memory_space<vmem>>
        %dma_start3A_555 = arith.constant 0 : i32
        %dma_start3A_556 = tpu.memref_slice %arg9[%dma_start3A_551, %dma_start3A_555] : memref<16x32xi32, #tpu.memory_space<vmem>> -> memref<1x32xi32, #tpu.memory_space<vmem>>
        %dma_start3A_557 = tpu.memref_squeeze %dma_start3A_556 : memref<1x32xi32, #tpu.memory_space<vmem>> -> memref<32xi32, #tpu.memory_space<vmem>>
        %dma_start3A_558 = arith.constant 0 : i32
        %dma_start3A_559 = arith.constant 0 : i32
        %dma_start3A_560 = tpu.memref_slice %arg2[%dma_start3A_558, %dma_start3A_559] : memref<10240x128xf32, #tpu.memory_space<hbm>> -> memref<10240x128xf32, #tpu.memory_space<hbm>>
        tpu.enqueue_indirect_dma source(%dma_start3A_560 : memref<10240x128xf32, #tpu.memory_space<hbm>>) target(%dma_start3A_554 : memref<32x128xf32, #tpu.memory_space<vmem>>) offsets(%dma_start3A_557 : memref<32xi32, #tpu.memory_space<vmem>>) semaphore(%arg20 : memref<!tpu.dma_semaphore, #tpu.memory_space<semaphore_mem>>)
      } else {
      }
      %add3A_311 = arith.constant 4 : i32
      %add3A_312 = arith.addi %mul3A_100, %add3A_311 : i32
      %add3A_313 = arith.constant 8 : i32
      %add3A_314 = arith.addi %mul3A_100, %add3A_313 : i32
      %lt3A_315 = arith.constant 80 : i32
      %lt3A_316 = arith.cmpi slt, %add3A_314, %lt3A_315 : i32
      %convert_element_type3A_317 = arith.extui %lt3A_316 : i1 to i32
      %cond3A_318 = arith.constant 0 : i32
      %cond3A_319 = arith.cmpi ne, %convert_element_type3A_317, %cond3A_318 : i32
      scf.if %cond3A_319 {
        %add3A_521 = arith.constant 8 : i32
        %add3A_522 = arith.addi %mul3A_100, %add3A_521 : i32
        %mul3A_523 = arith.constant 4 : i32
        %mul3A_524 = arith.muli %add3A_522, %mul3A_523 : i32
        %add3A_525 = arith.addi %mul3A_4, %mul3A_524 : i32
        %dma_start3A_526 = arith.constant 0 : i32
        %dma_start3A_527 = tpu.memref_slice %arg3[%add3A_525, %dma_start3A_526] : memref<10240x32xi32, #tpu.memory_space<hbm>> -> memref<16x32xi32, #tpu.memory_space<hbm>>
        %dma_start3A_528 = arith.constant 0 : i32
        %dma_start3A_529 = tpu.memref_slice %arg3[%add3A_525, %dma_start3A_528] : memref<10240x32xi32, #tpu.memory_space<hbm>> -> memref<16x32xi32, #tpu.memory_space<hbm>>
        tpu.enqueue_dma source(%dma_start3A_529 : memref<16x32xi32, #tpu.memory_space<hbm>>) target(%arg8 : memref<16x32xi32, #tpu.memory_space<vmem>>) target_semaphore(%arg21 : memref<!tpu.dma_semaphore, #tpu.memory_space<semaphore_mem>>)
      } else {
      }
      %dma_wait3A_320 = arith.constant 0 : i32
      %dma_wait3A_321 = arith.constant 0 : i32
      %dma_wait3A_322 = arith.constant 0 : i32
      %dma_wait3A_323 = tpu.memref_slice %arg10[%dma_wait3A_321, %dma_wait3A_322] : memref<128x128xf32, #tpu.memory_space<vmem>> -> memref<32x128xf32, #tpu.memory_space<vmem>>
      %dma_wait3A_324 = arith.constant 0 : i32
      %dma_wait3A_325 = tpu.memref_slice %arg8[%dma_wait3A_320, %dma_wait3A_324] : memref<16x32xi32, #tpu.memory_space<vmem>> -> memref<1x32xi32, #tpu.memory_space<vmem>>
      %dma_wait3A_326 = tpu.memref_squeeze %dma_wait3A_325 : memref<1x32xi32, #tpu.memory_space<vmem>> -> memref<32xi32, #tpu.memory_space<vmem>>
      %dma_wait3A_327 = arith.constant 0 : i32
      %dma_wait3A_328 = arith.constant 0 : i32
      %dma_wait3A_329 = tpu.memref_slice %arg2[%dma_wait3A_327, %dma_wait3A_328] : memref<10240x128xf32, #tpu.memory_space<hbm>> -> memref<10240x128xf32, #tpu.memory_space<hbm>>
      tpu.wait_indirect_dma semaphore(%arg13 : memref<!tpu.dma_semaphore, #tpu.memory_space<semaphore_mem>>) src(%dma_wait3A_329 : memref<10240x128xf32, #tpu.memory_space<hbm>>) dst(%dma_wait3A_323 : memref<32x128xf32, #tpu.memory_space<vmem>>)
      %dma_wait3A_330 = arith.constant 0 : i32
      %dma_wait3A_331 = arith.constant 32 : i32
      %dma_wait3A_332 = arith.constant 0 : i32
      %dma_wait3A_333 = tpu.memref_slice %arg10[%dma_wait3A_331, %dma_wait3A_332] : memref<128x128xf32, #tpu.memory_space<vmem>> -> memref<32x128xf32, #tpu.memory_space<vmem>>
      %dma_wait3A_334 = arith.constant 0 : i32
      %dma_wait3A_335 = tpu.memref_slice %arg8[%dma_wait3A_330, %dma_wait3A_334] : memref<16x32xi32, #tpu.memory_space<vmem>> -> memref<1x32xi32, #tpu.memory_space<vmem>>
      %dma_wait3A_336 = tpu.memref_squeeze %dma_wait3A_335 : memref<1x32xi32, #tpu.memory_space<vmem>> -> memref<32xi32, #tpu.memory_space<vmem>>
      %dma_wait3A_337 = arith.constant 0 : i32
      %dma_wait3A_338 = arith.constant 0 : i32
      %dma_wait3A_339 = tpu.memref_slice %arg2[%dma_wait3A_337, %dma_wait3A_338] : memref<10240x128xf32, #tpu.memory_space<hbm>> -> memref<10240x128xf32, #tpu.memory_space<hbm>>
      tpu.wait_indirect_dma semaphore(%arg14 : memref<!tpu.dma_semaphore, #tpu.memory_space<semaphore_mem>>) src(%dma_wait3A_339 : memref<10240x128xf32, #tpu.memory_space<hbm>>) dst(%dma_wait3A_333 : memref<32x128xf32, #tpu.memory_space<vmem>>)
      %dma_wait3A_340 = arith.constant 0 : i32
      %dma_wait3A_341 = arith.constant 64 : i32
      %dma_wait3A_342 = arith.constant 0 : i32
      %dma_wait3A_343 = tpu.memref_slice %arg10[%dma_wait3A_341, %dma_wait3A_342] : memref<128x128xf32, #tpu.memory_space<vmem>> -> memref<32x128xf32, #tpu.memory_space<vmem>>
      %dma_wait3A_344 = arith.constant 0 : i32
      %dma_wait3A_345 = tpu.memref_slice %arg8[%dma_wait3A_340, %dma_wait3A_344] : memref<16x32xi32, #tpu.memory_space<vmem>> -> memref<1x32xi32, #tpu.memory_space<vmem>>
      %dma_wait3A_346 = tpu.memref_squeeze %dma_wait3A_345 : memref<1x32xi32, #tpu.memory_space<vmem>> -> memref<32xi32, #tpu.memory_space<vmem>>
      %dma_wait3A_347 = arith.constant 0 : i32
      %dma_wait3A_348 = arith.constant 0 : i32
      %dma_wait3A_349 = tpu.memref_slice %arg2[%dma_wait3A_347, %dma_wait3A_348] : memref<10240x128xf32, #tpu.memory_space<hbm>> -> memref<10240x128xf32, #tpu.memory_space<hbm>>
      tpu.wait_indirect_dma semaphore(%arg15 : memref<!tpu.dma_semaphore, #tpu.memory_space<semaphore_mem>>) src(%dma_wait3A_349 : memref<10240x128xf32, #tpu.memory_space<hbm>>) dst(%dma_wait3A_343 : memref<32x128xf32, #tpu.memory_space<vmem>>)
      %dma_wait3A_350 = arith.constant 0 : i32
      %dma_wait3A_351 = arith.constant 96 : i32
      %dma_wait3A_352 = arith.constant 0 : i32
      %dma_wait3A_353 = tpu.memref_slice %arg10[%dma_wait3A_351, %dma_wait3A_352] : memref<128x128xf32, #tpu.memory_space<vmem>> -> memref<32x128xf32, #tpu.memory_space<vmem>>
      %dma_wait3A_354 = arith.constant 0 : i32
      %dma_wait3A_355 = tpu.memref_slice %arg8[%dma_wait3A_350, %dma_wait3A_354] : memref<16x32xi32, #tpu.memory_space<vmem>> -> memref<1x32xi32, #tpu.memory_space<vmem>>
      %dma_wait3A_356 = tpu.memref_squeeze %dma_wait3A_355 : memref<1x32xi32, #tpu.memory_space<vmem>> -> memref<32xi32, #tpu.memory_space<vmem>>
      %dma_wait3A_357 = arith.constant 0 : i32
      %dma_wait3A_358 = arith.constant 0 : i32
      %dma_wait3A_359 = tpu.memref_slice %arg2[%dma_wait3A_357, %dma_wait3A_358] : memref<10240x128xf32, #tpu.memory_space<hbm>> -> memref<10240x128xf32, #tpu.memory_space<hbm>>
      tpu.wait_indirect_dma semaphore(%arg16 : memref<!tpu.dma_semaphore, #tpu.memory_space<semaphore_mem>>) src(%dma_wait3A_359 : memref<10240x128xf32, #tpu.memory_space<hbm>>) dst(%dma_wait3A_353 : memref<32x128xf32, #tpu.memory_space<vmem>>)
      "tpu.region"() ({
        %run_scoped3A = tpu.sem_alloc : memref<!tpu.dma_semaphore, #tpu.memory_space<semaphore_mem>>
        %dma_start3A_521 = arith.constant 0 : i32
        %dma_start3A_522 = tpu.memref_slice %arg7[%add3A_312, %dma_start3A_521] : memref<80x128xi32, #tpu.memory_space<vmem>> -> memref<1x128xi32, #tpu.memory_space<vmem>>
        %dma_start3A_523 = tpu.memref_squeeze %dma_start3A_522 : memref<1x128xi32, #tpu.memory_space<vmem>> -> memref<128xi32, #tpu.memory_space<vmem>>
        %dma_start3A_524 = arith.constant 0 : i32
        %dma_start3A_525 = arith.constant 0 : i32
        %dma_start3A_526 = tpu.memref_slice %arg12[%dma_start3A_524, %dma_start3A_525] : memref<10240x128xf32, #tpu.memory_space<vmem_shared>> -> memref<10240x128xf32, #tpu.memory_space<vmem_shared>>
        tpu.enqueue_indirect_dma source(%arg10 : memref<128x128xf32, #tpu.memory_space<vmem>>) target(%dma_start3A_526 : memref<10240x128xf32, #tpu.memory_space<vmem_shared>>) offsets(%dma_start3A_523 : memref<128xi32, #tpu.memory_space<vmem>>) semaphore(%run_scoped3A : memref<!tpu.dma_semaphore, #tpu.memory_space<semaphore_mem>>) {add = true}
        %dma_wait3A_527 = arith.constant 0 : i32
        %dma_wait3A_528 = tpu.memref_slice %arg7[%add3A_312, %dma_wait3A_527] : memref<80x128xi32, #tpu.memory_space<vmem>> -> memref<1x128xi32, #tpu.memory_space<vmem>>
        %dma_wait3A_529 = tpu.memref_squeeze %dma_wait3A_528 : memref<1x128xi32, #tpu.memory_space<vmem>> -> memref<128xi32, #tpu.memory_space<vmem>>
        %dma_wait3A_530 = arith.constant 0 : i32
        %dma_wait3A_531 = arith.constant 0 : i32
        %dma_wait3A_532 = tpu.memref_slice %arg12[%dma_wait3A_530, %dma_wait3A_531] : memref<10240x128xf32, #tpu.memory_space<vmem_shared>> -> memref<10240x128xf32, #tpu.memory_space<vmem_shared>>
        tpu.wait_indirect_dma semaphore(%run_scoped3A : memref<!tpu.dma_semaphore, #tpu.memory_space<semaphore_mem>>) src(%arg10 : memref<128x128xf32, #tpu.memory_space<vmem>>) dst(%dma_wait3A_532 : memref<10240x128xf32, #tpu.memory_space<vmem_shared>>)
        tpu.yield
      }) : () -> ()
      %add3A_360 = arith.constant 2 : i32
      %add3A_361 = arith.addi %add3A_312, %add3A_360 : i32
      %lt3A_362 = arith.constant 80 : i32
      %lt3A_363 = arith.cmpi slt, %add3A_361, %lt3A_362 : i32
      %convert_element_type3A_364 = arith.extui %lt3A_363 : i1 to i32
      %cond3A_365 = arith.constant 0 : i32
      %cond3A_366 = arith.cmpi ne, %convert_element_type3A_364, %cond3A_365 : i32
      scf.if %cond3A_366 {
        %dma_start3A_521 = arith.constant 8 : i32
        %dma_start3A_522 = arith.constant 0 : i32
        %dma_start3A_523 = arith.constant 0 : i32
        %dma_start3A_524 = tpu.memref_slice %arg10[%dma_start3A_522, %dma_start3A_523] : memref<128x128xf32, #tpu.memory_space<vmem>> -> memref<32x128xf32, #tpu.memory_space<vmem>>
        %dma_start3A_525 = arith.constant 0 : i32
        %dma_start3A_526 = tpu.memref_slice %arg9[%dma_start3A_521, %dma_start3A_525] : memref<16x32xi32, #tpu.memory_space<vmem>> -> memref<1x32xi32, #tpu.memory_space<vmem>>
        %dma_start3A_527 = tpu.memref_squeeze %dma_start3A_526 : memref<1x32xi32, #tpu.memory_space<vmem>> -> memref<32xi32, #tpu.memory_space<vmem>>
        %dma_start3A_528 = arith.constant 0 : i32
        %dma_start3A_529 = arith.constant 0 : i32
        %dma_start3A_530 = tpu.memref_slice %arg2[%dma_start3A_528, %dma_start3A_529] : memref<10240x128xf32, #tpu.memory_space<hbm>> -> memref<10240x128xf32, #tpu.memory_space<hbm>>
        tpu.enqueue_indirect_dma source(%dma_start3A_530 : memref<10240x128xf32, #tpu.memory_space<hbm>>) target(%dma_start3A_524 : memref<32x128xf32, #tpu.memory_space<vmem>>) offsets(%dma_start3A_527 : memref<32xi32, #tpu.memory_space<vmem>>) semaphore(%arg13 : memref<!tpu.dma_semaphore, #tpu.memory_space<semaphore_mem>>)
        %dma_start3A_531 = arith.constant 9 : i32
        %dma_start3A_532 = arith.constant 32 : i32
        %dma_start3A_533 = arith.constant 0 : i32
        %dma_start3A_534 = tpu.memref_slice %arg10[%dma_start3A_532, %dma_start3A_533] : memref<128x128xf32, #tpu.memory_space<vmem>> -> memref<32x128xf32, #tpu.memory_space<vmem>>
        %dma_start3A_535 = arith.constant 0 : i32
        %dma_start3A_536 = tpu.memref_slice %arg9[%dma_start3A_531, %dma_start3A_535] : memref<16x32xi32, #tpu.memory_space<vmem>> -> memref<1x32xi32, #tpu.memory_space<vmem>>
        %dma_start3A_537 = tpu.memref_squeeze %dma_start3A_536 : memref<1x32xi32, #tpu.memory_space<vmem>> -> memref<32xi32, #tpu.memory_space<vmem>>
        %dma_start3A_538 = arith.constant 0 : i32
        %dma_start3A_539 = arith.constant 0 : i32
        %dma_start3A_540 = tpu.memref_slice %arg2[%dma_start3A_538, %dma_start3A_539] : memref<10240x128xf32, #tpu.memory_space<hbm>> -> memref<10240x128xf32, #tpu.memory_space<hbm>>
        tpu.enqueue_indirect_dma source(%dma_start3A_540 : memref<10240x128xf32, #tpu.memory_space<hbm>>) target(%dma_start3A_534 : memref<32x128xf32, #tpu.memory_space<vmem>>) offsets(%dma_start3A_537 : memref<32xi32, #tpu.memory_space<vmem>>) semaphore(%arg14 : memref<!tpu.dma_semaphore, #tpu.memory_space<semaphore_mem>>)
        %dma_start3A_541 = arith.constant 10 : i32
        %dma_start3A_542 = arith.constant 64 : i32
        %dma_start3A_543 = arith.constant 0 : i32
        %dma_start3A_544 = tpu.memref_slice %arg10[%dma_start3A_542, %dma_start3A_543] : memref<128x128xf32, #tpu.memory_space<vmem>> -> memref<32x128xf32, #tpu.memory_space<vmem>>
        %dma_start3A_545 = arith.constant 0 : i32
        %dma_start3A_546 = tpu.memref_slice %arg9[%dma_start3A_541, %dma_start3A_545] : memref<16x32xi32, #tpu.memory_space<vmem>> -> memref<1x32xi32, #tpu.memory_space<vmem>>
        %dma_start3A_547 = tpu.memref_squeeze %dma_start3A_546 : memref<1x32xi32, #tpu.memory_space<vmem>> -> memref<32xi32, #tpu.memory_space<vmem>>
        %dma_start3A_548 = arith.constant 0 : i32
        %dma_start3A_549 = arith.constant 0 : i32
        %dma_start3A_550 = tpu.memref_slice %arg2[%dma_start3A_548, %dma_start3A_549] : memref<10240x128xf32, #tpu.memory_space<hbm>> -> memref<10240x128xf32, #tpu.memory_space<hbm>>
        tpu.enqueue_indirect_dma source(%dma_start3A_550 : memref<10240x128xf32, #tpu.memory_space<hbm>>) target(%dma_start3A_544 : memref<32x128xf32, #tpu.memory_space<vmem>>) offsets(%dma_start3A_547 : memref<32xi32, #tpu.memory_space<vmem>>) semaphore(%arg15 : memref<!tpu.dma_semaphore, #tpu.memory_space<semaphore_mem>>)
        %dma_start3A_551 = arith.constant 11 : i32
        %dma_start3A_552 = arith.constant 96 : i32
        %dma_start3A_553 = arith.constant 0 : i32
        %dma_start3A_554 = tpu.memref_slice %arg10[%dma_start3A_552, %dma_start3A_553] : memref<128x128xf32, #tpu.memory_space<vmem>> -> memref<32x128xf32, #tpu.memory_space<vmem>>
        %dma_start3A_555 = arith.constant 0 : i32
        %dma_start3A_556 = tpu.memref_slice %arg9[%dma_start3A_551, %dma_start3A_555] : memref<16x32xi32, #tpu.memory_space<vmem>> -> memref<1x32xi32, #tpu.memory_space<vmem>>
        %dma_start3A_557 = tpu.memref_squeeze %dma_start3A_556 : memref<1x32xi32, #tpu.memory_space<vmem>> -> memref<32xi32, #tpu.memory_space<vmem>>
        %dma_start3A_558 = arith.constant 0 : i32
        %dma_start3A_559 = arith.constant 0 : i32
        %dma_start3A_560 = tpu.memref_slice %arg2[%dma_start3A_558, %dma_start3A_559] : memref<10240x128xf32, #tpu.memory_space<hbm>> -> memref<10240x128xf32, #tpu.memory_space<hbm>>
        tpu.enqueue_indirect_dma source(%dma_start3A_560 : memref<10240x128xf32, #tpu.memory_space<hbm>>) target(%dma_start3A_554 : memref<32x128xf32, #tpu.memory_space<vmem>>) offsets(%dma_start3A_557 : memref<32xi32, #tpu.memory_space<vmem>>) semaphore(%arg16 : memref<!tpu.dma_semaphore, #tpu.memory_space<semaphore_mem>>)
      } else {
      }
      %add3A_367 = arith.constant 5 : i32
      %add3A_368 = arith.addi %mul3A_100, %add3A_367 : i32
      %dma_wait3A_369 = arith.constant 0 : i32
      %dma_wait3A_370 = arith.constant 0 : i32
      %dma_wait3A_371 = arith.constant 0 : i32
      %dma_wait3A_372 = tpu.memref_slice %arg11[%dma_wait3A_370, %dma_wait3A_371] : memref<128x128xf32, #tpu.memory_space<vmem>> -> memref<32x128xf32, #tpu.memory_space<vmem>>
      %dma_wait3A_373 = arith.constant 0 : i32
      %dma_wait3A_374 = tpu.memref_slice %arg8[%dma_wait3A_369, %dma_wait3A_373] : memref<16x32xi32, #tpu.memory_space<vmem>> -> memref<1x32xi32, #tpu.memory_space<vmem>>
      %dma_wait3A_375 = tpu.memref_squeeze %dma_wait3A_374 : memref<1x32xi32, #tpu.memory_space<vmem>> -> memref<32xi32, #tpu.memory_space<vmem>>
      %dma_wait3A_376 = arith.constant 0 : i32
      %dma_wait3A_377 = arith.constant 0 : i32
      %dma_wait3A_378 = tpu.memref_slice %arg2[%dma_wait3A_376, %dma_wait3A_377] : memref<10240x128xf32, #tpu.memory_space<hbm>> -> memref<10240x128xf32, #tpu.memory_space<hbm>>
      tpu.wait_indirect_dma semaphore(%arg17 : memref<!tpu.dma_semaphore, #tpu.memory_space<semaphore_mem>>) src(%dma_wait3A_378 : memref<10240x128xf32, #tpu.memory_space<hbm>>) dst(%dma_wait3A_372 : memref<32x128xf32, #tpu.memory_space<vmem>>)
      %dma_wait3A_379 = arith.constant 0 : i32
      %dma_wait3A_380 = arith.constant 32 : i32
      %dma_wait3A_381 = arith.constant 0 : i32
      %dma_wait3A_382 = tpu.memref_slice %arg11[%dma_wait3A_380, %dma_wait3A_381] : memref<128x128xf32, #tpu.memory_space<vmem>> -> memref<32x128xf32, #tpu.memory_space<vmem>>
      %dma_wait3A_383 = arith.constant 0 : i32
      %dma_wait3A_384 = tpu.memref_slice %arg8[%dma_wait3A_379, %dma_wait3A_383] : memref<16x32xi32, #tpu.memory_space<vmem>> -> memref<1x32xi32, #tpu.memory_space<vmem>>
      %dma_wait3A_385 = tpu.memref_squeeze %dma_wait3A_384 : memref<1x32xi32, #tpu.memory_space<vmem>> -> memref<32xi32, #tpu.memory_space<vmem>>
      %dma_wait3A_386 = arith.constant 0 : i32
      %dma_wait3A_387 = arith.constant 0 : i32
      %dma_wait3A_388 = tpu.memref_slice %arg2[%dma_wait3A_386, %dma_wait3A_387] : memref<10240x128xf32, #tpu.memory_space<hbm>> -> memref<10240x128xf32, #tpu.memory_space<hbm>>
      tpu.wait_indirect_dma semaphore(%arg18 : memref<!tpu.dma_semaphore, #tpu.memory_space<semaphore_mem>>) src(%dma_wait3A_388 : memref<10240x128xf32, #tpu.memory_space<hbm>>) dst(%dma_wait3A_382 : memref<32x128xf32, #tpu.memory_space<vmem>>)
      %dma_wait3A_389 = arith.constant 0 : i32
      %dma_wait3A_390 = arith.constant 64 : i32
      %dma_wait3A_391 = arith.constant 0 : i32
      %dma_wait3A_392 = tpu.memref_slice %arg11[%dma_wait3A_390, %dma_wait3A_391] : memref<128x128xf32, #tpu.memory_space<vmem>> -> memref<32x128xf32, #tpu.memory_space<vmem>>
      %dma_wait3A_393 = arith.constant 0 : i32
      %dma_wait3A_394 = tpu.memref_slice %arg8[%dma_wait3A_389, %dma_wait3A_393] : memref<16x32xi32, #tpu.memory_space<vmem>> -> memref<1x32xi32, #tpu.memory_space<vmem>>
      %dma_wait3A_395 = tpu.memref_squeeze %dma_wait3A_394 : memref<1x32xi32, #tpu.memory_space<vmem>> -> memref<32xi32, #tpu.memory_space<vmem>>
      %dma_wait3A_396 = arith.constant 0 : i32
      %dma_wait3A_397 = arith.constant 0 : i32
      %dma_wait3A_398 = tpu.memref_slice %arg2[%dma_wait3A_396, %dma_wait3A_397] : memref<10240x128xf32, #tpu.memory_space<hbm>> -> memref<10240x128xf32, #tpu.memory_space<hbm>>
      tpu.wait_indirect_dma semaphore(%arg19 : memref<!tpu.dma_semaphore, #tpu.memory_space<semaphore_mem>>) src(%dma_wait3A_398 : memref<10240x128xf32, #tpu.memory_space<hbm>>) dst(%dma_wait3A_392 : memref<32x128xf32, #tpu.memory_space<vmem>>)
      %dma_wait3A_399 = arith.constant 0 : i32
      %dma_wait3A_400 = arith.constant 96 : i32
      %dma_wait3A_401 = arith.constant 0 : i32
      %dma_wait3A_402 = tpu.memref_slice %arg11[%dma_wait3A_400, %dma_wait3A_401] : memref<128x128xf32, #tpu.memory_space<vmem>> -> memref<32x128xf32, #tpu.memory_space<vmem>>
      %dma_wait3A_403 = arith.constant 0 : i32
      %dma_wait3A_404 = tpu.memref_slice %arg8[%dma_wait3A_399, %dma_wait3A_403] : memref<16x32xi32, #tpu.memory_space<vmem>> -> memref<1x32xi32, #tpu.memory_space<vmem>>
      %dma_wait3A_405 = tpu.memref_squeeze %dma_wait3A_404 : memref<1x32xi32, #tpu.memory_space<vmem>> -> memref<32xi32, #tpu.memory_space<vmem>>
      %dma_wait3A_406 = arith.constant 0 : i32
      %dma_wait3A_407 = arith.constant 0 : i32
      %dma_wait3A_408 = tpu.memref_slice %arg2[%dma_wait3A_406, %dma_wait3A_407] : memref<10240x128xf32, #tpu.memory_space<hbm>> -> memref<10240x128xf32, #tpu.memory_space<hbm>>
      tpu.wait_indirect_dma semaphore(%arg20 : memref<!tpu.dma_semaphore, #tpu.memory_space<semaphore_mem>>) src(%dma_wait3A_408 : memref<10240x128xf32, #tpu.memory_space<hbm>>) dst(%dma_wait3A_402 : memref<32x128xf32, #tpu.memory_space<vmem>>)
      "tpu.region"() ({
        %run_scoped3A = tpu.sem_alloc : memref<!tpu.dma_semaphore, #tpu.memory_space<semaphore_mem>>
        %dma_start3A_521 = arith.constant 0 : i32
        %dma_start3A_522 = tpu.memref_slice %arg7[%add3A_368, %dma_start3A_521] : memref<80x128xi32, #tpu.memory_space<vmem>> -> memref<1x128xi32, #tpu.memory_space<vmem>>
        %dma_start3A_523 = tpu.memref_squeeze %dma_start3A_522 : memref<1x128xi32, #tpu.memory_space<vmem>> -> memref<128xi32, #tpu.memory_space<vmem>>
        %dma_start3A_524 = arith.constant 0 : i32
        %dma_start3A_525 = arith.constant 0 : i32
        %dma_start3A_526 = tpu.memref_slice %arg12[%dma_start3A_524, %dma_start3A_525] : memref<10240x128xf32, #tpu.memory_space<vmem_shared>> -> memref<10240x128xf32, #tpu.memory_space<vmem_shared>>
        tpu.enqueue_indirect_dma source(%arg11 : memref<128x128xf32, #tpu.memory_space<vmem>>) target(%dma_start3A_526 : memref<10240x128xf32, #tpu.memory_space<vmem_shared>>) offsets(%dma_start3A_523 : memref<128xi32, #tpu.memory_space<vmem>>) semaphore(%run_scoped3A : memref<!tpu.dma_semaphore, #tpu.memory_space<semaphore_mem>>) {add = true}
        %dma_wait3A_527 = arith.constant 0 : i32
        %dma_wait3A_528 = tpu.memref_slice %arg7[%add3A_368, %dma_wait3A_527] : memref<80x128xi32, #tpu.memory_space<vmem>> -> memref<1x128xi32, #tpu.memory_space<vmem>>
        %dma_wait3A_529 = tpu.memref_squeeze %dma_wait3A_528 : memref<1x128xi32, #tpu.memory_space<vmem>> -> memref<128xi32, #tpu.memory_space<vmem>>
        %dma_wait3A_530 = arith.constant 0 : i32
        %dma_wait3A_531 = arith.constant 0 : i32
        %dma_wait3A_532 = tpu.memref_slice %arg12[%dma_wait3A_530, %dma_wait3A_531] : memref<10240x128xf32, #tpu.memory_space<vmem_shared>> -> memref<10240x128xf32, #tpu.memory_space<vmem_shared>>
        tpu.wait_indirect_dma semaphore(%run_scoped3A : memref<!tpu.dma_semaphore, #tpu.memory_space<semaphore_mem>>) src(%arg11 : memref<128x128xf32, #tpu.memory_space<vmem>>) dst(%dma_wait3A_532 : memref<10240x128xf32, #tpu.memory_space<vmem_shared>>)
        tpu.yield
      }) : () -> ()
      %add3A_409 = arith.constant 2 : i32
      %add3A_410 = arith.addi %add3A_368, %add3A_409 : i32
      %lt3A_411 = arith.constant 80 : i32
      %lt3A_412 = arith.cmpi slt, %add3A_410, %lt3A_411 : i32
      %convert_element_type3A_413 = arith.extui %lt3A_412 : i1 to i32
      %cond3A_414 = arith.constant 0 : i32
      %cond3A_415 = arith.cmpi ne, %convert_element_type3A_413, %cond3A_414 : i32
      scf.if %cond3A_415 {
        %dma_start3A_521 = arith.constant 12 : i32
        %dma_start3A_522 = arith.constant 0 : i32
        %dma_start3A_523 = arith.constant 0 : i32
        %dma_start3A_524 = tpu.memref_slice %arg11[%dma_start3A_522, %dma_start3A_523] : memref<128x128xf32, #tpu.memory_space<vmem>> -> memref<32x128xf32, #tpu.memory_space<vmem>>
        %dma_start3A_525 = arith.constant 0 : i32
        %dma_start3A_526 = tpu.memref_slice %arg9[%dma_start3A_521, %dma_start3A_525] : memref<16x32xi32, #tpu.memory_space<vmem>> -> memref<1x32xi32, #tpu.memory_space<vmem>>
        %dma_start3A_527 = tpu.memref_squeeze %dma_start3A_526 : memref<1x32xi32, #tpu.memory_space<vmem>> -> memref<32xi32, #tpu.memory_space<vmem>>
        %dma_start3A_528 = arith.constant 0 : i32
        %dma_start3A_529 = arith.constant 0 : i32
        %dma_start3A_530 = tpu.memref_slice %arg2[%dma_start3A_528, %dma_start3A_529] : memref<10240x128xf32, #tpu.memory_space<hbm>> -> memref<10240x128xf32, #tpu.memory_space<hbm>>
        tpu.enqueue_indirect_dma source(%dma_start3A_530 : memref<10240x128xf32, #tpu.memory_space<hbm>>) target(%dma_start3A_524 : memref<32x128xf32, #tpu.memory_space<vmem>>) offsets(%dma_start3A_527 : memref<32xi32, #tpu.memory_space<vmem>>) semaphore(%arg17 : memref<!tpu.dma_semaphore, #tpu.memory_space<semaphore_mem>>)
        %dma_start3A_531 = arith.constant 13 : i32
        %dma_start3A_532 = arith.constant 32 : i32
        %dma_start3A_533 = arith.constant 0 : i32
        %dma_start3A_534 = tpu.memref_slice %arg11[%dma_start3A_532, %dma_start3A_533] : memref<128x128xf32, #tpu.memory_space<vmem>> -> memref<32x128xf32, #tpu.memory_space<vmem>>
        %dma_start3A_535 = arith.constant 0 : i32
        %dma_start3A_536 = tpu.memref_slice %arg9[%dma_start3A_531, %dma_start3A_535] : memref<16x32xi32, #tpu.memory_space<vmem>> -> memref<1x32xi32, #tpu.memory_space<vmem>>
        %dma_start3A_537 = tpu.memref_squeeze %dma_start3A_536 : memref<1x32xi32, #tpu.memory_space<vmem>> -> memref<32xi32, #tpu.memory_space<vmem>>
        %dma_start3A_538 = arith.constant 0 : i32
        %dma_start3A_539 = arith.constant 0 : i32
        %dma_start3A_540 = tpu.memref_slice %arg2[%dma_start3A_538, %dma_start3A_539] : memref<10240x128xf32, #tpu.memory_space<hbm>> -> memref<10240x128xf32, #tpu.memory_space<hbm>>
        tpu.enqueue_indirect_dma source(%dma_start3A_540 : memref<10240x128xf32, #tpu.memory_space<hbm>>) target(%dma_start3A_534 : memref<32x128xf32, #tpu.memory_space<vmem>>) offsets(%dma_start3A_537 : memref<32xi32, #tpu.memory_space<vmem>>) semaphore(%arg18 : memref<!tpu.dma_semaphore, #tpu.memory_space<semaphore_mem>>)
        %dma_start3A_541 = arith.constant 14 : i32
        %dma_start3A_542 = arith.constant 64 : i32
        %dma_start3A_543 = arith.constant 0 : i32
        %dma_start3A_544 = tpu.memref_slice %arg11[%dma_start3A_542, %dma_start3A_543] : memref<128x128xf32, #tpu.memory_space<vmem>> -> memref<32x128xf32, #tpu.memory_space<vmem>>
        %dma_start3A_545 = arith.constant 0 : i32
        %dma_start3A_546 = tpu.memref_slice %arg9[%dma_start3A_541, %dma_start3A_545] : memref<16x32xi32, #tpu.memory_space<vmem>> -> memref<1x32xi32, #tpu.memory_space<vmem>>
        %dma_start3A_547 = tpu.memref_squeeze %dma_start3A_546 : memref<1x32xi32, #tpu.memory_space<vmem>> -> memref<32xi32, #tpu.memory_space<vmem>>
        %dma_start3A_548 = arith.constant 0 : i32
        %dma_start3A_549 = arith.constant 0 : i32
        %dma_start3A_550 = tpu.memref_slice %arg2[%dma_start3A_548, %dma_start3A_549] : memref<10240x128xf32, #tpu.memory_space<hbm>> -> memref<10240x128xf32, #tpu.memory_space<hbm>>
        tpu.enqueue_indirect_dma source(%dma_start3A_550 : memref<10240x128xf32, #tpu.memory_space<hbm>>) target(%dma_start3A_544 : memref<32x128xf32, #tpu.memory_space<vmem>>) offsets(%dma_start3A_547 : memref<32xi32, #tpu.memory_space<vmem>>) semaphore(%arg19 : memref<!tpu.dma_semaphore, #tpu.memory_space<semaphore_mem>>)
        %dma_start3A_551 = arith.constant 15 : i32
        %dma_start3A_552 = arith.constant 96 : i32
        %dma_start3A_553 = arith.constant 0 : i32
        %dma_start3A_554 = tpu.memref_slice %arg11[%dma_start3A_552, %dma_start3A_553] : memref<128x128xf32, #tpu.memory_space<vmem>> -> memref<32x128xf32, #tpu.memory_space<vmem>>
        %dma_start3A_555 = arith.constant 0 : i32
        %dma_start3A_556 = tpu.memref_slice %arg9[%dma_start3A_551, %dma_start3A_555] : memref<16x32xi32, #tpu.memory_space<vmem>> -> memref<1x32xi32, #tpu.memory_space<vmem>>
        %dma_start3A_557 = tpu.memref_squeeze %dma_start3A_556 : memref<1x32xi32, #tpu.memory_space<vmem>> -> memref<32xi32, #tpu.memory_space<vmem>>
        %dma_start3A_558 = arith.constant 0 : i32
        %dma_start3A_559 = arith.constant 0 : i32
        %dma_start3A_560 = tpu.memref_slice %arg2[%dma_start3A_558, %dma_start3A_559] : memref<10240x128xf32, #tpu.memory_space<hbm>> -> memref<10240x128xf32, #tpu.memory_space<hbm>>
        tpu.enqueue_indirect_dma source(%dma_start3A_560 : memref<10240x128xf32, #tpu.memory_space<hbm>>) target(%dma_start3A_554 : memref<32x128xf32, #tpu.memory_space<vmem>>) offsets(%dma_start3A_557 : memref<32xi32, #tpu.memory_space<vmem>>) semaphore(%arg20 : memref<!tpu.dma_semaphore, #tpu.memory_space<semaphore_mem>>)
      } else {
      }
      %add3A_416 = arith.constant 6 : i32
      %add3A_417 = arith.addi %mul3A_100, %add3A_416 : i32
      %add3A_418 = arith.constant 8 : i32
      %add3A_419 = arith.addi %mul3A_100, %add3A_418 : i32
      %lt3A_420 = arith.constant 80 : i32
      %lt3A_421 = arith.cmpi slt, %add3A_419, %lt3A_420 : i32
      %convert_element_type3A_422 = arith.extui %lt3A_421 : i1 to i32
      %cond3A_423 = arith.constant 0 : i32
      %cond3A_424 = arith.cmpi ne, %convert_element_type3A_422, %cond3A_423 : i32
      scf.if %cond3A_424 {
        %add3A_521 = arith.constant 8 : i32
        %add3A_522 = arith.addi %mul3A_100, %add3A_521 : i32
        %mul3A_523 = arith.constant 4 : i32
        %mul3A_524 = arith.muli %add3A_522, %mul3A_523 : i32
        %add3A_525 = arith.addi %mul3A_4, %mul3A_524 : i32
        %dma_wait3A_526 = arith.constant 0 : i32
        %dma_wait3A_527 = tpu.memref_slice %arg3[%add3A_525, %dma_wait3A_526] : memref<10240x32xi32, #tpu.memory_space<hbm>> -> memref<16x32xi32, #tpu.memory_space<hbm>>
        %dma_wait3A_528 = arith.constant 0 : i32
        %dma_wait3A_529 = tpu.memref_slice %arg3[%add3A_525, %dma_wait3A_528] : memref<10240x32xi32, #tpu.memory_space<hbm>> -> memref<16x32xi32, #tpu.memory_space<hbm>>
        tpu.wait_dma2 semaphore(%arg21 : memref<!tpu.dma_semaphore, #tpu.memory_space<semaphore_mem>>) src(%dma_wait3A_529 : memref<16x32xi32, #tpu.memory_space<hbm>>) dst(%arg8 : memref<16x32xi32, #tpu.memory_space<vmem>>)
      } else {
      }
      %dma_wait3A_425 = arith.constant 0 : i32
      %dma_wait3A_426 = arith.constant 0 : i32
      %dma_wait3A_427 = arith.constant 0 : i32
      %dma_wait3A_428 = tpu.memref_slice %arg10[%dma_wait3A_426, %dma_wait3A_427] : memref<128x128xf32, #tpu.memory_space<vmem>> -> memref<32x128xf32, #tpu.memory_space<vmem>>
      %dma_wait3A_429 = arith.constant 0 : i32
      %dma_wait3A_430 = tpu.memref_slice %arg8[%dma_wait3A_425, %dma_wait3A_429] : memref<16x32xi32, #tpu.memory_space<vmem>> -> memref<1x32xi32, #tpu.memory_space<vmem>>
      %dma_wait3A_431 = tpu.memref_squeeze %dma_wait3A_430 : memref<1x32xi32, #tpu.memory_space<vmem>> -> memref<32xi32, #tpu.memory_space<vmem>>
      %dma_wait3A_432 = arith.constant 0 : i32
      %dma_wait3A_433 = arith.constant 0 : i32
      %dma_wait3A_434 = tpu.memref_slice %arg2[%dma_wait3A_432, %dma_wait3A_433] : memref<10240x128xf32, #tpu.memory_space<hbm>> -> memref<10240x128xf32, #tpu.memory_space<hbm>>
      tpu.wait_indirect_dma semaphore(%arg13 : memref<!tpu.dma_semaphore, #tpu.memory_space<semaphore_mem>>) src(%dma_wait3A_434 : memref<10240x128xf32, #tpu.memory_space<hbm>>) dst(%dma_wait3A_428 : memref<32x128xf32, #tpu.memory_space<vmem>>)
      %dma_wait3A_435 = arith.constant 0 : i32
      %dma_wait3A_436 = arith.constant 32 : i32
      %dma_wait3A_437 = arith.constant 0 : i32
      %dma_wait3A_438 = tpu.memref_slice %arg10[%dma_wait3A_436, %dma_wait3A_437] : memref<128x128xf32, #tpu.memory_space<vmem>> -> memref<32x128xf32, #tpu.memory_space<vmem>>
      %dma_wait3A_439 = arith.constant 0 : i32
      %dma_wait3A_440 = tpu.memref_slice %arg8[%dma_wait3A_435, %dma_wait3A_439] : memref<16x32xi32, #tpu.memory_space<vmem>> -> memref<1x32xi32, #tpu.memory_space<vmem>>
      %dma_wait3A_441 = tpu.memref_squeeze %dma_wait3A_440 : memref<1x32xi32, #tpu.memory_space<vmem>> -> memref<32xi32, #tpu.memory_space<vmem>>
      %dma_wait3A_442 = arith.constant 0 : i32
      %dma_wait3A_443 = arith.constant 0 : i32
      %dma_wait3A_444 = tpu.memref_slice %arg2[%dma_wait3A_442, %dma_wait3A_443] : memref<10240x128xf32, #tpu.memory_space<hbm>> -> memref<10240x128xf32, #tpu.memory_space<hbm>>
      tpu.wait_indirect_dma semaphore(%arg14 : memref<!tpu.dma_semaphore, #tpu.memory_space<semaphore_mem>>) src(%dma_wait3A_444 : memref<10240x128xf32, #tpu.memory_space<hbm>>) dst(%dma_wait3A_438 : memref<32x128xf32, #tpu.memory_space<vmem>>)
      %dma_wait3A_445 = arith.constant 0 : i32
      %dma_wait3A_446 = arith.constant 64 : i32
      %dma_wait3A_447 = arith.constant 0 : i32
      %dma_wait3A_448 = tpu.memref_slice %arg10[%dma_wait3A_446, %dma_wait3A_447] : memref<128x128xf32, #tpu.memory_space<vmem>> -> memref<32x128xf32, #tpu.memory_space<vmem>>
      %dma_wait3A_449 = arith.constant 0 : i32
      %dma_wait3A_450 = tpu.memref_slice %arg8[%dma_wait3A_445, %dma_wait3A_449] : memref<16x32xi32, #tpu.memory_space<vmem>> -> memref<1x32xi32, #tpu.memory_space<vmem>>
      %dma_wait3A_451 = tpu.memref_squeeze %dma_wait3A_450 : memref<1x32xi32, #tpu.memory_space<vmem>> -> memref<32xi32, #tpu.memory_space<vmem>>
      %dma_wait3A_452 = arith.constant 0 : i32
      %dma_wait3A_453 = arith.constant 0 : i32
      %dma_wait3A_454 = tpu.memref_slice %arg2[%dma_wait3A_452, %dma_wait3A_453] : memref<10240x128xf32, #tpu.memory_space<hbm>> -> memref<10240x128xf32, #tpu.memory_space<hbm>>
      tpu.wait_indirect_dma semaphore(%arg15 : memref<!tpu.dma_semaphore, #tpu.memory_space<semaphore_mem>>) src(%dma_wait3A_454 : memref<10240x128xf32, #tpu.memory_space<hbm>>) dst(%dma_wait3A_448 : memref<32x128xf32, #tpu.memory_space<vmem>>)
      %dma_wait3A_455 = arith.constant 0 : i32
      %dma_wait3A_456 = arith.constant 96 : i32
      %dma_wait3A_457 = arith.constant 0 : i32
      %dma_wait3A_458 = tpu.memref_slice %arg10[%dma_wait3A_456, %dma_wait3A_457] : memref<128x128xf32, #tpu.memory_space<vmem>> -> memref<32x128xf32, #tpu.memory_space<vmem>>
      %dma_wait3A_459 = arith.constant 0 : i32
      %dma_wait3A_460 = tpu.memref_slice %arg8[%dma_wait3A_455, %dma_wait3A_459] : memref<16x32xi32, #tpu.memory_space<vmem>> -> memref<1x32xi32, #tpu.memory_space<vmem>>
      %dma_wait3A_461 = tpu.memref_squeeze %dma_wait3A_460 : memref<1x32xi32, #tpu.memory_space<vmem>> -> memref<32xi32, #tpu.memory_space<vmem>>
      %dma_wait3A_462 = arith.constant 0 : i32
      %dma_wait3A_463 = arith.constant 0 : i32
      %dma_wait3A_464 = tpu.memref_slice %arg2[%dma_wait3A_462, %dma_wait3A_463] : memref<10240x128xf32, #tpu.memory_space<hbm>> -> memref<10240x128xf32, #tpu.memory_space<hbm>>
      tpu.wait_indirect_dma semaphore(%arg16 : memref<!tpu.dma_semaphore, #tpu.memory_space<semaphore_mem>>) src(%dma_wait3A_464 : memref<10240x128xf32, #tpu.memory_space<hbm>>) dst(%dma_wait3A_458 : memref<32x128xf32, #tpu.memory_space<vmem>>)
      "tpu.region"() ({
        %run_scoped3A = tpu.sem_alloc : memref<!tpu.dma_semaphore, #tpu.memory_space<semaphore_mem>>
        %dma_start3A_521 = arith.constant 0 : i32
        %dma_start3A_522 = tpu.memref_slice %arg7[%add3A_417, %dma_start3A_521] : memref<80x128xi32, #tpu.memory_space<vmem>> -> memref<1x128xi32, #tpu.memory_space<vmem>>
        %dma_start3A_523 = tpu.memref_squeeze %dma_start3A_522 : memref<1x128xi32, #tpu.memory_space<vmem>> -> memref<128xi32, #tpu.memory_space<vmem>>
        %dma_start3A_524 = arith.constant 0 : i32
        %dma_start3A_525 = arith.constant 0 : i32
        %dma_start3A_526 = tpu.memref_slice %arg12[%dma_start3A_524, %dma_start3A_525] : memref<10240x128xf32, #tpu.memory_space<vmem_shared>> -> memref<10240x128xf32, #tpu.memory_space<vmem_shared>>
        tpu.enqueue_indirect_dma source(%arg10 : memref<128x128xf32, #tpu.memory_space<vmem>>) target(%dma_start3A_526 : memref<10240x128xf32, #tpu.memory_space<vmem_shared>>) offsets(%dma_start3A_523 : memref<128xi32, #tpu.memory_space<vmem>>) semaphore(%run_scoped3A : memref<!tpu.dma_semaphore, #tpu.memory_space<semaphore_mem>>) {add = true}
        %dma_wait3A_527 = arith.constant 0 : i32
        %dma_wait3A_528 = tpu.memref_slice %arg7[%add3A_417, %dma_wait3A_527] : memref<80x128xi32, #tpu.memory_space<vmem>> -> memref<1x128xi32, #tpu.memory_space<vmem>>
        %dma_wait3A_529 = tpu.memref_squeeze %dma_wait3A_528 : memref<1x128xi32, #tpu.memory_space<vmem>> -> memref<128xi32, #tpu.memory_space<vmem>>
        %dma_wait3A_530 = arith.constant 0 : i32
        %dma_wait3A_531 = arith.constant 0 : i32
        %dma_wait3A_532 = tpu.memref_slice %arg12[%dma_wait3A_530, %dma_wait3A_531] : memref<10240x128xf32, #tpu.memory_space<vmem_shared>> -> memref<10240x128xf32, #tpu.memory_space<vmem_shared>>
        tpu.wait_indirect_dma semaphore(%run_scoped3A : memref<!tpu.dma_semaphore, #tpu.memory_space<semaphore_mem>>) src(%arg10 : memref<128x128xf32, #tpu.memory_space<vmem>>) dst(%dma_wait3A_532 : memref<10240x128xf32, #tpu.memory_space<vmem_shared>>)
        tpu.yield
      }) : () -> ()
      %add3A_465 = arith.constant 2 : i32
      %add3A_466 = arith.addi %add3A_417, %add3A_465 : i32
      %lt3A_467 = arith.constant 80 : i32
      %lt3A_468 = arith.cmpi slt, %add3A_466, %lt3A_467 : i32
      %convert_element_type3A_469 = arith.extui %lt3A_468 : i1 to i32
      %cond3A_470 = arith.constant 0 : i32
      %cond3A_471 = arith.cmpi ne, %convert_element_type3A_469, %cond3A_470 : i32
      scf.if %cond3A_471 {
        %dma_start3A_521 = arith.constant 0 : i32
        %dma_start3A_522 = arith.constant 0 : i32
        %dma_start3A_523 = arith.constant 0 : i32
        %dma_start3A_524 = tpu.memref_slice %arg10[%dma_start3A_522, %dma_start3A_523] : memref<128x128xf32, #tpu.memory_space<vmem>> -> memref<32x128xf32, #tpu.memory_space<vmem>>
        %dma_start3A_525 = arith.constant 0 : i32
        %dma_start3A_526 = tpu.memref_slice %arg8[%dma_start3A_521, %dma_start3A_525] : memref<16x32xi32, #tpu.memory_space<vmem>> -> memref<1x32xi32, #tpu.memory_space<vmem>>
        %dma_start3A_527 = tpu.memref_squeeze %dma_start3A_526 : memref<1x32xi32, #tpu.memory_space<vmem>> -> memref<32xi32, #tpu.memory_space<vmem>>
        %dma_start3A_528 = arith.constant 0 : i32
        %dma_start3A_529 = arith.constant 0 : i32
        %dma_start3A_530 = tpu.memref_slice %arg2[%dma_start3A_528, %dma_start3A_529] : memref<10240x128xf32, #tpu.memory_space<hbm>> -> memref<10240x128xf32, #tpu.memory_space<hbm>>
        tpu.enqueue_indirect_dma source(%dma_start3A_530 : memref<10240x128xf32, #tpu.memory_space<hbm>>) target(%dma_start3A_524 : memref<32x128xf32, #tpu.memory_space<vmem>>) offsets(%dma_start3A_527 : memref<32xi32, #tpu.memory_space<vmem>>) semaphore(%arg13 : memref<!tpu.dma_semaphore, #tpu.memory_space<semaphore_mem>>)
        %dma_start3A_531 = arith.constant 1 : i32
        %dma_start3A_532 = arith.constant 32 : i32
        %dma_start3A_533 = arith.constant 0 : i32
        %dma_start3A_534 = tpu.memref_slice %arg10[%dma_start3A_532, %dma_start3A_533] : memref<128x128xf32, #tpu.memory_space<vmem>> -> memref<32x128xf32, #tpu.memory_space<vmem>>
        %dma_start3A_535 = arith.constant 0 : i32
        %dma_start3A_536 = tpu.memref_slice %arg8[%dma_start3A_531, %dma_start3A_535] : memref<16x32xi32, #tpu.memory_space<vmem>> -> memref<1x32xi32, #tpu.memory_space<vmem>>
        %dma_start3A_537 = tpu.memref_squeeze %dma_start3A_536 : memref<1x32xi32, #tpu.memory_space<vmem>> -> memref<32xi32, #tpu.memory_space<vmem>>
        %dma_start3A_538 = arith.constant 0 : i32
        %dma_start3A_539 = arith.constant 0 : i32
        %dma_start3A_540 = tpu.memref_slice %arg2[%dma_start3A_538, %dma_start3A_539] : memref<10240x128xf32, #tpu.memory_space<hbm>> -> memref<10240x128xf32, #tpu.memory_space<hbm>>
        tpu.enqueue_indirect_dma source(%dma_start3A_540 : memref<10240x128xf32, #tpu.memory_space<hbm>>) target(%dma_start3A_534 : memref<32x128xf32, #tpu.memory_space<vmem>>) offsets(%dma_start3A_537 : memref<32xi32, #tpu.memory_space<vmem>>) semaphore(%arg14 : memref<!tpu.dma_semaphore, #tpu.memory_space<semaphore_mem>>)
        %dma_start3A_541 = arith.constant 2 : i32
        %dma_start3A_542 = arith.constant 64 : i32
        %dma_start3A_543 = arith.constant 0 : i32
        %dma_start3A_544 = tpu.memref_slice %arg10[%dma_start3A_542, %dma_start3A_543] : memref<128x128xf32, #tpu.memory_space<vmem>> -> memref<32x128xf32, #tpu.memory_space<vmem>>
        %dma_start3A_545 = arith.constant 0 : i32
        %dma_start3A_546 = tpu.memref_slice %arg8[%dma_start3A_541, %dma_start3A_545] : memref<16x32xi32, #tpu.memory_space<vmem>> -> memref<1x32xi32, #tpu.memory_space<vmem>>
        %dma_start3A_547 = tpu.memref_squeeze %dma_start3A_546 : memref<1x32xi32, #tpu.memory_space<vmem>> -> memref<32xi32, #tpu.memory_space<vmem>>
        %dma_start3A_548 = arith.constant 0 : i32
        %dma_start3A_549 = arith.constant 0 : i32
        %dma_start3A_550 = tpu.memref_slice %arg2[%dma_start3A_548, %dma_start3A_549] : memref<10240x128xf32, #tpu.memory_space<hbm>> -> memref<10240x128xf32, #tpu.memory_space<hbm>>
        tpu.enqueue_indirect_dma source(%dma_start3A_550 : memref<10240x128xf32, #tpu.memory_space<hbm>>) target(%dma_start3A_544 : memref<32x128xf32, #tpu.memory_space<vmem>>) offsets(%dma_start3A_547 : memref<32xi32, #tpu.memory_space<vmem>>) semaphore(%arg15 : memref<!tpu.dma_semaphore, #tpu.memory_space<semaphore_mem>>)
        %dma_start3A_551 = arith.constant 3 : i32
        %dma_start3A_552 = arith.constant 96 : i32
        %dma_start3A_553 = arith.constant 0 : i32
        %dma_start3A_554 = tpu.memref_slice %arg10[%dma_start3A_552, %dma_start3A_553] : memref<128x128xf32, #tpu.memory_space<vmem>> -> memref<32x128xf32, #tpu.memory_space<vmem>>
        %dma_start3A_555 = arith.constant 0 : i32
        %dma_start3A_556 = tpu.memref_slice %arg8[%dma_start3A_551, %dma_start3A_555] : memref<16x32xi32, #tpu.memory_space<vmem>> -> memref<1x32xi32, #tpu.memory_space<vmem>>
        %dma_start3A_557 = tpu.memref_squeeze %dma_start3A_556 : memref<1x32xi32, #tpu.memory_space<vmem>> -> memref<32xi32, #tpu.memory_space<vmem>>
        %dma_start3A_558 = arith.constant 0 : i32
        %dma_start3A_559 = arith.constant 0 : i32
        %dma_start3A_560 = tpu.memref_slice %arg2[%dma_start3A_558, %dma_start3A_559] : memref<10240x128xf32, #tpu.memory_space<hbm>> -> memref<10240x128xf32, #tpu.memory_space<hbm>>
        tpu.enqueue_indirect_dma source(%dma_start3A_560 : memref<10240x128xf32, #tpu.memory_space<hbm>>) target(%dma_start3A_554 : memref<32x128xf32, #tpu.memory_space<vmem>>) offsets(%dma_start3A_557 : memref<32xi32, #tpu.memory_space<vmem>>) semaphore(%arg16 : memref<!tpu.dma_semaphore, #tpu.memory_space<semaphore_mem>>)
      } else {
      }
      %add3A_472 = arith.constant 7 : i32
      %add3A_473 = arith.addi %mul3A_100, %add3A_472 : i32
      %dma_wait3A_474 = arith.constant 0 : i32
      %dma_wait3A_475 = arith.constant 0 : i32
      %dma_wait3A_476 = arith.constant 0 : i32
      %dma_wait3A_477 = tpu.memref_slice %arg11[%dma_wait3A_475, %dma_wait3A_476] : memref<128x128xf32, #tpu.memory_space<vmem>> -> memref<32x128xf32, #tpu.memory_space<vmem>>
      %dma_wait3A_478 = arith.constant 0 : i32
      %dma_wait3A_479 = tpu.memref_slice %arg8[%dma_wait3A_474, %dma_wait3A_478] : memref<16x32xi32, #tpu.memory_space<vmem>> -> memref<1x32xi32, #tpu.memory_space<vmem>>
      %dma_wait3A_480 = tpu.memref_squeeze %dma_wait3A_479 : memref<1x32xi32, #tpu.memory_space<vmem>> -> memref<32xi32, #tpu.memory_space<vmem>>
      %dma_wait3A_481 = arith.constant 0 : i32
      %dma_wait3A_482 = arith.constant 0 : i32
      %dma_wait3A_483 = tpu.memref_slice %arg2[%dma_wait3A_481, %dma_wait3A_482] : memref<10240x128xf32, #tpu.memory_space<hbm>> -> memref<10240x128xf32, #tpu.memory_space<hbm>>
      tpu.wait_indirect_dma semaphore(%arg17 : memref<!tpu.dma_semaphore, #tpu.memory_space<semaphore_mem>>) src(%dma_wait3A_483 : memref<10240x128xf32, #tpu.memory_space<hbm>>) dst(%dma_wait3A_477 : memref<32x128xf32, #tpu.memory_space<vmem>>)
      %dma_wait3A_484 = arith.constant 0 : i32
      %dma_wait3A_485 = arith.constant 32 : i32
      %dma_wait3A_486 = arith.constant 0 : i32
      %dma_wait3A_487 = tpu.memref_slice %arg11[%dma_wait3A_485, %dma_wait3A_486] : memref<128x128xf32, #tpu.memory_space<vmem>> -> memref<32x128xf32, #tpu.memory_space<vmem>>
      %dma_wait3A_488 = arith.constant 0 : i32
      %dma_wait3A_489 = tpu.memref_slice %arg8[%dma_wait3A_484, %dma_wait3A_488] : memref<16x32xi32, #tpu.memory_space<vmem>> -> memref<1x32xi32, #tpu.memory_space<vmem>>
      %dma_wait3A_490 = tpu.memref_squeeze %dma_wait3A_489 : memref<1x32xi32, #tpu.memory_space<vmem>> -> memref<32xi32, #tpu.memory_space<vmem>>
      %dma_wait3A_491 = arith.constant 0 : i32
      %dma_wait3A_492 = arith.constant 0 : i32
      %dma_wait3A_493 = tpu.memref_slice %arg2[%dma_wait3A_491, %dma_wait3A_492] : memref<10240x128xf32, #tpu.memory_space<hbm>> -> memref<10240x128xf32, #tpu.memory_space<hbm>>
      tpu.wait_indirect_dma semaphore(%arg18 : memref<!tpu.dma_semaphore, #tpu.memory_space<semaphore_mem>>) src(%dma_wait3A_493 : memref<10240x128xf32, #tpu.memory_space<hbm>>) dst(%dma_wait3A_487 : memref<32x128xf32, #tpu.memory_space<vmem>>)
      %dma_wait3A_494 = arith.constant 0 : i32
      %dma_wait3A_495 = arith.constant 64 : i32
      %dma_wait3A_496 = arith.constant 0 : i32
      %dma_wait3A_497 = tpu.memref_slice %arg11[%dma_wait3A_495, %dma_wait3A_496] : memref<128x128xf32, #tpu.memory_space<vmem>> -> memref<32x128xf32, #tpu.memory_space<vmem>>
      %dma_wait3A_498 = arith.constant 0 : i32
      %dma_wait3A_499 = tpu.memref_slice %arg8[%dma_wait3A_494, %dma_wait3A_498] : memref<16x32xi32, #tpu.memory_space<vmem>> -> memref<1x32xi32, #tpu.memory_space<vmem>>
      %dma_wait3A_500 = tpu.memref_squeeze %dma_wait3A_499 : memref<1x32xi32, #tpu.memory_space<vmem>> -> memref<32xi32, #tpu.memory_space<vmem>>
      %dma_wait3A_501 = arith.constant 0 : i32
      %dma_wait3A_502 = arith.constant 0 : i32
      %dma_wait3A_503 = tpu.memref_slice %arg2[%dma_wait3A_501, %dma_wait3A_502] : memref<10240x128xf32, #tpu.memory_space<hbm>> -> memref<10240x128xf32, #tpu.memory_space<hbm>>
      tpu.wait_indirect_dma semaphore(%arg19 : memref<!tpu.dma_semaphore, #tpu.memory_space<semaphore_mem>>) src(%dma_wait3A_503 : memref<10240x128xf32, #tpu.memory_space<hbm>>) dst(%dma_wait3A_497 : memref<32x128xf32, #tpu.memory_space<vmem>>)
      %dma_wait3A_504 = arith.constant 0 : i32
      %dma_wait3A_505 = arith.constant 96 : i32
      %dma_wait3A_506 = arith.constant 0 : i32
      %dma_wait3A_507 = tpu.memref_slice %arg11[%dma_wait3A_505, %dma_wait3A_506] : memref<128x128xf32, #tpu.memory_space<vmem>> -> memref<32x128xf32, #tpu.memory_space<vmem>>
      %dma_wait3A_508 = arith.constant 0 : i32
      %dma_wait3A_509 = tpu.memref_slice %arg8[%dma_wait3A_504, %dma_wait3A_508] : memref<16x32xi32, #tpu.memory_space<vmem>> -> memref<1x32xi32, #tpu.memory_space<vmem>>
      %dma_wait3A_510 = tpu.memref_squeeze %dma_wait3A_509 : memref<1x32xi32, #tpu.memory_space<vmem>> -> memref<32xi32, #tpu.memory_space<vmem>>
      %dma_wait3A_511 = arith.constant 0 : i32
      %dma_wait3A_512 = arith.constant 0 : i32
      %dma_wait3A_513 = tpu.memref_slice %arg2[%dma_wait3A_511, %dma_wait3A_512] : memref<10240x128xf32, #tpu.memory_space<hbm>> -> memref<10240x128xf32, #tpu.memory_space<hbm>>
      tpu.wait_indirect_dma semaphore(%arg20 : memref<!tpu.dma_semaphore, #tpu.memory_space<semaphore_mem>>) src(%dma_wait3A_513 : memref<10240x128xf32, #tpu.memory_space<hbm>>) dst(%dma_wait3A_507 : memref<32x128xf32, #tpu.memory_space<vmem>>)
      "tpu.region"() ({
        %run_scoped3A = tpu.sem_alloc : memref<!tpu.dma_semaphore, #tpu.memory_space<semaphore_mem>>
        %dma_start3A_521 = arith.constant 0 : i32
        %dma_start3A_522 = tpu.memref_slice %arg7[%add3A_473, %dma_start3A_521] : memref<80x128xi32, #tpu.memory_space<vmem>> -> memref<1x128xi32, #tpu.memory_space<vmem>>
        %dma_start3A_523 = tpu.memref_squeeze %dma_start3A_522 : memref<1x128xi32, #tpu.memory_space<vmem>> -> memref<128xi32, #tpu.memory_space<vmem>>
        %dma_start3A_524 = arith.constant 0 : i32
        %dma_start3A_525 = arith.constant 0 : i32
        %dma_start3A_526 = tpu.memref_slice %arg12[%dma_start3A_524, %dma_start3A_525] : memref<10240x128xf32, #tpu.memory_space<vmem_shared>> -> memref<10240x128xf32, #tpu.memory_space<vmem_shared>>
        tpu.enqueue_indirect_dma source(%arg11 : memref<128x128xf32, #tpu.memory_space<vmem>>) target(%dma_start3A_526 : memref<10240x128xf32, #tpu.memory_space<vmem_shared>>) offsets(%dma_start3A_523 : memref<128xi32, #tpu.memory_space<vmem>>) semaphore(%run_scoped3A : memref<!tpu.dma_semaphore, #tpu.memory_space<semaphore_mem>>) {add = true}
        %dma_wait3A_527 = arith.constant 0 : i32
        %dma_wait3A_528 = tpu.memref_slice %arg7[%add3A_473, %dma_wait3A_527] : memref<80x128xi32, #tpu.memory_space<vmem>> -> memref<1x128xi32, #tpu.memory_space<vmem>>
        %dma_wait3A_529 = tpu.memref_squeeze %dma_wait3A_528 : memref<1x128xi32, #tpu.memory_space<vmem>> -> memref<128xi32, #tpu.memory_space<vmem>>
        %dma_wait3A_530 = arith.constant 0 : i32
        %dma_wait3A_531 = arith.constant 0 : i32
        %dma_wait3A_532 = tpu.memref_slice %arg12[%dma_wait3A_530, %dma_wait3A_531] : memref<10240x128xf32, #tpu.memory_space<vmem_shared>> -> memref<10240x128xf32, #tpu.memory_space<vmem_shared>>
        tpu.wait_indirect_dma semaphore(%run_scoped3A : memref<!tpu.dma_semaphore, #tpu.memory_space<semaphore_mem>>) src(%arg11 : memref<128x128xf32, #tpu.memory_space<vmem>>) dst(%dma_wait3A_532 : memref<10240x128xf32, #tpu.memory_space<vmem_shared>>)
        tpu.yield
      }) : () -> ()
      %add3A_514 = arith.constant 2 : i32
      %add3A_515 = arith.addi %add3A_473, %add3A_514 : i32
      %lt3A_516 = arith.constant 80 : i32
      %lt3A_517 = arith.cmpi slt, %add3A_515, %lt3A_516 : i32
      %convert_element_type3A_518 = arith.extui %lt3A_517 : i1 to i32
      %cond3A_519 = arith.constant 0 : i32
      %cond3A_520 = arith.cmpi ne, %convert_element_type3A_518, %cond3A_519 : i32
      scf.if %cond3A_520 {
        %dma_start3A_521 = arith.constant 4 : i32
        %dma_start3A_522 = arith.constant 0 : i32
        %dma_start3A_523 = arith.constant 0 : i32
        %dma_start3A_524 = tpu.memref_slice %arg11[%dma_start3A_522, %dma_start3A_523] : memref<128x128xf32, #tpu.memory_space<vmem>> -> memref<32x128xf32, #tpu.memory_space<vmem>>
        %dma_start3A_525 = arith.constant 0 : i32
        %dma_start3A_526 = tpu.memref_slice %arg8[%dma_start3A_521, %dma_start3A_525] : memref<16x32xi32, #tpu.memory_space<vmem>> -> memref<1x32xi32, #tpu.memory_space<vmem>>
        %dma_start3A_527 = tpu.memref_squeeze %dma_start3A_526 : memref<1x32xi32, #tpu.memory_space<vmem>> -> memref<32xi32, #tpu.memory_space<vmem>>
        %dma_start3A_528 = arith.constant 0 : i32
        %dma_start3A_529 = arith.constant 0 : i32
        %dma_start3A_530 = tpu.memref_slice %arg2[%dma_start3A_528, %dma_start3A_529] : memref<10240x128xf32, #tpu.memory_space<hbm>> -> memref<10240x128xf32, #tpu.memory_space<hbm>>
        tpu.enqueue_indirect_dma source(%dma_start3A_530 : memref<10240x128xf32, #tpu.memory_space<hbm>>) target(%dma_start3A_524 : memref<32x128xf32, #tpu.memory_space<vmem>>) offsets(%dma_start3A_527 : memref<32xi32, #tpu.memory_space<vmem>>) semaphore(%arg17 : memref<!tpu.dma_semaphore, #tpu.memory_space<semaphore_mem>>)
        %dma_start3A_531 = arith.constant 5 : i32
        %dma_start3A_532 = arith.constant 32 : i32
        %dma_start3A_533 = arith.constant 0 : i32
        %dma_start3A_534 = tpu.memref_slice %arg11[%dma_start3A_532, %dma_start3A_533] : memref<128x128xf32, #tpu.memory_space<vmem>> -> memref<32x128xf32, #tpu.memory_space<vmem>>
        %dma_start3A_535 = arith.constant 0 : i32
        %dma_start3A_536 = tpu.memref_slice %arg8[%dma_start3A_531, %dma_start3A_535] : memref<16x32xi32, #tpu.memory_space<vmem>> -> memref<1x32xi32, #tpu.memory_space<vmem>>
        %dma_start3A_537 = tpu.memref_squeeze %dma_start3A_536 : memref<1x32xi32, #tpu.memory_space<vmem>> -> memref<32xi32, #tpu.memory_space<vmem>>
        %dma_start3A_538 = arith.constant 0 : i32
        %dma_start3A_539 = arith.constant 0 : i32
        %dma_start3A_540 = tpu.memref_slice %arg2[%dma_start3A_538, %dma_start3A_539] : memref<10240x128xf32, #tpu.memory_space<hbm>> -> memref<10240x128xf32, #tpu.memory_space<hbm>>
        tpu.enqueue_indirect_dma source(%dma_start3A_540 : memref<10240x128xf32, #tpu.memory_space<hbm>>) target(%dma_start3A_534 : memref<32x128xf32, #tpu.memory_space<vmem>>) offsets(%dma_start3A_537 : memref<32xi32, #tpu.memory_space<vmem>>) semaphore(%arg18 : memref<!tpu.dma_semaphore, #tpu.memory_space<semaphore_mem>>)
        %dma_start3A_541 = arith.constant 6 : i32
        %dma_start3A_542 = arith.constant 64 : i32
        %dma_start3A_543 = arith.constant 0 : i32
        %dma_start3A_544 = tpu.memref_slice %arg11[%dma_start3A_542, %dma_start3A_543] : memref<128x128xf32, #tpu.memory_space<vmem>> -> memref<32x128xf32, #tpu.memory_space<vmem>>
        %dma_start3A_545 = arith.constant 0 : i32
        %dma_start3A_546 = tpu.memref_slice %arg8[%dma_start3A_541, %dma_start3A_545] : memref<16x32xi32, #tpu.memory_space<vmem>> -> memref<1x32xi32, #tpu.memory_space<vmem>>
        %dma_start3A_547 = tpu.memref_squeeze %dma_start3A_546 : memref<1x32xi32, #tpu.memory_space<vmem>> -> memref<32xi32, #tpu.memory_space<vmem>>
        %dma_start3A_548 = arith.constant 0 : i32
        %dma_start3A_549 = arith.constant 0 : i32
        %dma_start3A_550 = tpu.memref_slice %arg2[%dma_start3A_548, %dma_start3A_549] : memref<10240x128xf32, #tpu.memory_space<hbm>> -> memref<10240x128xf32, #tpu.memory_space<hbm>>
        tpu.enqueue_indirect_dma source(%dma_start3A_550 : memref<10240x128xf32, #tpu.memory_space<hbm>>) target(%dma_start3A_544 : memref<32x128xf32, #tpu.memory_space<vmem>>) offsets(%dma_start3A_547 : memref<32xi32, #tpu.memory_space<vmem>>) semaphore(%arg19 : memref<!tpu.dma_semaphore, #tpu.memory_space<semaphore_mem>>)
        %dma_start3A_551 = arith.constant 7 : i32
        %dma_start3A_552 = arith.constant 96 : i32
        %dma_start3A_553 = arith.constant 0 : i32
        %dma_start3A_554 = tpu.memref_slice %arg11[%dma_start3A_552, %dma_start3A_553] : memref<128x128xf32, #tpu.memory_space<vmem>> -> memref<32x128xf32, #tpu.memory_space<vmem>>
        %dma_start3A_555 = arith.constant 0 : i32
        %dma_start3A_556 = tpu.memref_slice %arg8[%dma_start3A_551, %dma_start3A_555] : memref<16x32xi32, #tpu.memory_space<vmem>> -> memref<1x32xi32, #tpu.memory_space<vmem>>
        %dma_start3A_557 = tpu.memref_squeeze %dma_start3A_556 : memref<1x32xi32, #tpu.memory_space<vmem>> -> memref<32xi32, #tpu.memory_space<vmem>>
        %dma_start3A_558 = arith.constant 0 : i32
        %dma_start3A_559 = arith.constant 0 : i32
        %dma_start3A_560 = tpu.memref_slice %arg2[%dma_start3A_558, %dma_start3A_559] : memref<10240x128xf32, #tpu.memory_space<hbm>> -> memref<10240x128xf32, #tpu.memory_space<hbm>>
        tpu.enqueue_indirect_dma source(%dma_start3A_560 : memref<10240x128xf32, #tpu.memory_space<hbm>>) target(%dma_start3A_554 : memref<32x128xf32, #tpu.memory_space<vmem>>) offsets(%dma_start3A_557 : memref<32xi32, #tpu.memory_space<vmem>>) semaphore(%arg20 : memref<!tpu.dma_semaphore, #tpu.memory_space<semaphore_mem>>)
      } else {
      }
    }
    %scan3A_90 = arith.constant 10 : i32
    %barrier3A_91 = arith.constant 0 : index
    tpu.barrier barrier_id(%barrier3A_91)
    %mul3A_92 = arith.constant 640 : i32
    %mul3A_93 = arith.muli %arg1, %mul3A_92 : i32
    %mul3A_94 = arith.constant 640 : i32
    %mul3A_95 = arith.muli %arg1, %mul3A_94 : i32
    "tpu.region"() ({
      %run_scoped3A = tpu.sem_alloc : memref<!tpu.dma_semaphore, #tpu.memory_space<semaphore_mem>>
      %dma_start3A_96 = arith.constant 0 : i32
      %dma_start3A_97 = tpu.memref_slice %arg6[%arg0, %mul3A_95, %dma_start3A_96] : memref<2x10240x128xf32, #tpu.memory_space<hbm>> -> memref<1x640x128xf32, #tpu.memory_space<hbm>>
      %dma_start3A_98 = tpu.memref_squeeze %dma_start3A_97 : memref<1x640x128xf32, #tpu.memory_space<hbm>> -> memref<640x128xf32, #tpu.memory_space<hbm>>
      %dma_start3A_99 = arith.constant 0 : i32
      %dma_start3A_100 = tpu.memref_slice %arg12[%mul3A_93, %dma_start3A_99] : memref<10240x128xf32, #tpu.memory_space<vmem_shared>> -> memref<640x128xf32, #tpu.memory_space<vmem_shared>>
      tpu.enqueue_dma source(%dma_start3A_100 : memref<640x128xf32, #tpu.memory_space<vmem_shared>>) target(%dma_start3A_98 : memref<640x128xf32, #tpu.memory_space<hbm>>) target_semaphore(%run_scoped3A : memref<!tpu.dma_semaphore, #tpu.memory_space<semaphore_mem>>)
      %dma_wait3A = arith.constant 0 : i32
      %dma_wait3A_101 = tpu.memref_slice %arg6[%arg0, %mul3A_95, %dma_wait3A] : memref<2x10240x128xf32, #tpu.memory_space<hbm>> -> memref<1x640x128xf32, #tpu.memory_space<hbm>>
      %dma_wait3A_102 = tpu.memref_squeeze %dma_wait3A_101 : memref<1x640x128xf32, #tpu.memory_space<hbm>> -> memref<640x128xf32, #tpu.memory_space<hbm>>
      %dma_wait3A_103 = arith.constant 0 : i32
      %dma_wait3A_104 = tpu.memref_slice %arg12[%mul3A_93, %dma_wait3A_103] : memref<10240x128xf32, #tpu.memory_space<vmem_shared>> -> memref<640x128xf32, #tpu.memory_space<vmem_shared>>
      tpu.wait_dma2 semaphore(%run_scoped3A : memref<!tpu.dma_semaphore, #tpu.memory_space<semaphore_mem>>) src(%dma_wait3A_104 : memref<640x128xf32, #tpu.memory_space<vmem_shared>>) dst(%dma_wait3A_102 : memref<640x128xf32, #tpu.memory_space<hbm>>)
      tpu.yield
    }) : () -> ()
    return
  }
}

module attributes {stable_mosaic.version = 14 : i64} {
  func.func @_tc_scale_body(%arg0: i32, %arg1: memref<512x128xf32, #tpu.memory_space<vmem>>, %arg2: memref<2x512x128xf32, #tpu.memory_space<vmem>>, %arg3: memref<512x128xf32, #tpu.memory_space<vmem>>) attributes {dimension_semantics = [#tpu.dimension_semantics<arbitrary>], iteration_bounds = array<i64: 20>, scalar_prefetch = 0 : i64, scratch_operands = 0 : i64, tpu.core_type = #tpu.core_type<tc>, window_params = [{transform_indices = @transform_0, window_bounds = array<i64: 512, 128>}, {transform_indices = @transform_1, window_bounds = array<i64: 2, 512, 128>}, {transform_indices = @transform_2, window_bounds = array<i64: 512, 128>}]} {
    %get3A = arith.constant 0 : index
    %get3A_0 = arith.constant 0 : index
    %get3A_1 = vector.load %arg1[%get3A, %get3A_0] : memref<512x128xf32, #tpu.memory_space<vmem>>, vector<512x128xf32>
    %get3A_2 = arith.constant 0 : index
    %get3A_3 = arith.constant 0 : index
    %get3A_4 = arith.constant 0 : index
    %get3A_5 = vector.load %arg2[%get3A_2, %get3A_3, %get3A_4] : memref<2x512x128xf32, #tpu.memory_space<vmem>>, vector<1x512x1xf32>
    %get3A_6 = vector.shape_cast %get3A_5 : vector<1x512x1xf32> to vector<512x1xf32>
    %get3A_7 = arith.constant 1 : index
    %get3A_8 = arith.constant 0 : index
    %get3A_9 = arith.constant 0 : index
    %get3A_10 = vector.load %arg2[%get3A_7, %get3A_8, %get3A_9] : memref<2x512x128xf32, #tpu.memory_space<vmem>>, vector<1x512x1xf32>
    %get3A_11 = vector.shape_cast %get3A_10 : vector<1x512x1xf32> to vector<512x1xf32>
    %add3A = arith.addf %get3A_6, %get3A_11 : vector<512x1xf32>
    %gt3A = arith.constant 0.000000e+00 : f32
    %gt3A_12 = vector.broadcast %gt3A : f32 to vector<512x1xf32>
    %gt3A_13 = arith.cmpf ogt, %add3A, %gt3A_12 : vector<512x1xf32>
    %rsqrt3A = math.rsqrt %add3A : vector<512x1xf32>
    %jit3A = arith.constant 0.000000e+00 : f32
    %broadcast_in_dim3A = vector.broadcast %jit3A : f32 to vector<512x1xf32>
    %select_n3A = arith.select %gt3A_13, %rsqrt3A, %broadcast_in_dim3A : vector<512x1xi1>, vector<512x1xf32>
    %mul3A = vector.broadcast %select_n3A : vector<512x1xf32> to vector<512x128xf32>
    %mul3A_14 = arith.mulf %get3A_1, %mul3A : vector<512x128xf32>
    %swap3A = arith.constant 0 : index
    %swap3A_15 = arith.constant 0 : index
    %swap3A_16 = vector.load %arg3[%swap3A, %swap3A_15] : memref<512x128xf32, #tpu.memory_space<vmem>>, vector<512x128xf32>
    tpu.vector_store %arg3[%swap3A, %swap3A_15], %mul3A_14 {strides = array<i32>} : memref<512x128xf32, #tpu.memory_space<vmem>>, vector<512x128xf32>,
    return
  }
  func.func @transform_0(%arg0: i32) -> (i32, i32) {
    %c0_i32 = arith.constant 0 : i32
    %c0_i32_0 = arith.constant 0 : i32
    return %arg0, %c0_i32 : i32, i32
  }
  func.func @transform_1(%arg0: i32) -> (i32, i32, i32) {
    %c0_i32 = arith.constant 0 : i32
    %c0_i32_0 = arith.constant 0 : i32
    %c0_i32_1 = arith.constant 0 : i32
    return %c0_i32, %arg0, %c0_i32_0 : i32, i32, i32
  }
  func.func @transform_2(%arg0: i32) -> (i32, i32) {
    %c0_i32 = arith.constant 0 : i32
    %c0_i32_0 = arith.constant 0 : i32
    return %arg0, %c0_i32 : i32, i32
  }
}

module attributes {stable_mosaic.version = 14 : i64} {
  func.func @_tc_combine_body(%arg0: i32, %arg1: memref<2x512x128xf32, #tpu.memory_space<vmem>>, %arg2: memref<2x512x128xf32, #tpu.memory_space<vmem>>, %arg3: memref<512x128xf32, #tpu.memory_space<vmem>>) attributes {dimension_semantics = [#tpu.dimension_semantics<arbitrary>], iteration_bounds = array<i64: 20>, scalar_prefetch = 0 : i64, scratch_operands = 0 : i64, tpu.core_type = #tpu.core_type<tc>, window_params = [{transform_indices = @transform_0, window_bounds = array<i64: 2, 512, 128>}, {transform_indices = @transform_1, window_bounds = array<i64: 2, 512, 128>}, {transform_indices = @transform_2, window_bounds = array<i64: 512, 128>}]} {
    %get3A = arith.constant 0 : index
    %get3A_0 = arith.constant 0 : index
    %get3A_1 = arith.constant 0 : index
    %get3A_2 = vector.load %arg1[%get3A, %get3A_0, %get3A_1] : memref<2x512x128xf32, #tpu.memory_space<vmem>>, vector<1x512x128xf32>
    %get3A_3 = vector.shape_cast %get3A_2 : vector<1x512x128xf32> to vector<512x128xf32>
    %get3A_4 = arith.constant 1 : index
    %get3A_5 = arith.constant 0 : index
    %get3A_6 = arith.constant 0 : index
    %get3A_7 = vector.load %arg1[%get3A_4, %get3A_5, %get3A_6] : memref<2x512x128xf32, #tpu.memory_space<vmem>>, vector<1x512x128xf32>
    %get3A_8 = vector.shape_cast %get3A_7 : vector<1x512x128xf32> to vector<512x128xf32>
    %add3A = arith.addf %get3A_3, %get3A_8 : vector<512x128xf32>
    %get3A_9 = arith.constant 0 : index
    %get3A_10 = arith.constant 0 : index
    %get3A_11 = arith.constant 0 : index
    %get3A_12 = vector.load %arg2[%get3A_9, %get3A_10, %get3A_11] : memref<2x512x128xf32, #tpu.memory_space<vmem>>, vector<1x512x1xf32>
    %get3A_13 = vector.shape_cast %get3A_12 : vector<1x512x1xf32> to vector<512x1xf32>
    %get3A_14 = arith.constant 1 : index
    %get3A_15 = arith.constant 0 : index
    %get3A_16 = arith.constant 0 : index
    %get3A_17 = vector.load %arg2[%get3A_14, %get3A_15, %get3A_16] : memref<2x512x128xf32, #tpu.memory_space<vmem>>, vector<1x512x1xf32>
    %get3A_18 = vector.shape_cast %get3A_17 : vector<1x512x1xf32> to vector<512x1xf32>
    %add3A_19 = arith.addf %get3A_13, %get3A_18 : vector<512x1xf32>
    %gt3A = arith.constant 0.000000e+00 : f32
    %gt3A_20 = vector.broadcast %gt3A : f32 to vector<512x1xf32>
    %gt3A_21 = arith.cmpf ogt, %add3A_19, %gt3A_20 : vector<512x1xf32>
    %rsqrt3A = math.rsqrt %add3A_19 : vector<512x1xf32>
    %jit3A = arith.constant 0.000000e+00 : f32
    %broadcast_in_dim3A = vector.broadcast %jit3A : f32 to vector<512x1xf32>
    %select_n3A = arith.select %gt3A_21, %rsqrt3A, %broadcast_in_dim3A : vector<512x1xi1>, vector<512x1xf32>
    %mul3A = vector.broadcast %select_n3A : vector<512x1xf32> to vector<512x128xf32>
    %mul3A_22 = arith.mulf %add3A, %mul3A : vector<512x128xf32>
    %swap3A = arith.constant 0 : index
    %swap3A_23 = arith.constant 0 : index
    %swap3A_24 = vector.load %arg3[%swap3A, %swap3A_23] : memref<512x128xf32, #tpu.memory_space<vmem>>, vector<512x128xf32>
    tpu.vector_store %arg3[%swap3A, %swap3A_23], %mul3A_22 {strides = array<i32>} : memref<512x128xf32, #tpu.memory_space<vmem>>, vector<512x128xf32>,
    return
  }
  func.func @transform_0(%arg0: i32) -> (i32, i32, i32) {
    %c0_i32 = arith.constant 0 : i32
    %c0_i32_0 = arith.constant 0 : i32
    %c0_i32_1 = arith.constant 0 : i32
    return %c0_i32, %arg0, %c0_i32_0 : i32, i32, i32
  }
  func.func @transform_1(%arg0: i32) -> (i32, i32, i32) {
    %c0_i32 = arith.constant 0 : i32
    %c0_i32_0 = arith.constant 0 : i32
    %c0_i32_1 = arith.constant 0 : i32
    return %c0_i32, %arg0, %c0_i32_0 : i32, i32, i32
  }
  func.func @transform_2(%arg0: i32) -> (i32, i32) {
    %c0_i32 = arith.constant 0 : i32
    %c0_i32_0 = arith.constant 0 : i32
    return %arg0, %c0_i32 : i32, i32
  }
}

</mosaic_0001>

<sc_bundles>
// kernel: kernel.6.cloned.1.call-start
scs
__scs_entry_jumppad:
0x0: {  	(pc) =	sbr.rel $0x88, $3  }
0x1: {  	(tag) =	ssettag $0x0;
	lr =	simm.s32 $0x1  }
0x2: {  	[smem:$0x3F9F] =	sst lr;
	_ =	strace $0xD0000000  }
0x3: {  	_ = 	snop  }
0x4: {  	_ = 	snop  }
0x5: {  	_ = 	snop  }
0x6: {  	_ = 	snop  }
0x7: {  	_ = 	snop  }
__scs_overlays_trampoline_lowered:
0x8: {  	[smem:$0x3FAE] =	sst s0  }
0x9: {  	[smem:$0x3FAF] =	sst s1  }
0xa: {  	[smem:$0x3FB0] =	sst s2  }
0xb: {  	[smem:$0x3FB1] =	sst s3  }
0xc: {  	[smem:$0x3FB2] =	sst s4  }
0xd: {  	[smem:$0x3FB3] =	sst s5  }
0xe: {  	[smem:$0x3FB4] =	sst s6  }
0xf: {  	[smem:$0x3FB5] =	sst s7  }
0x10: {  	[smem:$0x3FB6] =	sst s8  }
0x11: {  	[smem:$0x3FB7] =	sst s9;
	s0 =	simm.s32 @!p0 $0x0  }
0x12: {  	s1 =	sld [smem:$0x3F9D];
	s0 =	simm.s32 @p0 $0x1  }
0x13: {  	[smem:$0x3FB8] =	sst s0;
	s0 =	simm.s32 @!p1 $0x0  }
0x14: {  	s2 =	sld [smem:$0x3F9C];
	s0 =	simm.s32 @p1 $0x1  }
0x15: {  	[smem:$0x3FB9] =	sst s0;
	s0 =	simm.s32 @!p2 $0x0  }
0x16: {  	s3 =	sld [smem:$0x3FDB];
	s0 =	simm.s32 @p2 $0x1  }
0x17: {  	s4 =	simm.s32 $0x1BF5;
	[smem:$0x3FBB] =	sst s0  }
0x18: {  	s0 =	sld [smem:$0x3F9E];
	_ =	swait.ge [sflag:s4], $0x0  }
0x19: {  	s7 =	sld [smem:$0x3F9F]  }
0x1a: {  	s8 =	sadd.s32 $0xFFFFE003, lr  }
0x1b: {  	s9 =	sadd.s32 $0xFFFFFEF7, lr;
	s5 =	simm.s32 $0xFFFFFFFF;
	p2 =	slt.u32 s8, $0xFFFFF086  }
0x1c: {  	p1 =	slt.u32 s9, $0xF7A;
	s5 =	simm.s32 @!p2 $0x0  }
0x1d: {  	s5 =	simm.s32 @p1 $0x1;
	p0 =	seq.s32 s7, s2  }
0x1e: {  	s7 =	smul.u32 @!p0 $0xF7A, s2;
	p2 =	seq.s32 @!p0 s5, $0x0  }
0x1f: {  	s9 =	smul.u32 $0xF7A, s1;
	s8 =	simm.s32 @!p0 $0x1BF5;
	p2 =	por !p2, p0  }
0x20: {  	[sflag:s8] =	ssyncset.s32 @!p0 $0xFFFFF086;
	s6 =	sadd.s32 @!p0 s3, s7;
	s7 =	simm.s32 @!p0 $0x108  }
0x21: {  	s3 =	sadd.s32 s3, s9;
	s6 =	sadd.s32 @!p0 $0x88, s6;
	s7 =	simm.s32 @p2 $0x1082  }
0x22: {  	[simem:s7], [sflag:s8] =	dma.local @!p0 [hbm:s6], $0xF7A  }
0x23: {  	s9 =	sor.u32 $0xD0000000, s2;
	s6 =	simm.s32 $0x108;
	_ =	swait.ge @!p0 [sflag:s8], $0x0  }
0x24: {  	s3 =	sadd.s32 $0x88, s3;
	s6 =	simm.s32 @!p1 $0x1082;
	[sflag:s4] =	ssyncset.s32 $0xFFFFF086  }
0x25: {  	[simem:s6], [sflag:s4] =	dma.local [hbm:s3], $0xF7A  }
0x26: {  	[smem:$0x3F9F] =	sst s1;
	(tag) =	ssettag s2;
	_ =	strace s9  }
0x27: {  	s1 =	sld [smem:$0x3FAF]  }
0x28: {  	s2 =	sld [smem:$0x3FB0]  }
0x29: {  	s4 =	sld [smem:$0x3FB2]  }
0x2a: {  	p0 =	seq.s32 s5, $0x0;
	s5 =	sld [smem:$0x3FB3]  }
0x2b: {  	s6 =	sld [smem:$0x3FB4]  }
0x2c: {  	s7 =	sld [smem:$0x3FB5]  }
0x2d: {  	s3 =	simm.s32 $0x108;
	s8 =	sld [smem:$0x3FB6]  }
0x2e: {  	s3 =	simm.s32 @!p0 $0x1082;
	s9 =	sld [smem:$0x3FB7]  }
0x2f: {  	lr =	sadd.s32 s0, s3;
	s0 =	sld [smem:$0x3FAE]  }
0x30: {  	s3 =	sld [smem:$0x3FB1]  }
0x31: {  	[smem:$0x3FBA] =	sst s10  }
0x32: {  	s10 =	sld [smem:$0x3FB8];
	_ =	sdelay $0x3  }
0x33: {  	p0 =	seq.s32 s10, $0x1;
	s10 =	sld [smem:$0x3FBA];
	_ =	sdelay $0x3  }
0x34: {  	[smem:$0x3FBA] =	sst s10  }
0x35: {  	s10 =	sld [smem:$0x3FB9];
	_ =	sdelay $0x3  }
0x36: {  	p1 =	seq.s32 s10, $0x1;
	s10 =	sld [smem:$0x3FBA];
	_ =	sdelay $0x3  }
0x37: {  	[smem:$0x3FBA] =	sst s10  }
0x38: {  	s10 =	sld [smem:$0x3FBB]  }
0x39: {  	_ = 	snop;
	(pc) =	sbr.ind lr, $3  }
0x3a: {  	_ = 	snop  }
0x3b: {  	_ = 	snop  }
0x3c: {  	p2 =	seq.s32 s10, $0x1;
	s10 =	sld [smem:$0x3FBA]  }
0x3d: {  	_ =	shalt  }
0x3e: {  	_ =	shalt  }
0x3f: {  	_ =	shalt  }
0x40: {  	_ =	shalt  }
0x41: {  	_ =	shalt  }
0x42: {  	_ =	shalt  }
0x43: {  	_ =	shalt  }
0x44: {  	_ =	shalt  }
0x45: {  	_ =	shalt  }
0x46: {  	_ =	shalt  }
0x47: {  	_ =	shalt  }
0x48: {  	_ =	shalt  }
0x49: {  	_ =	shalt  }
0x4a: {  	_ =	shalt  }
0x4b: {  	_ =	shalt  }
0x4c: {  	_ =	shalt  }
0x4d: {  	_ =	shalt  }
0x4e: {  	_ =	shalt  }
0x4f: {  	_ =	shalt  }
0x50: {  	_ =	shalt  }
0x51: {  	_ =	shalt  }
0x52: {  	_ =	shalt  }
0x53: {  	_ =	shalt  }
0x54: {  	_ =	shalt  }
0x55: {  	_ =	shalt  }
0x56: {  	_ =	shalt  }
0x57: {  	_ =	shalt  }
0x58: {  	_ =	shalt  }
0x59: {  	_ =	shalt  }
0x5a: {  	_ =	shalt  }
0x5b: {  	_ =	shalt  }
0x5c: {  	_ =	shalt  }
0x5d: {  	_ =	shalt  }
0x5e: {  	_ =	shalt  }
0x5f: {  	_ =	shalt  }
0x60: {  	_ =	shalt  }
0x61: {  	_ =	shalt  }
0x62: {  	_ =	shalt  }
0x63: {  	_ =	shalt  }
0x64: {  	_ =	shalt  }
0x65: {  	_ =	shalt  }
0x66: {  	_ =	shalt  }
0x67: {  	_ =	shalt  }
0x68: {  	_ =	shalt  }
0x69: {  	_ =	shalt  }
0x6a: {  	_ =	shalt  }
0x6b: {  	_ =	shalt  }
0x6c: {  	_ =	shalt  }
0x6d: {  	_ =	shalt  }
0x6e: {  	_ =	shalt  }
0x6f: {  	_ =	shalt  }
0x70: {  	_ =	shalt  }
0x71: {  	_ =	shalt  }
0x72: {  	_ =	shalt  }
0x73: {  	_ =	shalt  }
0x74: {  	_ =	shalt  }
0x75: {  	_ =	shalt  }
0x76: {  	_ =	shalt  }
0x77: {  	_ =	shalt  }
0x78: {  	_ =	shalt  }
0x79: {  	_ =	shalt  }
0x7a: {  	_ =	shalt  }
0x7b: {  	_ =	shalt  }
0x7c: {  	_ =	shalt  }
0x7d: {  	_ =	shalt  }
0x7e: {  	_ =	shalt  }
0x7f: {  	_ =	shalt  }
0x80: {  	_ =	shalt  }
0x81: {  	_ =	shalt  }
0x82: {  	_ =	shalt  }
0x83: {  	_ =	shalt  }
0x84: {  	_ =	shalt  }
0x85: {  	_ =	shalt  }
0x86: {  	_ =	shalt  }
0x87: {  	_ =	shalt  }
.Lfunc_end0:
.L_simem_size_0:
called_computation_lowered:
.L_overlay_start_0:
0x88: {  	s2 =	sld [smem:$0x3FD9]  }
0x89: {  	s3 =	sld [smem:$0x3FFE];
	_ =	sdelay $0x1  }
0x8a: {  	s1 =	srdreg.scid  }
0x8b: {  	s0 =	sand.u32 $0x1, s1  }
0x8c: {  	s17 =	sshll.u32 s0, $0xA;
	s2 =	sadd.s32 s3, s2  }
0x8d: {  	s2 =	sadd.s32 s2, s17  }
0x8e: {  	[smem:$0x3FC6] =	sst s2  }
0x8f: {  	_ = 	snop  }
0x90: {  	s2 =	sld [smem:$0x3FD0];
	(tm) =	ssettm $0x1  }
0x91: {  	s18 =	sld [smem:$0x3FFB];
	_ =	sdelay $0x3  }
0x92: {  	_ =	strace s18  }
0x93: {  	s3 =	sld [smem:$0x3FFC];
	_ =	sdelay $0x3  }
0x94: {  	_ =	strace s3  }
0x95: {  	s3 =	sld [smem:$0x3FFD];
	_ =	sdelay $0x3  }
0x96: {  	_ =	strace s3  }
0x97: {  	_ =	strace $0x8FFFFFFF  }
0x98: {  	s19 =	sld [smem:$0x3FDB];
	_ =	sdelay $0x1  }
0x99: {  	s4 =	simm.s32 $_scs_section_size  }
0x9a: {  	s5 =	simm.s32 $_size__tile_overlayer_lowered;
	s6 =	simm.s32 $_tile_overlayer_lowered  }
0x9b: {  	s22 =	simm.s32 $0x1BFF;
	s21 =	sshll.u32 s6, $0x1;
	s3 =	sadd.s32 s4, s19  }
0x9c: {  	s7 =	simm.s32 $0x0;
	s20 =	sshll.u32 s5, $0x1;
	s5 =	sadd.s32 s21, s3  }
0x9d: {  	[timem:s7], [sflag:s22] =	dma.local [hbm:s5], s20  }
0x9e: {  	_ =	swait.ge [sflag:s22], s20  }
0x9f: {  	s4 =	ssub.s32 $0x0, s20;
	[sflag:s22] =	ssyncset.done $0x0  }
0xa0: {  	[sflag:s22] =	ssyncadd.s32 s4;
	_ =	sdelay $0x1  }
0xa1: {  	s23 =	simm.s32 $0x1B8B  }
0xa2: {  	_ =	swait.ge [sflag:s23], $0x1  }
0xa3: {  	[sflag:s23] =	ssyncset.done $0x0  }
0xa4: {  	s25 =	simm.s32 $0x1B8E;
	s24 =	sld [smem:$0x3FFE];
	[sflag:s23] =	ssyncadd.s32 $0xFFFFFFFF  }
0xa5: {  	s26 =	simm.s32 $execute0_lowered;
	[smem:$0x3FD2] =	sst s25  }
0xa6: {  	s5 =	sshll.u32 s26, $0x1;
	_ =	strace $0x80000046;
	[dreg:$0x1] =	wrdreg $0xFFFFFFFF  }
0xa7: {  	s28 =	simm.s32 $_size_execute0_lowered;
	s3 =	sadd.s32 s3, s5;
	[dreg:$0x0] =	wrdreg $0x0  }
0xa8: {  	s5 =	sshll.u32 s28, $0x1;
	[dreg:$0x2] =	wrdreg s3  }
0xa9: {  	[dreg:$0x3] =	wrdreg s5  }
0xaa: {  	[dreg:$0x4] =	wrdreg $0xC0  }
0xab: {  	_ =	task [dreg:s7], $0x5FFFF  }
0xac: {  	[dreg:$0x1] =	wrdreg $0xFFFFFFFF  }
0xad: {  	[dreg:$0x0] =	wrdreg $0x60  }
0xae: {  	[dreg:$0x2] =	wrdreg s2  }
0xaf: {  	[dreg:$0x3] =	wrdreg s24  }
0xb0: {  	[dreg:$0x4] =	wrdreg $0x68000  }
0xb1: {  	[dreg:$0x5] =	wrdreg $0x9  }
0xb2: {  	_ =	task.clear_ibuf [dreg:s7], $0x6FFFF;
	_ =	strace $0x90000046  }
0xb3: {  	s29 =	simm.s32 $0x9;
	_ =	strace $0x80000048  }
0xb4: {  	_ =	swait.ge [sflag:s29], $0x1  }
0xb5: {  	[sflag:s29] =	ssyncadd.s32 $0xFFFFFFFF  }
0xb6: {  	_ =	strace $0x90000048  }
0xb7: {  	_ =	sfence  }
0xb8: {  	s30 =	sld [smem:$0x0];
	_ =	sdelay $0x2  }
0xb9: {  	s31 =	sshll.u32 s1, $0xD;
	s1 =	sshrl.u32 s1, $0x2  }
0xba: {  	s3 =	sand.u32 $0x4000, s31;
	s1 =	sadd.s32 s1, s30  }
0xbb: {  	s0 =	sor.u32 s3, s0;
	s1 =	sshll.u32 s1, $0x11  }
0xbc: {  	s0 =	sor.u32 s1, s0  }
0xbd: {  	s0 =	sadd.s32 $0x8F2B, s0  }
0xbe: {  	[sflag:s0] =	ssyncadd.remote.s32 $0x1  }
0xbf: {  	_ =	sfence.sel $0xFFFF  }
0xc0: {  	[dreg:$0x0] =	wrdreg $0xFFFFFFFF;
	(pc) =	sbr.abs _section_cstart, $3  }
0xc1: {  	[dreg:$0x1] =	wrdreg $0xFFFFFFFF  }
0xc2: {  	_ =	task.clear_ibuf [dreg:s7], $0x2FFFF;
	_ =	strace $0x9FFFFFFF  }
0xc3: {  	(tm) =	ssettm $0x7FFFFFFF  }
tec
execute0_lowered:
.L_overlay_start_1:
0x0: {  	(tag) =	ssettag $0x1  }
0x1: {  	s7 =	rddreg [dreg:$0x0]  }
0x2: {  	s6 =	rddreg [dreg:$0x1]  }
0x3: {  	s1 =	rddreg [dreg:$0x2]  }
0x4: {  	s2 =	srdreg.scid;
	s0 =	rddreg [dreg:$0x3];
	s3 =	simm.s32 $0x0  }
0x5: {  	s12 =	simm.s32 $0x2800;
	s13 =	simm.s32 $0x80;
	s14 =	simm.s32 $0x100  }
0x6: {  	s15 =	simm.s32 $0x180;
	s16 =	simm.s32 $0x1;
	s17 =	simm.s32 $0x2  }
0x7: {  	s18 =	simm.s32 $0x3;
	s19 =	simm.s32 $0x4;
	s8 =	sand.u32 $0x1, s2  }
0x8: {  	s20 =	simm.s32 $0x0;
	s2 =	stileid.u32;
	s9 =	smul.u32 $0x140000, s8  }
0x9: {  	[smem:$0x7FF] =	sst s3;
	s4 =	sadd.s32 $0xE00, s6;
	s10 =	smul.u32 $0x14000, s2  }
0xa: {  	s5 =	sadd.s32 $0x1600, s6;
	_ =	strace $0x80000047;
	s26 =	smul.u32 $0x50000, s2  }
0xb: {  	s11 =	sshll.u32 s8, $0x4;
	s28 =	ssub.s32 $0x2, s8;
	s31 =	sshll.u32 s2, $0x6  }
0xc: {  	s29 =	sor.u32 s2, s11;
	s30 =	sshrl.u32 s28, $0x1;
	s9 =	sadd.s32 s10, s9  }
0xd: {  	s10 =	sshrl.u32 s26, $0x2;
	s8 =	smul.u32 $0x500, s29;
	s9 =	sshrl.u32 s9, $0x3  }
0xe: {  	s11 =	ssub.s32 s28, s30;
	s10 =	sadd.s32 s10, s1;
	s9 =	sadd.s32 s9, s6  }
0xf: {  	s6 =	sor.u32 $0x1C05, s31;
	s7 =	sadd.s32 s7, s8;
	s10 =	sshrl.u32 s10, $0x3  }
0x10: {  	s8 =	sadd.s32 $0x3E00, s9;
	s9 =	smax.u32 s11, $0x1;
	s11 =	simm.s32 $0x5  }
.LBB2_1:
0x11: {  	[spmem:s10], [sflag:s6] =	dma.local [hbm:s5], $0x2800  }
0x12: {  	_ =	swait.ge [sflag:s11], $0x2800  }
0x13: {  	[sflag:s11] =	ssyncset.done $0x0  }
0x14: {  	[sflag:s11] =	ssyncadd.s32 $0xFFFFD800  }
0x15: {  	[tilespmem:s12], [sflag:$0x5] =	stream.linear.gather [hbm4b:s4+s3], $0x4000, $0x38;
	[tilespmem:$0x1A800] =	vst v63  }
0x16: {  	_ =	swait.ge [sflag:s11], $0x4000  }
0x17: {  	[sflag:s11] =	ssyncset.done $0x0  }
0x18: {  	[sflag:s11] =	ssyncadd.s32 $0xFFFFC000  }
0x19: {  	[tilespmem:s3], [sflag:$0x5] =	stream.linear.gather [hbm4b:s7+s3], $0x2800, $0x38;
	[tilespmem:$0x1A800] =	vst v63  }
0x1a: {  	_ =	swait.ge [sflag:s11], $0x2800  }
0x1b: {  	[sflag:s11] =	ssyncset.done $0x0  }
0x1c: {  	[sflag:s11] =	ssyncadd.s32 $0xFFFFD800  }
0x1d: {  	[bflag:$0x0] =	sbarrier.arrive $0xFFFF  }
0x1e: {  	[spmem:s1] =	stream.indirect.scatter.add.f32 [tilespmem:s12], [sflag:$0x1], $0x80, s3, s13, $0xb8;
	[tilespmem:$0x1A800] =	vst v63  }
0x1f: {  	_ = 	snop  }
0x20: {  	[spmem:s1] =	stream.indirect.scatter.add.f32 [tilespmem:s12], [sflag:$0x2], $0x80, s13, s13, $0xb8;
	[tilespmem:$0x1A800] =	vst v63  }
0x21: {  	_ = 	snop  }
0x22: {  	[spmem:s1] =	stream.indirect.scatter.add.f32 [tilespmem:s12], [sflag:$0x3], $0x80, s14, s13, $0xb8;
	[tilespmem:$0x1A800] =	vst v63  }
0x23: {  	_ = 	snop  }
0x24: {  	[spmem:s1] =	stream.indirect.scatter.add.f32 [tilespmem:s12], [sflag:$0x4], $0x80, s15, s13, $0xb8;
	[tilespmem:$0x1A800] =	vst v63  }
0x25: {  	_ =	swait.ge [sflag:s16], $0x4000  }
0x26: {  	[sflag:s16] =	ssyncset.done $0x0  }
0x27: {  	s21 =	simm.s32 $0x200;
	[sflag:s16] =	ssyncadd.s32 $0xFFFFC000  }
0x28: {  	[spmem:s1] =	stream.indirect.scatter.add.f32 [tilespmem:s12], [sflag:$0x1], $0x80, s21, s13, $0xb8;
	[tilespmem:$0x1A800] =	vst v63  }
0x29: {  	_ =	swait.ge [sflag:s17], $0x4000  }
0x2a: {  	[sflag:s17] =	ssyncset.done $0x0  }
0x2b: {  	s30 =	simm.s32 $0x280;
	[sflag:s17] =	ssyncadd.s32 $0xFFFFC000  }
0x2c: {  	[spmem:s1] =	stream.indirect.scatter.add.f32 [tilespmem:s12], [sflag:$0x2], $0x80, s30, s13, $0xb8;
	[tilespmem:$0x1A800] =	vst v63  }
0x2d: {  	_ =	swait.ge [sflag:s18], $0x4000  }
0x2e: {  	[sflag:s18] =	ssyncset.done $0x0  }
0x2f: {  	s31 =	simm.s32 $0x300;
	[sflag:s18] =	ssyncadd.s32 $0xFFFFC000  }
0x30: {  	[spmem:s1] =	stream.indirect.scatter.add.f32 [tilespmem:s12], [sflag:$0x3], $0x80, s31, s13, $0xb8;
	[tilespmem:$0x1A800] =	vst v63  }
0x31: {  	_ =	swait.ge [sflag:s19], $0x4000  }
0x32: {  	[sflag:s19] =	ssyncset.done $0x0  }
0x33: {  	s22 =	simm.s32 $0x380;
	s21 =	simm.s32 $0xFFFF7000;
	[sflag:s19] =	ssyncadd.s32 $0xFFFFC000  }
.LBB2_2:
0x34: {  	[spmem:s1] =	stream.indirect.scatter.add.f32 [tilespmem:s12], [sflag:$0x4], $0x80, s22, s13, $0xb8;
	[tilespmem:$0x1A800] =	vst v63  }
0x35: {  	s22 =	smov.u32 s21  }
0x36: {  	p0 =	sne.s32 s21, $0xFFFFF800;
	s21 =	sadd.s32 $0x800, s21;
	_ =	swait.ge [sflag:s16], $0x4000  }
0x37: {  	s22 =	sshra.s32 s22, $0x2;
	[sflag:s16] =	ssyncset.done $0x0  }
0x38: {  	s23 =	sadd.s32 $0x2800, s22;
	[sflag:s16] =	ssyncadd.s32 $0xFFFFC000  }
0x39: {  	[spmem:s1] =	stream.indirect.scatter.add.f32 [tilespmem:s12], [sflag:$0x1], $0x80, s23, s13, $0xb8;
	[tilespmem:$0x1A800] =	vst v63  }
0x3a: {  	_ =	swait.ge [sflag:s17], $0x4000  }
0x3b: {  	[sflag:s17] =	ssyncset.done $0x0  }
0x3c: {  	s23 =	sadd.s32 $0x2880, s22;
	[sflag:s17] =	ssyncadd.s32 $0xFFFFC000  }
0x3d: {  	[spmem:s1] =	stream.indirect.scatter.add.f32 [tilespmem:s12], [sflag:$0x2], $0x80, s23, s13, $0xb8;
	[tilespmem:$0x1A800] =	vst v63  }
0x3e: {  	_ =	swait.ge [sflag:s18], $0x4000  }
0x3f: {  	[sflag:s18] =	ssyncset.done $0x0  }
.Ltmp0:
0x40: {  	s23 =	sadd.s32 $0x2900, s22;
	[sflag:s18] =	ssyncadd.s32 $0xFFFFC000;
	(pc) =	sbr.rel @p0 .LBB2_2-.Ltmp0, $4  }
0x41: {  	[spmem:s1] =	stream.indirect.scatter.add.f32 [tilespmem:s12], [sflag:$0x3], $0x80, s23, s13, $0xb8;
	[tilespmem:$0x1A800] =	vst v63  }
0x42: {  	_ =	swait.ge [sflag:s19], $0x4000  }
0x43: {  	[sflag:s19] =	ssyncset.done $0x0  }
0x44: {  	s22 =	sadd.s32 $0x2980, s22;
	[sflag:s19] =	ssyncadd.s32 $0xFFFFC000  }
0x45: {  	[spmem:s1] =	stream.indirect.scatter.add.f32 [tilespmem:s12], [sflag:$0x4], $0x80, s22, s13, $0xb8;
	[tilespmem:$0x1A800] =	vst v63  }
0x46: {  	_ =	swait.ge [sflag:s16], $0x4000  }
0x47: {  	[sflag:s16] =	ssyncset.done $0x0  }
0x48: {  	[sflag:s16] =	ssyncadd.s32 $0xFFFFC000  }
0x49: {  	_ =	swait.ge [sflag:s17], $0x4000  }
0x4a: {  	[sflag:s17] =	ssyncset.done $0x0  }
0x4b: {  	[sflag:s17] =	ssyncadd.s32 $0xFFFFC000  }
0x4c: {  	_ =	swait.ge [sflag:s18], $0x4000  }
0x4d: {  	[sflag:s18] =	ssyncset.done $0x0  }
0x4e: {  	[sflag:s18] =	ssyncadd.s32 $0xFFFFC000  }
0x4f: {  	_ =	swait.ge [sflag:s19], $0x4000  }
0x50: {  	s20 =	sadd.s32 $0x1, s20;
	[sflag:s19] =	ssyncset.done $0x0  }
0x51: {  	p0 =	sne.s32 s20, s9;
	[sflag:s19] =	ssyncadd.s32 $0xFFFFC000  }
.Ltmp1:
0x52: {  	[bflag:$0x0] =	sbarrier.arrive $0xFFFF;
	(pc) =	sbr.rel @p0 .LBB2_1-.Ltmp1, $4  }
0x53: {  	[hbm:s8], [sflag:s6] =	dma.local [spmem:s10], $0x2800  }
0x54: {  	_ =	swait.ge [sflag:s11], $0x2800  }
0x55: {  	[sflag:s11] =	ssyncset.done $0x0  }
0x56: {  	[sflag:s11] =	ssyncadd.s32 $0xFFFFD800  }
0x57: {  	_ =	sfence.sel $0x180000  }
0x58: {  	[bflag:$0x0] =	sbarrier.arrive $0xFFFF  }
0x59: {  	p0 =	sne.s32 s2, $0x0;
	_ =	strace $0x90000047  }
0x5a: {  	s0 =	sadd.s32 @!p0 $0x100000, s0;
	[bflag:$0x2] =	sbarrier.arrive $0xFFFF  }
0x5b: {  	[sflag:s0] =	ssyncadd.tile.s32 @!p0 $0x1;
	_ =	shalt  }
.Lfunc_end2:
_tile_overlayer_lowered:
.L_overlay_start_2:
0x5c: {  	(tag) =	ssettag $0x2  }
0x5d: {  	s0 =	rddreg [dreg:$0x0];
	s2 =	stileid.u32  }
0x5e: {  	s1 =	rddreg [dreg:$0x1];
	p0 =	sne.s32 s2, $0x0  }
0x5f: {  	s3 =	rddreg [dreg:$0x2];
	[bflag:$0x3] =	sbarrier.arrive $0xFFFF;
	s2 =	simm.s32 @!p0 $0x1C05  }
0x60: {  	[timem:s3], [sflag:s2] =	dma.local @!p0 [hbm:s0], s1  }
0x61: {  	s0 =	simm.s32 @!p0 $0x5  }
0x62: {  	_ =	swait.ge @!p0 [sflag:s0], s1  }
0x63: {  	s1 =	ssub.s32 @!p0 $0x0, s1;
	[sflag:s0] =	ssyncset.done @!p0 $0x0  }
0x64: {  	[sflag:s0] =	ssyncadd.s32 @!p0 s1  }
0x65: {  	[bflag:$0x3] =	sbarrier.arrive $0xFFFF  }
0x66: {  	_ =	shalt  }

// kernel: kernel.9.cloned.1.call-start
scs
__scs_entry_jumppad:
0x0: {  	(pc) =	sbr.rel $0x88, $3  }
0x1: {  	(tag) =	ssettag $0x0;
	lr =	simm.s32 $0x1  }
0x2: {  	[smem:$0x3F9F] =	sst lr;
	_ =	strace $0xD0000000  }
0x3: {  	_ = 	snop  }
0x4: {  	_ = 	snop  }
0x5: {  	_ = 	snop  }
0x6: {  	_ = 	snop  }
0x7: {  	_ = 	snop  }
__scs_overlays_trampoline_lowered:
0x8: {  	[smem:$0x3FAE] =	sst s0  }
0x9: {  	[smem:$0x3FAF] =	sst s1  }
0xa: {  	[smem:$0x3FB0] =	sst s2  }
0xb: {  	[smem:$0x3FB1] =	sst s3  }
0xc: {  	[smem:$0x3FB2] =	sst s4  }
0xd: {  	[smem:$0x3FB3] =	sst s5  }
0xe: {  	[smem:$0x3FB4] =	sst s6  }
0xf: {  	[smem:$0x3FB5] =	sst s7  }
0x10: {  	[smem:$0x3FB6] =	sst s8  }
0x11: {  	[smem:$0x3FB7] =	sst s9;
	s0 =	simm.s32 @!p0 $0x0  }
0x12: {  	s1 =	sld [smem:$0x3F9D];
	s0 =	simm.s32 @p0 $0x1  }
0x13: {  	[smem:$0x3FB8] =	sst s0;
	s0 =	simm.s32 @!p1 $0x0  }
0x14: {  	s2 =	sld [smem:$0x3F9C];
	s0 =	simm.s32 @p1 $0x1  }
0x15: {  	[smem:$0x3FB9] =	sst s0;
	s0 =	simm.s32 @!p2 $0x0  }
0x16: {  	s3 =	sld [smem:$0x3FDB];
	s0 =	simm.s32 @p2 $0x1  }
0x17: {  	s4 =	simm.s32 $0x1BF5;
	[smem:$0x3FBB] =	sst s0  }
0x18: {  	s0 =	sld [smem:$0x3F9E];
	_ =	swait.ge [sflag:s4], $0x0  }
0x19: {  	s7 =	sld [smem:$0x3F9F]  }
0x1a: {  	s8 =	sadd.s32 $0xFFFFE003, lr  }
0x1b: {  	s9 =	sadd.s32 $0xFFFFFEF7, lr;
	s5 =	simm.s32 $0xFFFFFFFF;
	p2 =	slt.u32 s8, $0xFFFFF086  }
0x1c: {  	p1 =	slt.u32 s9, $0xF7A;
	s5 =	simm.s32 @!p2 $0x0  }
0x1d: {  	s5 =	simm.s32 @p1 $0x1;
	p0 =	seq.s32 s7, s2  }
0x1e: {  	s7 =	smul.u32 @!p0 $0xF7A, s2;
	p2 =	seq.s32 @!p0 s5, $0x0  }
0x1f: {  	s9 =	smul.u32 $0xF7A, s1;
	s8 =	simm.s32 @!p0 $0x1BF5;
	p2 =	por !p2, p0  }
0x20: {  	[sflag:s8] =	ssyncset.s32 @!p0 $0xFFFFF086;
	s6 =	sadd.s32 @!p0 s3, s7;
	s7 =	simm.s32 @!p0 $0x108  }
0x21: {  	s3 =	sadd.s32 s3, s9;
	s6 =	sadd.s32 @!p0 $0x88, s6;
	s7 =	simm.s32 @p2 $0x1082  }
0x22: {  	[simem:s7], [sflag:s8] =	dma.local @!p0 [hbm:s6], $0xF7A  }
0x23: {  	s9 =	sor.u32 $0xD0000000, s2;
	s6 =	simm.s32 $0x108;
	_ =	swait.ge @!p0 [sflag:s8], $0x0  }
0x24: {  	s3 =	sadd.s32 $0x88, s3;
	s6 =	simm.s32 @!p1 $0x1082;
	[sflag:s4] =	ssyncset.s32 $0xFFFFF086  }
0x25: {  	[simem:s6], [sflag:s4] =	dma.local [hbm:s3], $0xF7A  }
0x26: {  	[smem:$0x3F9F] =	sst s1;
	(tag) =	ssettag s2;
	_ =	strace s9  }
0x27: {  	s1 =	sld [smem:$0x3FAF]  }
0x28: {  	s2 =	sld [smem:$0x3FB0]  }
0x29: {  	s4 =	sld [smem:$0x3FB2]  }
0x2a: {  	p0 =	seq.s32 s5, $0x0;
	s5 =	sld [smem:$0x3FB3]  }
0x2b: {  	s6 =	sld [smem:$0x3FB4]  }
0x2c: {  	s7 =	sld [smem:$0x3FB5]  }
0x2d: {  	s3 =	simm.s32 $0x108;
	s8 =	sld [smem:$0x3FB6]  }
0x2e: {  	s3 =	simm.s32 @!p0 $0x1082;
	s9 =	sld [smem:$0x3FB7]  }
0x2f: {  	lr =	sadd.s32 s0, s3;
	s0 =	sld [smem:$0x3FAE]  }
0x30: {  	s3 =	sld [smem:$0x3FB1]  }
0x31: {  	[smem:$0x3FBA] =	sst s10  }
0x32: {  	s10 =	sld [smem:$0x3FB8];
	_ =	sdelay $0x3  }
0x33: {  	p0 =	seq.s32 s10, $0x1;
	s10 =	sld [smem:$0x3FBA];
	_ =	sdelay $0x3  }
0x34: {  	[smem:$0x3FBA] =	sst s10  }
0x35: {  	s10 =	sld [smem:$0x3FB9];
	_ =	sdelay $0x3  }
0x36: {  	p1 =	seq.s32 s10, $0x1;
	s10 =	sld [smem:$0x3FBA];
	_ =	sdelay $0x3  }
0x37: {  	[smem:$0x3FBA] =	sst s10  }
0x38: {  	s10 =	sld [smem:$0x3FBB]  }
0x39: {  	_ = 	snop;
	(pc) =	sbr.ind lr, $3  }
0x3a: {  	_ = 	snop  }
0x3b: {  	_ = 	snop  }
0x3c: {  	p2 =	seq.s32 s10, $0x1;
	s10 =	sld [smem:$0x3FBA]  }
0x3d: {  	_ =	shalt  }
0x3e: {  	_ =	shalt  }
0x3f: {  	_ =	shalt  }
0x40: {  	_ =	shalt  }
0x41: {  	_ =	shalt  }
0x42: {  	_ =	shalt  }
0x43: {  	_ =	shalt  }
0x44: {  	_ =	shalt  }
0x45: {  	_ =	shalt  }
0x46: {  	_ =	shalt  }
0x47: {  	_ =	shalt  }
0x48: {  	_ =	shalt  }
0x49: {  	_ =	shalt  }
0x4a: {  	_ =	shalt  }
0x4b: {  	_ =	shalt  }
0x4c: {  	_ =	shalt  }
0x4d: {  	_ =	shalt  }
0x4e: {  	_ =	shalt  }
0x4f: {  	_ =	shalt  }
0x50: {  	_ =	shalt  }
0x51: {  	_ =	shalt  }
0x52: {  	_ =	shalt  }
0x53: {  	_ =	shalt  }
0x54: {  	_ =	shalt  }
0x55: {  	_ =	shalt  }
0x56: {  	_ =	shalt  }
0x57: {  	_ =	shalt  }
0x58: {  	_ =	shalt  }
0x59: {  	_ =	shalt  }
0x5a: {  	_ =	shalt  }
0x5b: {  	_ =	shalt  }
0x5c: {  	_ =	shalt  }
0x5d: {  	_ =	shalt  }
0x5e: {  	_ =	shalt  }
0x5f: {  	_ =	shalt  }
0x60: {  	_ =	shalt  }
0x61: {  	_ =	shalt  }
0x62: {  	_ =	shalt  }
0x63: {  	_ =	shalt  }
0x64: {  	_ =	shalt  }
0x65: {  	_ =	shalt  }
0x66: {  	_ =	shalt  }
0x67: {  	_ =	shalt  }
0x68: {  	_ =	shalt  }
0x69: {  	_ =	shalt  }
0x6a: {  	_ =	shalt  }
0x6b: {  	_ =	shalt  }
0x6c: {  	_ =	shalt  }
0x6d: {  	_ =	shalt  }
0x6e: {  	_ =	shalt  }
0x6f: {  	_ =	shalt  }
0x70: {  	_ =	shalt  }
0x71: {  	_ =	shalt  }
0x72: {  	_ =	shalt  }
0x73: {  	_ =	shalt  }
0x74: {  	_ =	shalt  }
0x75: {  	_ =	shalt  }
0x76: {  	_ =	shalt  }
0x77: {  	_ =	shalt  }
0x78: {  	_ =	shalt  }
0x79: {  	_ =	shalt  }
0x7a: {  	_ =	shalt  }
0x7b: {  	_ =	shalt  }
0x7c: {  	_ =	shalt  }
0x7d: {  	_ =	shalt  }
0x7e: {  	_ =	shalt  }
0x7f: {  	_ =	shalt  }
0x80: {  	_ =	shalt  }
0x81: {  	_ =	shalt  }
0x82: {  	_ =	shalt  }
0x83: {  	_ =	shalt  }
0x84: {  	_ =	shalt  }
0x85: {  	_ =	shalt  }
0x86: {  	_ =	shalt  }
0x87: {  	_ =	shalt  }
.Lfunc_end0:
.L_simem_size_0:
called_computation.1_lowered:
.L_overlay_start_0:
0x88: {  	s2 =	sld [smem:$0x3FD9]  }
0x89: {  	s3 =	sld [smem:$0x3FFE];
	_ =	sdelay $0x1  }
0x8a: {  	s1 =	srdreg.scid  }
0x8b: {  	s0 =	sand.u32 $0x1, s1  }
0x8c: {  	s17 =	sshll.u32 s0, $0xA;
	s2 =	sadd.s32 s3, s2  }
0x8d: {  	s2 =	sadd.s32 s2, s17  }
0x8e: {  	[smem:$0x3FC6] =	sst s2  }
0x8f: {  	_ = 	snop  }
0x90: {  	s2 =	sld [smem:$0x3FD0];
	(tm) =	ssettm $0x1  }
0x91: {  	s18 =	sld [smem:$0x3FFB];
	_ =	sdelay $0x3  }
0x92: {  	_ =	strace s18  }
0x93: {  	s3 =	sld [smem:$0x3FFC];
	_ =	sdelay $0x3  }
0x94: {  	_ =	strace s3  }
0x95: {  	s3 =	sld [smem:$0x3FFD];
	_ =	sdelay $0x3  }
0x96: {  	_ =	strace s3  }
0x97: {  	_ =	strace $0x8FFFFFFF  }
0x98: {  	s19 =	sld [smem:$0x3FDB];
	_ =	sdelay $0x1  }
0x99: {  	s4 =	simm.s32 $_scs_section_size  }
0x9a: {  	s5 =	simm.s32 $_size__tile_overlayer_lowered;
	s6 =	simm.s32 $_tile_overlayer_lowered  }
0x9b: {  	s22 =	simm.s32 $0x1BFF;
	s21 =	sshll.u32 s6, $0x1;
	s3 =	sadd.s32 s4, s19  }
0x9c: {  	s7 =	simm.s32 $0x0;
	s20 =	sshll.u32 s5, $0x1;
	s5 =	sadd.s32 s21, s3  }
0x9d: {  	[timem:s7], [sflag:s22] =	dma.local [hbm:s5], s20  }
0x9e: {  	_ =	swait.ge [sflag:s22], s20  }
0x9f: {  	s4 =	ssub.s32 $0x0, s20;
	[sflag:s22] =	ssyncset.done $0x0  }
0xa0: {  	[sflag:s22] =	ssyncadd.s32 s4;
	_ =	sdelay $0x1  }
0xa1: {  	s23 =	simm.s32 $0x1B8B  }
0xa2: {  	_ =	swait.ge [sflag:s23], $0x1  }
0xa3: {  	[sflag:s23] =	ssyncset.done $0x0  }
0xa4: {  	s25 =	simm.s32 $0x1B8E;
	s24 =	sld [smem:$0x3FFE];
	[sflag:s23] =	ssyncadd.s32 $0xFFFFFFFF  }
0xa5: {  	s26 =	simm.s32 $execute0_lowered;
	[smem:$0x3FD2] =	sst s25  }
0xa6: {  	s5 =	sshll.u32 s26, $0x1;
	_ =	strace $0x80000049;
	[dreg:$0x1] =	wrdreg $0xFFFFFFFF  }
0xa7: {  	s28 =	simm.s32 $_size_execute0_lowered;
	s3 =	sadd.s32 s3, s5;
	[dreg:$0x0] =	wrdreg $0x0  }
0xa8: {  	s5 =	sshll.u32 s28, $0x1;
	[dreg:$0x2] =	wrdreg s3  }
0xa9: {  	[dreg:$0x3] =	wrdreg s5  }
0xaa: {  	[dreg:$0x4] =	wrdreg $0xC0  }
0xab: {  	_ =	task [dreg:s7], $0x5FFFF  }
0xac: {  	[dreg:$0x1] =	wrdreg $0xFFFFFFFF  }
0xad: {  	[dreg:$0x0] =	wrdreg $0x60  }
0xae: {  	[dreg:$0x2] =	wrdreg s24  }
0xaf: {  	[dreg:$0x3] =	wrdreg s2  }
0xb0: {  	[dreg:$0x4] =	wrdreg $0xB8000  }
0xb1: {  	[dreg:$0x5] =	wrdreg $0x9  }
0xb2: {  	_ =	task.clear_ibuf [dreg:s7], $0x6FFFF;
	_ =	strace $0x90000049  }
0xb3: {  	s29 =	simm.s32 $0x9;
	_ =	strace $0x8000004B  }
0xb4: {  	_ =	swait.ge [sflag:s29], $0x1  }
0xb5: {  	[sflag:s29] =	ssyncadd.s32 $0xFFFFFFFF  }
0xb6: {  	_ =	strace $0x9000004B  }
0xb7: {  	_ =	sfence  }
0xb8: {  	s30 =	sld [smem:$0x0];
	_ =	sdelay $0x2  }
0xb9: {  	s31 =	sshll.u32 s1, $0xD;
	s1 =	sshrl.u32 s1, $0x2  }
0xba: {  	s3 =	sand.u32 $0x4000, s31;
	s1 =	sadd.s32 s1, s30  }
0xbb: {  	s0 =	sor.u32 s3, s0;
	s1 =	sshll.u32 s1, $0x11  }
0xbc: {  	s0 =	sor.u32 s1, s0  }
0xbd: {  	s0 =	sadd.s32 $0x8F2B, s0  }
0xbe: {  	[sflag:s0] =	ssyncadd.remote.s32 $0x1  }
0xbf: {  	_ =	sfence.sel $0xFFFF  }
0xc0: {  	[dreg:$0x0] =	wrdreg $0xFFFFFFFF;
	(pc) =	sbr.abs _section_cstart, $3  }
0xc1: {  	[dreg:$0x1] =	wrdreg $0xFFFFFFFF  }
0xc2: {  	_ =	task.clear_ibuf [dreg:s7], $0x2FFFF;
	_ =	strace $0x9FFFFFFF  }
0xc3: {  	(tm) =	ssettm $0x7FFFFFFF  }
tec
execute0_lowered:
.L_overlay_start_1:
0x0: {  	(tag) =	ssettag $0x1  }
0x1: {  	s0 =	rddreg [dreg:$0x0]  }
0x2: {  	s2 =	rddreg [dreg:$0x1]  }
0x3: {  	s1 =	rddreg [dreg:$0x2];
	s4 =	simm.s32 $0x0  }
0x4: {  	s3 =	srdreg.scid;
	s11 =	stileid.u32;
	s14 =	simm.s32 $0xB  }
0x5: {  	s16 =	simm.s32 $0x20;
	s28 =	simm.s32 $0x8800;
	s30 =	simm.s32 $0x9800  }
0x6: {  	s12 =	simm.s32 $0x6;
	s13 =	simm.s32 $0x8;
	s6 =	smul.u32 $0x14000, s11  }
0x7: {  	s31 =	simm.s32 $0xA;
	[smem:$0x7FF] =	sst s4;
	s19 =	smul.u32 $0x50000, s11  }
0x8: {  	s3 =	sand.u32 $0x1, s3;
	s4 =	sadd.s32 $0x7BE00, s0;
	s21 =	smul.u32 $0xA000, s11  }
0x9: {  	s7 =	sadd.s32 $0x53E00, s0;
	s8 =	sadd.s32 $0x1600, s0;
	s5 =	smul.u32 $0x140000, s3  }
0xa: {  	_ =	strace $0x8000004A;
	[dreg:$0x4] =	wrdreg s8;
	s17 =	sshll.u32 s3, $0x4  }
0xb: {  	s9 =	ssub.s32 $0x2, s3;
	s3 =	smul.u32 $0xA0000, s3;
	s18 =	sor.u32 s11, s17  }
0xc: {  	s20 =	sshrl.u32 s9, $0x1;
	s8 =	sshrl.u32 s19, $0x2;
	s11 =	sshll.u32 s11, $0x6  }
0xd: {  	s17 =	simm.s32 $0x3800;
	s19 =	simm.s32 $0x4800;
	s10 =	smul.u32 $0x500, s18  }
0xe: {  	s5 =	sadd.s32 s6, s5;
	s8 =	sadd.s32 s8, s1;
	s6 =	smul.u32 $0x1400, s18  }
0xf: {  	s15 =	sor.u32 $0x1C0B, s11;
	s22 =	sadd.s32 s21, s3;
	s21 =	simm.s32 $0x5800  }
0x10: {  	s18 =	simm.s32 $0x1;
	s11 =	simm.s32 $0x5;
	s5 =	sshrl.u32 s5, $0x3  }
0x11: {  	s24 =	sor.u32 $0x1000, s22;
	s8 =	sshrl.u32 s8, $0x3;
	[dreg:$0x5] =	wrdreg s15  }
0x12: {  	s0 =	sadd.s32 s5, s0;
	s5 =	ssub.s32 s9, s20;
	s2 =	sadd.s32 s2, s10  }
0x13: {  	s23 =	sadd.s32 s7, s6;
	s25 =	sshrl.u32 s24, $0x3;
	[dreg:$0xc] =	wrdreg s8  }
0x14: {  	s20 =	simm.s32 $0x2;
	s6 =	simm.s32 $0x7;
	[dreg:$0x6] =	wrdreg s2  }
0x15: {  	s9 =	simm.s32 $0x0;
	[dreg:$0x7] =	wrdreg s23;
	s2 =	sor.u32 $0x800, s22  }
0x16: {  	s0 =	sadd.s32 $0xA3E00, s0;
	s26 =	smax.u32 s5, $0x1;
	s23 =	simm.s32 $0x6800  }
.Ltmp0:
0x17: {  	s22 =	simm.s32 $0x3;
	[dreg:$0x8] =	wrdreg s0;
	(pc) =	sbr.rel .LBB2_1-.Ltmp0, $4  }
0x18: {  	s5 =	simm.s32 $0x4;
	s2 =	sshrl.u32 s2, $0x3;
	[dreg:$0x9] =	wrdreg s26  }
0x19: {  	s0 =	sadd.s32 s25, s7;
	s25 =	simm.s32 $0x7800;
	s26 =	simm.s32 $0x0  }
0x1a: {  	[dreg:$0xa] =	wrdreg s0;
	s29 =	sadd.s32 s2, s7;
	s0 =	simm.s32 $0xA800  }
0x1b: {  	s2 =	simm.s32 $0x3000;
	s7 =	simm.s32 $0x80;
	[dreg:$0xb] =	wrdreg s29  }
.LBB2_4:
0x1c: {  	[bflag:$0x0] =	sbarrier.arrive $0xFFFF  }
0x1d: {  	s15 =	rddreg [dreg:$0x5]  }
0x1e: {  	s3 =	rddreg [dreg:$0x8]  }
0x1f: {  	s8 =	rddreg [dreg:$0xc]  }
0x20: {  	[hbm:s3], [sflag:s15] =	dma.local [spmem:s8], $0x2800  }
0x21: {  	_ =	swait.ge [sflag:s14], $0x2800  }
0x22: {  	s9 =	rddreg [dreg:$0xd]  }
0x23: {  	s29 =	rddreg [dreg:$0x9];
	s9 =	sadd.s32 $0x1, s9  }
0x24: {  	p0 =	sne.s32 s9, s29  }
.Ltmp1:
0x25: {  	_ = 	snop;
	(pc) =	sbr.rel @!p0 .LBB2_5-.Ltmp1, $3  }
0x26: {  	_ =	sdelay $0x1  }
0x27: {  	[sflag:s14] =	ssyncset.done $0x0  }
0x28: {  	[sflag:s14] =	ssyncadd.s32 $0xFFFFD800  }
.LBB2_1:
0x29: {  	[dreg:$0xd] =	wrdreg s9  }
0x2a: {  	s3 =	rddreg [dreg:$0x4]  }
0x2b: {  	[spmem:s8], [sflag:s15] =	dma.local [hbm:s3], $0x2800  }
0x2c: {  	_ =	swait.ge [sflag:s14], $0x2800  }
0x2d: {  	[sflag:s14] =	ssyncset.done $0x0  }
0x2e: {  	s15 =	simm.s32 $0x0;
	s24 =	rddreg [dreg:$0x6];
	[sflag:s14] =	ssyncadd.s32 $0xFFFFD800  }
0x2f: {  	[tilespmem:s15], [sflag:$0xB] =	stream.linear.gather [hbm4b:s24+s15], $0x2800, $0x38;
	[tilespmem:$0x1F800] =	vst v63  }
0x30: {  	_ =	swait.ge [sflag:s14], $0x2800  }
0x31: {  	[sflag:s14] =	ssyncset.done $0x0  }
0x32: {  	s10 =	simm.s32 $0x2800;
	s9 =	rddreg [dreg:$0x7];
	[sflag:s14] =	ssyncadd.s32 $0xFFFFD800  }
0x33: {  	[tilespmem:s10], [sflag:$0xB] =	stream.linear.gather [hbm4b:s9+s15], $0x800, $0x38;
	[tilespmem:$0x1F800] =	vst v63  }
0x34: {  	_ =	swait.ge [sflag:s14], $0x800  }
0x35: {  	[sflag:s14] =	ssyncset.done $0x0  }
0x36: {  	[sflag:s14] =	ssyncadd.s32 $0xFFFFF800  }
0x37: {  	[bflag:$0x0] =	sbarrier.arrive $0xFFFF  }
0x38: {  	[tilespmem:s17], [sflag:$0x1] =	stream.indirect.gather [hbm4b:s4+s16], $0x80, s10, s16, $0xb8;
	[tilespmem:$0x1F800] =	vst v63  }
0x39: {  	s15 =	simm.s32 $0x2880  }
0x3a: {  	[tilespmem:s19], [sflag:$0x2] =	stream.indirect.gather [hbm4b:s4+s16], $0x80, s15, s16, $0xb8;
	[tilespmem:$0x1F800] =	vst v63  }
0x3b: {  	s24 =	simm.s32 $0x2900  }
0x3c: {  	[tilespmem:s21], [sflag:$0x3] =	stream.indirect.gather [hbm4b:s4+s16], $0x80, s24, s16, $0xb8;
	[tilespmem:$0x1F800] =	vst v63  }
0x3d: {  	s8 =	simm.s32 $0x2980  }
0x3e: {  	[tilespmem:s23], [sflag:$0x4] =	stream.indirect.gather [hbm4b:s4+s16], $0x80, s8, s16, $0xb8;
	[tilespmem:$0x1F800] =	vst v63  }
0x3f: {  	s9 =	simm.s32 $0x2A00  }
0x40: {  	[tilespmem:s25], [sflag:$0x5] =	stream.indirect.gather [hbm4b:s4+s16], $0x80, s9, s16, $0xb8;
	[tilespmem:$0x1F800] =	vst v63  }
0x41: {  	s10 =	simm.s32 $0x2A80  }
0x42: {  	[tilespmem:s28], [sflag:$0x6] =	stream.indirect.gather [hbm4b:s4+s16], $0x80, s10, s16, $0xb8;
	[tilespmem:$0x1F800] =	vst v63  }
0x43: {  	s29 =	rddreg [dreg:$0xb];
	s15 =	simm.s32 $0x2B00  }
0x44: {  	[tilespmem:s30], [sflag:$0x7] =	stream.indirect.gather [hbm4b:s4+s16], $0x80, s15, s16, $0xb8;
	[tilespmem:$0x1F800] =	vst v63  }
0x45: {  	s24 =	simm.s32 $0x2B80;
	s8 =	rddreg [dreg:$0xa];
	s9 =	simm.s32 $0x0  }
0x46: {  	[tilespmem:s0], [sflag:$0x8] =	stream.indirect.gather [hbm4b:s4+s16], $0x80, s24, s16, $0xb8;
	[tilespmem:$0x1F800] =	vst v63  }
.LBB2_2:
0x47: {  	[tilespmem:s2], [sflag:$0xA] =	stream.linear.gather [hbm4b:s29+s26], $0x800, $0x38;
	[tilespmem:$0x1F800] =	vst v63  }
0x48: {  	_ =	swait.ge [sflag:s18], $0x1000  }
0x49: {  	[sflag:s18] =	ssyncset.done $0x0  }
0x4a: {  	[sflag:s18] =	ssyncadd.s32 $0xFFFFF000  }
0x4b: {  	_ =	swait.ge [sflag:s20], $0x1000  }
0x4c: {  	[sflag:s20] =	ssyncset.done $0x0  }
0x4d: {  	[sflag:s20] =	ssyncadd.s32 $0xFFFFF000  }
0x4e: {  	_ =	swait.ge [sflag:s22], $0x1000  }
0x4f: {  	[sflag:s22] =	ssyncset.done $0x0  }
0x50: {  	[sflag:s22] =	ssyncadd.s32 $0xFFFFF000  }
0x51: {  	_ =	swait.ge [sflag:s5], $0x1000  }
0x52: {  	[sflag:s5] =	ssyncset.done $0x0  }
0x53: {  	s10 =	sshra.s32 s9, $0x2;
	[sflag:s5] =	ssyncadd.s32 $0xFFFFF000  }
0x54: {  	[spmem:s1] =	stream.indirect.scatter.add.f32 [tilespmem:s17], [sflag:$0xB], $0x80, s10, s7, $0xb8;
	[tilespmem:$0x1F800] =	vst v63  }
0x55: {  	_ =	swait.ge [sflag:s14], $0x4000  }
0x56: {  	[sflag:s14] =	ssyncset.done $0x0  }
0x57: {  	s3 =	simm.s32 $0x2C00;
	[sflag:s14] =	ssyncadd.s32 $0xFFFFC000  }
0x58: {  	[tilespmem:s17], [sflag:$0x1] =	stream.indirect.gather [hbm4b:s4+s16], $0x80, s3, s16, $0xb8;
	[tilespmem:$0x1F800] =	vst v63  }
0x59: {  	s24 =	simm.s32 $0x2C80  }
0x5a: {  	[tilespmem:s19], [sflag:$0x2] =	stream.indirect.gather [hbm4b:s4+s16], $0x80, s24, s16, $0xb8;
	[tilespmem:$0x1F800] =	vst v63  }
0x5b: {  	s15 =	simm.s32 $0x2D00  }
0x5c: {  	[tilespmem:s21], [sflag:$0x3] =	stream.indirect.gather [hbm4b:s4+s16], $0x80, s15, s16, $0xb8;
	[tilespmem:$0x1F800] =	vst v63  }
0x5d: {  	s24 =	simm.s32 $0x2D80  }
0x5e: {  	[tilespmem:s23], [sflag:$0x4] =	stream.indirect.gather [hbm4b:s4+s16], $0x80, s24, s16, $0xb8;
	[tilespmem:$0x1F800] =	vst v63  }
0x5f: {  	_ =	swait.ge [sflag:s11], $0x1000  }
0x60: {  	[sflag:s11] =	ssyncset.done $0x0  }
0x61: {  	[sflag:s11] =	ssyncadd.s32 $0xFFFFF000  }
0x62: {  	_ =	swait.ge [sflag:s12], $0x1000  }
0x63: {  	[sflag:s12] =	ssyncset.done $0x0  }
0x64: {  	[sflag:s12] =	ssyncadd.s32 $0xFFFFF000  }
0x65: {  	_ =	swait.ge [sflag:s6], $0x1000  }
0x66: {  	[sflag:s6] =	ssyncset.done $0x0  }
0x67: {  	[sflag:s6] =	ssyncadd.s32 $0xFFFFF000  }
0x68: {  	_ =	swait.ge [sflag:s13], $0x1000  }
0x69: {  	[sflag:s13] =	ssyncset.done $0x0  }
0x6a: {  	s15 =	sadd.s32 $0x80, s10;
	[sflag:s13] =	ssyncadd.s32 $0xFFFFF000  }
0x6b: {  	[spmem:s1] =	stream.indirect.scatter.add.f32 [tilespmem:s25], [sflag:$0xB], $0x80, s15, s7, $0xb8;
	[tilespmem:$0x1F800] =	vst v63  }
0x6c: {  	_ =	swait.ge [sflag:s14], $0x4000  }
0x6d: {  	[sflag:s14] =	ssyncset.done $0x0  }
0x6e: {  	s15 =	simm.s32 $0x2E00;
	[sflag:s14] =	ssyncadd.s32 $0xFFFFC000  }
0x6f: {  	[tilespmem:s25], [sflag:$0x5] =	stream.indirect.gather [hbm4b:s4+s16], $0x80, s15, s16, $0xb8;
	[tilespmem:$0x1F800] =	vst v63  }
0x70: {  	s24 =	simm.s32 $0x2E80  }
0x71: {  	[tilespmem:s28], [sflag:$0x6] =	stream.indirect.gather [hbm4b:s4+s16], $0x80, s24, s16, $0xb8;
	[tilespmem:$0x1F800] =	vst v63  }
0x72: {  	s15 =	simm.s32 $0x2F00  }
0x73: {  	[tilespmem:s30], [sflag:$0x7] =	stream.indirect.gather [hbm4b:s4+s16], $0x80, s15, s16, $0xb8;
	[tilespmem:$0x1F800] =	vst v63  }
0x74: {  	s24 =	simm.s32 $0x2F80  }
0x75: {  	[tilespmem:s0], [sflag:$0x8] =	stream.indirect.gather [hbm4b:s4+s16], $0x80, s24, s16, $0xb8;
	[tilespmem:$0x1F800] =	vst v63  }
0x76: {  	_ =	swait.ge [sflag:s31], $0x800  }
0x77: {  	[sflag:s31] =	ssyncset.done $0x0  }
0x78: {  	[sflag:s31] =	ssyncadd.s32 $0xFFFFF800  }
0x79: {  	_ =	swait.ge [sflag:s18], $0x1000  }
0x7a: {  	[sflag:s18] =	ssyncset.done $0x0  }
0x7b: {  	[sflag:s18] =	ssyncadd.s32 $0xFFFFF000  }
0x7c: {  	_ =	swait.ge [sflag:s20], $0x1000  }
0x7d: {  	[sflag:s20] =	ssyncset.done $0x0  }
0x7e: {  	[sflag:s20] =	ssyncadd.s32 $0xFFFFF000  }
0x7f: {  	_ =	swait.ge [sflag:s22], $0x1000  }
0x80: {  	[sflag:s22] =	ssyncset.done $0x0  }
0x81: {  	[sflag:s22] =	ssyncadd.s32 $0xFFFFF000  }
0x82: {  	_ =	swait.ge [sflag:s5], $0x1000  }
0x83: {  	[sflag:s5] =	ssyncset.done $0x0  }
0x84: {  	s3 =	sadd.s32 $0x100, s10;
	[sflag:s5] =	ssyncadd.s32 $0xFFFFF000  }
0x85: {  	[spmem:s1] =	stream.indirect.scatter.add.f32 [tilespmem:s17], [sflag:$0xB], $0x80, s3, s7, $0xb8;
	[tilespmem:$0x1F800] =	vst v63  }
0x86: {  	_ =	swait.ge [sflag:s14], $0x4000  }
0x87: {  	[sflag:s14] =	ssyncset.done $0x0  }
0x88: {  	[sflag:s14] =	ssyncadd.s32 $0xFFFFC000  }
0x89: {  	[tilespmem:s17], [sflag:$0x1] =	stream.indirect.gather [hbm4b:s4+s16], $0x80, s2, s16, $0xb8;
	[tilespmem:$0x1F800] =	vst v63  }
0x8a: {  	s24 =	simm.s32 $0x3080  }
0x8b: {  	[tilespmem:s19], [sflag:$0x2] =	stream.indirect.gather [hbm4b:s4+s16], $0x80, s24, s16, $0xb8;
	[tilespmem:$0x1F800] =	vst v63  }
0x8c: {  	s15 =	simm.s32 $0x3100  }
0x8d: {  	[tilespmem:s21], [sflag:$0x3] =	stream.indirect.gather [hbm4b:s4+s16], $0x80, s15, s16, $0xb8;
	[tilespmem:$0x1F800] =	vst v63  }
0x8e: {  	s24 =	simm.s32 $0x3180  }
0x8f: {  	[tilespmem:s23], [sflag:$0x4] =	stream.indirect.gather [hbm4b:s4+s16], $0x80, s24, s16, $0xb8;
	[tilespmem:$0x1F800] =	vst v63  }
0x90: {  	_ =	swait.ge [sflag:s11], $0x1000  }
0x91: {  	[sflag:s11] =	ssyncset.done $0x0  }
0x92: {  	[sflag:s11] =	ssyncadd.s32 $0xFFFFF000  }
0x93: {  	_ =	swait.ge [sflag:s12], $0x1000  }
0x94: {  	[sflag:s12] =	ssyncset.done $0x0  }
0x95: {  	[sflag:s12] =	ssyncadd.s32 $0xFFFFF000  }
0x96: {  	_ =	swait.ge [sflag:s6], $0x1000  }
0x97: {  	[sflag:s6] =	ssyncset.done $0x0  }
0x98: {  	[sflag:s6] =	ssyncadd.s32 $0xFFFFF000  }
0x99: {  	_ =	swait.ge [sflag:s13], $0x1000  }
0x9a: {  	[sflag:s13] =	ssyncset.done $0x0  }
0x9b: {  	s3 =	sadd.s32 $0x180, s10;
	[sflag:s13] =	ssyncadd.s32 $0xFFFFF000  }
0x9c: {  	[spmem:s1] =	stream.indirect.scatter.add.f32 [tilespmem:s25], [sflag:$0xB], $0x80, s3, s7, $0xb8;
	[tilespmem:$0x1F800] =	vst v63  }
0x9d: {  	_ =	swait.ge [sflag:s14], $0x4000  }
0x9e: {  	[sflag:s14] =	ssyncset.done $0x0  }
0x9f: {  	s24 =	simm.s32 $0x3200;
	[sflag:s14] =	ssyncadd.s32 $0xFFFFC000  }
0xa0: {  	[tilespmem:s25], [sflag:$0x5] =	stream.indirect.gather [hbm4b:s4+s16], $0x80, s24, s16, $0xb8;
	[tilespmem:$0x1F800] =	vst v63  }
0xa1: {  	s15 =	simm.s32 $0x3280  }
0xa2: {  	[tilespmem:s28], [sflag:$0x6] =	stream.indirect.gather [hbm4b:s4+s16], $0x80, s15, s16, $0xb8;
	[tilespmem:$0x1F800] =	vst v63  }
0xa3: {  	s24 =	simm.s32 $0x3300  }
0xa4: {  	[tilespmem:s30], [sflag:$0x7] =	stream.indirect.gather [hbm4b:s4+s16], $0x80, s24, s16, $0xb8;
	[tilespmem:$0x1F800] =	vst v63  }
0xa5: {  	p0 =	seq.s32 s9, $0x9000;
	s15 =	simm.s32 $0x3380  }
0xa6: {  	[tilespmem:s0], [sflag:$0x8] =	stream.indirect.gather [hbm4b:s4+s16], $0x80, s15, s16, $0xb8;
	[tilespmem:$0x1F800] =	vst v63  }
0xa7: {  	s3 =	simm.s32 @!p0 $0x0;
	s15 =	simm.s32 @!p0 $0x2800  }
0xa8: {  	[tilespmem:s15], [sflag:$0x9] =	stream.linear.gather @!p0 [hbm4b:s8+s3], $0x800, $0x38;
	[tilespmem:$0x1F800] =	vst v63  }
0xa9: {  	_ =	swait.ge [sflag:s18], $0x1000  }
0xaa: {  	[sflag:s18] =	ssyncset.done $0x0  }
0xab: {  	[sflag:s18] =	ssyncadd.s32 $0xFFFFF000  }
0xac: {  	_ =	swait.ge [sflag:s20], $0x1000  }
0xad: {  	[sflag:s20] =	ssyncset.done $0x0  }
0xae: {  	[sflag:s20] =	ssyncadd.s32 $0xFFFFF000  }
0xaf: {  	_ =	swait.ge [sflag:s22], $0x1000  }
0xb0: {  	[sflag:s22] =	ssyncset.done $0x0  }
0xb1: {  	[sflag:s22] =	ssyncadd.s32 $0xFFFFF000  }
0xb2: {  	_ =	swait.ge [sflag:s5], $0x1000  }
0xb3: {  	[sflag:s5] =	ssyncset.done $0x0  }
0xb4: {  	s24 =	sadd.s32 $0x200, s10;
	[sflag:s5] =	ssyncadd.s32 $0xFFFFF000  }
0xb5: {  	[spmem:s1] =	stream.indirect.scatter.add.f32 [tilespmem:s17], [sflag:$0xB], $0x80, s24, s7, $0xb8;
	[tilespmem:$0x1F800] =	vst v63  }
0xb6: {  	_ =	swait.ge [sflag:s14], $0x4000  }
0xb7: {  	[sflag:s14] =	ssyncset.done $0x0  }
0xb8: {  	s24 =	simm.s32 $0x3400;
	[sflag:s14] =	ssyncadd.s32 $0xFFFFC000  }
0xb9: {  	[tilespmem:s17], [sflag:$0x1] =	stream.indirect.gather [hbm4b:s4+s16], $0x80, s24, s16, $0xb8;
	[tilespmem:$0x1F800] =	vst v63  }
0xba: {  	s24 =	simm.s32 $0x3480  }
0xbb: {  	[tilespmem:s19], [sflag:$0x2] =	stream.indirect.gather [hbm4b:s4+s16], $0x80, s24, s16, $0xb8;
	[tilespmem:$0x1F800] =	vst v63  }
0xbc: {  	s24 =	simm.s32 $0x3500  }
0xbd: {  	[tilespmem:s21], [sflag:$0x3] =	stream.indirect.gather [hbm4b:s4+s16], $0x80, s24, s16, $0xb8;
	[tilespmem:$0x1F800] =	vst v63  }
0xbe: {  	s24 =	simm.s32 $0x3580  }
0xbf: {  	[tilespmem:s23], [sflag:$0x4] =	stream.indirect.gather [hbm4b:s4+s16], $0x80, s24, s16, $0xb8;
	[tilespmem:$0x1F800] =	vst v63  }
0xc0: {  	_ =	swait.ge [sflag:s11], $0x1000  }
0xc1: {  	[sflag:s11] =	ssyncset.done $0x0  }
0xc2: {  	[sflag:s11] =	ssyncadd.s32 $0xFFFFF000  }
0xc3: {  	_ =	swait.ge [sflag:s12], $0x1000  }
0xc4: {  	[sflag:s12] =	ssyncset.done $0x0  }
0xc5: {  	[sflag:s12] =	ssyncadd.s32 $0xFFFFF000  }
0xc6: {  	_ =	swait.ge [sflag:s6], $0x1000  }
0xc7: {  	[sflag:s6] =	ssyncset.done $0x0  }
0xc8: {  	[sflag:s6] =	ssyncadd.s32 $0xFFFFF000  }
0xc9: {  	_ =	swait.ge [sflag:s13], $0x1000  }
0xca: {  	[sflag:s13] =	ssyncset.done $0x0  }
0xcb: {  	s24 =	sadd.s32 $0x280, s10;
	[sflag:s13] =	ssyncadd.s32 $0xFFFFF000  }
0xcc: {  	[spmem:s1] =	stream.indirect.scatter.add.f32 [tilespmem:s25], [sflag:$0xB], $0x80, s24, s7, $0xb8;
	[tilespmem:$0x1F800] =	vst v63  }
0xcd: {  	_ =	swait.ge [sflag:s14], $0x4000  }
0xce: {  	[sflag:s14] =	ssyncset.done $0x0  }
0xcf: {  	s24 =	simm.s32 $0x3600;
	[sflag:s14] =	ssyncadd.s32 $0xFFFFC000  }
0xd0: {  	[tilespmem:s25], [sflag:$0x5] =	stream.indirect.gather [hbm4b:s4+s16], $0x80, s24, s16, $0xb8;
	[tilespmem:$0x1F800] =	vst v63  }
0xd1: {  	s24 =	simm.s32 $0x3680  }
0xd2: {  	[tilespmem:s28], [sflag:$0x6] =	stream.indirect.gather [hbm4b:s4+s16], $0x80, s24, s16, $0xb8;
	[tilespmem:$0x1F800] =	vst v63  }
0xd3: {  	s24 =	simm.s32 $0x3700  }
0xd4: {  	[tilespmem:s30], [sflag:$0x7] =	stream.indirect.gather [hbm4b:s4+s16], $0x80, s24, s16, $0xb8;
	[tilespmem:$0x1F800] =	vst v63  }
0xd5: {  	s3 =	simm.s32 @!p0 $0x9;
	s24 =	simm.s32 $0x3780  }
0xd6: {  	[tilespmem:s0], [sflag:$0x8] =	stream.indirect.gather [hbm4b:s4+s16], $0x80, s24, s16, $0xb8;
	[tilespmem:$0x1F800] =	vst v63  }
0xd7: {  	_ =	swait.ge @!p0 [sflag:s3], $0x800  }
0xd8: {  	[sflag:s3] =	ssyncset.done @!p0 $0x0  }
0xd9: {  	[sflag:s3] =	ssyncadd.s32 @!p0 $0xFFFFF800  }
0xda: {  	_ =	swait.ge [sflag:s18], $0x1000  }
0xdb: {  	[sflag:s18] =	ssyncset.done $0x0  }
0xdc: {  	[sflag:s18] =	ssyncadd.s32 $0xFFFFF000  }
0xdd: {  	_ =	swait.ge [sflag:s20], $0x1000  }
0xde: {  	[sflag:s20] =	ssyncset.done $0x0  }
0xdf: {  	[sflag:s20] =	ssyncadd.s32 $0xFFFFF000  }
0xe0: {  	_ =	swait.ge [sflag:s22], $0x1000  }
0xe1: {  	[sflag:s22] =	ssyncset.done $0x0  }
0xe2: {  	[sflag:s22] =	ssyncadd.s32 $0xFFFFF000  }
0xe3: {  	_ =	swait.ge [sflag:s5], $0x1000  }
0xe4: {  	[sflag:s5] =	ssyncset.done $0x0  }
0xe5: {  	s24 =	sadd.s32 $0x300, s10;
	[sflag:s5] =	ssyncadd.s32 $0xFFFFF000  }
0xe6: {  	[spmem:s1] =	stream.indirect.scatter.add.f32 [tilespmem:s17], [sflag:$0xB], $0x80, s24, s7, $0xb8;
	[tilespmem:$0x1F800] =	vst v63  }
0xe7: {  	_ =	swait.ge [sflag:s14], $0x4000  }
0xe8: {  	[sflag:s14] =	ssyncset.done $0x0  }
0xe9: {  	s3 =	simm.s32 @!p0 $0x20;
	s24 =	simm.s32 @!p0 $0x3800;
	[sflag:s14] =	ssyncadd.s32 $0xFFFFC000  }
0xea: {  	[tilespmem:s24], [sflag:$0x1] =	stream.indirect.gather @!p0 [hbm4b:s4+s3], $0x80, s15, s3, $0xb8;
	[tilespmem:$0x1F800] =	vst v63  }
0xeb: {  	s15 =	simm.s32 @!p0 $0x2880;
	s24 =	simm.s32 @!p0 $0x4800  }
0xec: {  	[tilespmem:s24], [sflag:$0x2] =	stream.indirect.gather @!p0 [hbm4b:s4+s3], $0x80, s15, s3, $0xb8;
	[tilespmem:$0x1F800] =	vst v63  }
0xed: {  	s15 =	simm.s32 @!p0 $0x2900;
	s24 =	simm.s32 @!p0 $0x5800  }
0xee: {  	[tilespmem:s24], [sflag:$0x3] =	stream.indirect.gather @!p0 [hbm4b:s4+s3], $0x80, s15, s3, $0xb8;
	[tilespmem:$0x1F800] =	vst v63  }
0xef: {  	s15 =	simm.s32 @!p0 $0x2980;
	s24 =	simm.s32 @!p0 $0x6800  }
0xf0: {  	[tilespmem:s24], [sflag:$0x4] =	stream.indirect.gather @!p0 [hbm4b:s4+s3], $0x80, s15, s3, $0xb8;
	[tilespmem:$0x1F800] =	vst v63  }
0xf1: {  	_ =	swait.ge [sflag:s11], $0x1000  }
0xf2: {  	[sflag:s11] =	ssyncset.done $0x0  }
0xf3: {  	[sflag:s11] =	ssyncadd.s32 $0xFFFFF000  }
0xf4: {  	_ =	swait.ge [sflag:s12], $0x1000  }
0xf5: {  	[sflag:s12] =	ssyncset.done $0x0  }
0xf6: {  	[sflag:s12] =	ssyncadd.s32 $0xFFFFF000  }
0xf7: {  	_ =	swait.ge [sflag:s6], $0x1000  }
0xf8: {  	[sflag:s6] =	ssyncset.done $0x0  }
0xf9: {  	[sflag:s6] =	ssyncadd.s32 $0xFFFFF000  }
0xfa: {  	_ =	swait.ge [sflag:s13], $0x1000  }
0xfb: {  	[sflag:s13] =	ssyncset.done $0x0  }
.Ltmp2:
0xfc: {  	s24 =	sadd.s32 $0x380, s10;
	[sflag:s13] =	ssyncadd.s32 $0xFFFFF000;
	(pc) =	sbr.rel @p0 .LBB2_4-.Ltmp2, $4  }
0xfd: {  	[spmem:s1] =	stream.indirect.scatter.add.f32 [tilespmem:s25], [sflag:$0xB], $0x80, s24, s7, $0xb8;
	[tilespmem:$0x1F800] =	vst v63  }
0xfe: {  	_ =	swait.ge [sflag:s14], $0x4000  }
0xff: {  	[sflag:s14] =	ssyncset.done $0x0  }
0x100: {  	[sflag:s14] =	ssyncadd.s32 $0xFFFFC000  }
0x101: {  	s3 =	simm.s32 $0x2A00  }
0x102: {  	[tilespmem:s25], [sflag:$0x5] =	stream.indirect.gather [hbm4b:s4+s16], $0x80, s3, s16, $0xb8;
	[tilespmem:$0x1F800] =	vst v63  }
0x103: {  	s10 =	simm.s32 $0x2A80  }
0x104: {  	[tilespmem:s28], [sflag:$0x6] =	stream.indirect.gather [hbm4b:s4+s16], $0x80, s10, s16, $0xb8;
	[tilespmem:$0x1F800] =	vst v63  }
.Ltmp3:
0x105: {  	_ = 	snop;
	(pc) =	sbr.rel .LBB2_2-.Ltmp3, $4  }
0x106: {  	s15 =	simm.s32 $0x2B00;
	s24 =	simm.s32 $0x2B80  }
0x107: {  	[tilespmem:s30], [sflag:$0x7] =	stream.indirect.gather [hbm4b:s4+s16], $0x80, s15, s16, $0xb8;
	[tilespmem:$0x1F800] =	vst v63  }
0x108: {  	s9 =	sadd.s32 $0x1000, s9;
	s8 =	sadd.s32 $0x200, s8;
	s29 =	sadd.s32 $0x200, s29  }
0x109: {  	[tilespmem:s0], [sflag:$0x8] =	stream.indirect.gather [hbm4b:s4+s16], $0x80, s24, s16, $0xb8;
	[tilespmem:$0x1F800] =	vst v63  }
.LBB2_5:
0x10a: {  	_ =	sfence.sel $0x180000  }
0x10b: {  	[bflag:$0x0] =	sbarrier.arrive $0xFFFF  }
0x10c: {  	_ =	strace $0x9000004A  }
0x10d: {  	s0 =	stileid.u32;
	[bflag:$0x2] =	sbarrier.arrive $0xFFFF  }
0x10e: {  	p0 =	sne.s32 s0, $0x0;
	s0 =	rddreg [dreg:$0x3]  }
0x10f: {  	s0 =	sadd.s32 @!p0 $0x100000, s0  }
0x110: {  	[sflag:s0] =	ssyncadd.tile.s32 @!p0 $0x1;
	_ =	shalt  }
.Lfunc_end2:
_tile_overlayer_lowered:
.L_overlay_start_2:
0x111: {  	(tag) =	ssettag $0x2  }
0x112: {  	s0 =	rddreg [dreg:$0x0];
	s2 =	stileid.u32  }
0x113: {  	s1 =	rddreg [dreg:$0x1];
	p0 =	sne.s32 s2, $0x0  }
0x114: {  	s3 =	rddreg [dreg:$0x2];
	[bflag:$0x3] =	sbarrier.arrive $0xFFFF;
	s2 =	simm.s32 @!p0 $0x1C0B  }
0x115: {  	[timem:s3], [sflag:s2] =	dma.local @!p0 [hbm:s0], s1  }
0x116: {  	s0 =	simm.s32 @!p0 $0xB  }
0x117: {  	_ =	swait.ge @!p0 [sflag:s0], s1  }
0x118: {  	s1 =	ssub.s32 @!p0 $0x0, s1;
	[sflag:s0] =	ssyncset.done @!p0 $0x0  }
0x119: {  	[sflag:s0] =	ssyncadd.s32 @!p0 s1  }
0x11a: {  	[bflag:$0x3] =	sbarrier.arrive $0xFFFF  }
0x11b: {  	_ =	shalt  }

</sc_bundles>
